<compile_context>
chip_gen: v7x
topology: tpu7x:2x2x1
jax: 0.10.2.dev20260603
libtpu: 0.0.44.dev20260713+nightly
codegen_flags: <defaults>
</compile_context>

<pallas_src>
import functools

import jax
import jax.numpy as jnp
from jax import lax
from jax.experimental import pallas as pl
from jax.experimental.pallas import tpu as pltpu
from jax.experimental.pallas import tpu_sc as plsc

N = 10000
E = 320000
B = 1024
D_EMB = 128

NC = 2
NS = 16
NW = NC * NS
EPT = E // NW
K = 80
NCH = EPT // K

_f32 = jnp.float32


def _mesh():
    return plsc.VectorSubcoreMesh(core_axis_name="c", subcore_axis_name="s")


def _flush(acc, out_hbm, c, s):
    r0 = 624
    last = N - (NS - 1) * r0

    @pl.when(s < NS - 1)
    def _():
        off = pl.multiple_of(s * r0, 8)
        pltpu.sync_copy(acc.at[pl.ds(off, r0)], out_hbm.at[c, pl.ds(off, r0)])

    @pl.when(s == NS - 1)
    def _():
        off = (NS - 1) * r0
        pltpu.sync_copy(acc.at[pl.ds(off, last)],
                        out_hbm.at[c, pl.ds(off, last)])


NP = 10240


def _make_deg_kernel(w):
    @functools.partial(
        pl.kernel,
        out_type=jax.ShapeDtypeStruct((NC, 2, NP, w), _f32),
        mesh=_mesh(),
        scratch_types=[
            pltpu.VMEM((NCH, K), jnp.int32),
            pltpu.VMEM((NCH, K), jnp.int32),
            pltpu.VMEM((K, w), _f32),
            pltpu.VMEM_SHARED((NP, w), _f32),
            pltpu.VMEM_SHARED((NP, w), _f32),
        ],
        compiler_params=pltpu.CompilerParams(use_tc_tiling_on_sc=False),
    )
    def deg(src_hbm, dst_hbm, z_hbm, pat_hbm, out_hbm,
            idx_s, idx_d, ones, acc_s, acc_d):
        c = lax.axis_index("c")
        s = lax.axis_index("s")
        wid = c * NS + s

        @pl.when(s == 0)
        def _():
            pltpu.sync_copy(z_hbm, acc_s)

        @pl.when(s == 1)
        def _():
            pltpu.sync_copy(z_hbm, acc_d)

        pltpu.sync_copy(pat_hbm, ones)
        pltpu.sync_copy(src_hbm.at[wid], idx_s)
        pltpu.sync_copy(dst_hbm.at[wid], idx_d)
        plsc.subcore_barrier()

        def step_s(j, carry):
            pltpu.sync_copy(ones, acc_s.at[idx_s.at[j]], add=True)
            return carry

        lax.fori_loop(0, NCH, step_s, 0)

        def step_d(j, carry):
            pltpu.sync_copy(ones, acc_d.at[idx_d.at[j]], add=True)
            return carry

        lax.fori_loop(0, NCH, step_d, 0)
        plsc.subcore_barrier()
        rows = NP // NS
        off = pl.multiple_of(s * rows, 8)
        pltpu.sync_copy(acc_s.at[pl.ds(off, rows)],
                        out_hbm.at[c, 0, pl.ds(off, rows)])
        pltpu.sync_copy(acc_d.at[pl.ds(off, rows)],
                        out_hbm.at[c, 1, pl.ds(off, rows)])

    return deg


_DEG_W = 8
_deg_kernel = _make_deg_kernel(_DEG_W)


_G = 5


def _mp_loop(y_sh, acc, idx_s, idx_d, bufs, gsem, ssem):
    def _wait_gather(b):
        pltpu.make_async_copy(y_sh.at[idx_s.at[0]], bufs[b], gsem[b]).wait()

    def _wait_scatter(b):
        pltpu.make_async_copy(bufs[b], acc.at[idx_d.at[0]], ssem[b]).wait()

    for b in range(_G - 1):
        pltpu.async_copy(y_sh.at[idx_s.at[b]], bufs[b], gsem[b])

    def group(t, carry):
        for b in range(_G):
            bm = (b + _G - 1) % _G
            m = _G * t + b + (_G - 1)
            if b == 0:
                @pl.when(t > 0)
                def _():
                    _wait_scatter(bm)

                pltpu.async_copy(y_sh.at[idx_s.at[m]], bufs[bm], gsem[bm])
            else:
                _wait_scatter(bm)

                @pl.when(m < NCH)
                def _():
                    pltpu.async_copy(y_sh.at[idx_s.at[m]], bufs[bm],
                                     gsem[bm])

            j = _G * t + b
            _wait_gather(b)
            pltpu.async_copy(bufs[b], acc.at[idx_d.at[j]], ssem[b],
                             add=True)
        return carry

    lax.fori_loop(0, NCH // _G, group, 0)
    _wait_scatter(_G - 1)


def _make_mp_kernel(d, pad_out):
    n_out = NP if pad_out else N

    @functools.partial(
        pl.kernel,
        out_type=jax.ShapeDtypeStruct((NC, n_out, d), _f32),
        mesh=_mesh(),
        scratch_types=(
            [pltpu.VMEM((NCH, K), jnp.int32)] * 2
            + [pltpu.VMEM((K, d), _f32)] * _G
            + [pltpu.VMEM_SHARED((N, d), _f32)]
            + [pltpu.VMEM_SHARED((n_out, d), _f32)]
            + [pltpu.SemaphoreType.DMA] * (2 * _G)
        ),
        compiler_params=pltpu.CompilerParams(use_tc_tiling_on_sc=False),
    )
    def mp(y_hbm, src_hbm, dst_hbm, z_hbm, out_hbm, idx_s, idx_d,
           b0, b1, b2, b3, b4, y_sh, acc,
           g0, g1, g2, g3, g4, s0, s1, s2, s3, s4):
        bufs = (b0, b1, b2, b3, b4)
        gsem = (g0, g1, g2, g3, g4)
        ssem = (s0, s1, s2, s3, s4)
        c = lax.axis_index("c")
        s = lax.axis_index("s")
        wid = c * NS + s

        @pl.when(s == 0)
        def _():
            pltpu.sync_copy(z_hbm, acc)

        rows = N // NS
        pltpu.sync_copy(y_hbm.at[pl.ds(s * rows, rows)],
                        y_sh.at[pl.ds(s * rows, rows)])
        pltpu.sync_copy(src_hbm.at[wid], idx_s)
        pltpu.sync_copy(dst_hbm.at[wid], idx_d)
        plsc.subcore_barrier()
        _mp_loop(y_sh, acc, idx_s, idx_d, bufs, gsem, ssem)
        plsc.subcore_barrier()
        if pad_out:
            orows = NP // NS
            off = pl.multiple_of(s * orows, 8)
            pltpu.sync_copy(acc.at[pl.ds(off, orows)],
                            out_hbm.at[c, pl.ds(off, orows)])
        else:
            _flush(acc, out_hbm, c, s)

    return mp


_mp32 = _make_mp_kernel(32, False)
_mp16p = _make_mp_kernel(16, True)


@functools.partial(
    pl.kernel,
    out_type=jax.ShapeDtypeStruct((NC, N, 16), _f32),
    mesh=_mesh(),
    scratch_types=(
        [pltpu.VMEM((NCH, K), jnp.int32)] * 2
        + [pltpu.VMEM((K, 16), _f32)] * _G
        + [pltpu.VMEM_SHARED((NP, 16), _f32)]
        + [pltpu.VMEM_SHARED((N, 16), _f32)]
        + [pltpu.VMEM((NP // NS, 16), _f32)] * 5
        + [pltpu.VMEM((16,), _f32)]
        + [pltpu.SemaphoreType.DMA] * (2 * _G)
    ),
    compiler_params=pltpu.CompilerParams(use_tc_tiling_on_sc=False),
)
def _mp16_fused(p_hbm, rsi_hbm, rso_hbm, b2_hbm, src_hbm, dst_hbm, z_hbm,
                out_hbm, idx_s, idx_d,
                b0, b1, b2, b3, b4, y_sh, acc, pa, pb, yv,
                rvi, rvo, b2v, g0, g1, g2, g3, g4, s0, s1, s2, s3, s4):
    bufs = (b0, b1, b2, b3, b4)
    gsem = (g0, g1, g2, g3, g4)
    ssem = (s0, s1, s2, s3, s4)
    c = lax.axis_index("c")
    s = lax.axis_index("s")
    wid = c * NS + s

    @pl.when(s == 0)
    def _():
        pltpu.sync_copy(z_hbm, acc)

    rows = NP // NS
    base = s * rows
    pltpu.sync_copy(p_hbm.at[0, pl.ds(base, rows)], pa)
    pltpu.sync_copy(p_hbm.at[1, pl.ds(base, rows)], pb)
    pltpu.sync_copy(rsi_hbm.at[pl.ds(base, rows)], rvi)
    pltpu.sync_copy(rso_hbm.at[pl.ds(base, rows)], rvo)
    pltpu.sync_copy(b2_hbm, b2v)
    pltpu.sync_copy(src_hbm.at[wid], idx_s)
    pltpu.sync_copy(dst_hbm.at[wid], idx_d)

    b2row = b2v[...]

    def nod(k, carry):
        yv[k] = jnp.maximum((pa[k] + pb[k]) * rvi[k] + b2row, 0.0) * rvo[k]
        return carry

    lax.fori_loop(0, rows, nod, 0)
    pltpu.sync_copy(yv, y_sh.at[pl.ds(base, rows)])
    plsc.subcore_barrier()
    _mp_loop(y_sh, acc, idx_s, idx_d, bufs, gsem, ssem)
    plsc.subcore_barrier()
    _flush(acc, out_hbm, c, s)


def _tc0_body(emb, w1, y1r_ref):
    y1r_ref[...] = jnp.dot(emb[...], w1[...], preferred_element_type=_f32)


def _tc1_body(dp, y1r, y1_ref, rso_ref, rsi_ref):
    d = dp[...]
    rso = lax.rsqrt(jnp.maximum((d[0, 0] + d[1, 0])[:, 0:1], 1.0))
    rsi = lax.rsqrt(jnp.maximum((d[0, 1] + d[1, 1])[:, 0:1], 1.0))
    rso_ref[...] = rso
    rsi_ref[...] = rsi
    y1_ref[...] = y1r[...] * rso[:N]


def _tc2_body(p, rsi, rso, b1, w2, y2_ref):
    h = jnp.maximum((p[0] + p[1]) * rsi[:N] + b1[...], 0.0)
    y2_ref[...] = jnp.dot(h * rso[:N], w2[...], preferred_element_type=_f32)


def _tc4_body(p, rsi, b3, w3, x, out_ref):
    agg = (p[0] + p[1]) * rsi[...]
    h = jnp.maximum(jnp.dot(agg, w3[...], preferred_element_type=_f32)
                    + b3[...], 0.0)
    z = lax.dot_general(h, x[...], (((1,), (1,)), ((), ())),
                        preferred_element_type=_f32)
    out_ref[...] = jax.nn.sigmoid(z)


def kernel(X, label_embeds, edge_index, W1, b1, W2, b2, W3, b3):
    src = edge_index[0].reshape(NW, NCH, K)
    dst = edge_index[1].reshape(NW, NCH, K)

    z32 = jnp.zeros((N, 32), _f32)
    z16 = jnp.zeros((N, 16), _f32)
    z16p = jnp.zeros((NP, 16), _f32)
    zw = jnp.zeros((NP, _DEG_W), _f32)
    pat = jnp.ones((K, _DEG_W), _f32)

    y1r = pl.pallas_call(
        _tc0_body, out_shape=jax.ShapeDtypeStruct((N, 32), _f32),
    )(label_embeds, W1)

    dp = _deg_kernel(src, dst, zw, pat)

    y1, rso, rsi = pl.pallas_call(
        _tc1_body,
        out_shape=(jax.ShapeDtypeStruct((N, 32), _f32),
                   jax.ShapeDtypeStruct((NP, 1), _f32),
                   jax.ShapeDtypeStruct((NP, 1), _f32)),
    )(dp, y1r)

    p = _mp32(y1, src, dst, z32)

    y2 = pl.pallas_call(
        _tc2_body, out_shape=jax.ShapeDtypeStruct((N, 16), _f32),
    )(p, rsi, rso, b1.reshape(1, 32), W2)

    p = _mp16p(y2, src, dst, z16p)

    p = _mp16_fused(p, jnp.broadcast_to(rsi, (NP, 16)),
                    jnp.broadcast_to(rso, (NP, 16)), b2, src, dst, z16)

    nb = N // 5
    out_t = pl.pallas_call(
        _tc4_body,
        grid=(5,),
        in_specs=[
            pl.BlockSpec((NC, nb, 16), lambda i: (0, i, 0)),
            pl.BlockSpec((nb, 1), lambda i: (i, 0)),
            pl.BlockSpec((1, D_EMB), lambda i: (0, 0)),
            pl.BlockSpec((16, D_EMB), lambda i: (0, 0)),
            pl.BlockSpec((B, D_EMB), lambda i: (0, 0)),
        ],
        out_specs=pl.BlockSpec((nb, B), lambda i: (i, 0)),
        out_shape=jax.ShapeDtypeStruct((N, B), _f32),
    )(p, rsi, b3.reshape(1, D_EMB), W3, X)
    return out_t.T

# --- scband reference (transcript-rebuilt; emitter-appended) ---
"""Pipeline reference for scband-mlgcn-51067161149734 (READ-ONLY COPY).

The authoritative reference and input builder live on the scoring server;
editing this copy changes nothing except your own understanding.
"""

import jax, jax.numpy as jnp
import numpy as np

N = 10000      # number of label nodes
E = 320000     # number of edges
D_EMB = 128    # label_embeds_dim
D_INS = 128    # ins_feat_dim
B = 1024       # instance batch


def _gcn_layer(x, src, dst, W, b):
    # DGL GraphConv with norm='both':
    # h_i = ( sum_{j->i} x_j / sqrt(d_out(j)) ) / sqrt(d_in(i)) @ W + b
    ones = jnp.ones(src.shape[0], dtype=x.dtype)
    deg_out = jnp.clip(jax.ops.segment_sum(ones, src, num_segments=N), 1.0)
    deg_in = jnp.clip(jax.ops.segment_sum(ones, dst, num_segments=N), 1.0)
    h = x * jax.lax.rsqrt(deg_out)[:, None]
    msg = h[src]                                   # gather over edges
    agg = jax.ops.segment_sum(msg, dst, num_segments=N)  # scatter-add
    agg = agg * jax.lax.rsqrt(deg_in)[:, None]
    return agg @ W + b


def setup_inputs(seed: int = 0) -> dict:
    key = jax.random.key(seed)
    ks = jax.random.split(key, 10)
    X = jax.random.normal(ks[0], (B, D_INS), dtype=jnp.float32)
    label_embeds = jax.random.normal(ks[1], (N, D_EMB), dtype=jnp.float32)
    edge_index = jax.random.randint(ks[2], (2, E), 0, N, dtype=jnp.int32)
    W1 = jax.random.normal(ks[3], (D_EMB, 32), dtype=jnp.float32) / np.sqrt(D_EMB)
    b1 = jnp.zeros((32,), dtype=jnp.float32)
    W2 = jax.random.normal(ks[4], (32, 16), dtype=jnp.float32) / np.sqrt(32.0)
    b2 = jnp.zeros((16,), dtype=jnp.float32)
    W3 = jax.random.normal(ks[5], (16, D_INS), dtype=jnp.float32) / np.sqrt(16.0)
    b3 = jnp.zeros((D_INS,), dtype=jnp.float32)
    return {"X": X, "label_embeds": label_embeds, "edge_index": edge_index,
            "W1": W1, "b1": b1, "W2": W2, "b2": b2, "W3": W3, "b3": b3}


def reference(X, label_embeds, edge_index, W1, b1, W2, b2, W3, b3):
    src = edge_index[0]
    dst = edge_index[1]
    h = jax.nn.relu(_gcn_layer(label_embeds, src, dst, W1, b1))
    h = jax.nn.relu(_gcn_layer(h, src, dst, W2, b2))
    h = jax.nn.relu(_gcn_layer(h, src, dst, W3, b3))   # [N, D_INS]
    # original does h.t() then X.mm(h): [B, D_INS] @ [D_INS, N] -> [B, N]
    return jax.nn.sigmoid(X @ h.T)

if __name__ == "__main__":
    import jax
    _d = setup_inputs()
    print(jax.jit(kernel)(*tuple(_d.values())))

</pallas_src>

<mosaic_0001>
#map = affine_map<(d0, d1) -> (0, 0)>
#map1 = affine_map<(d0, d1) -> (0, 0, 0)>
module attributes {stable_mosaic.version = 14 : i64} {
  func.func @mp(%arg0: i32, %arg1: i32, %arg2: memref<10000x16xf32, #tpu.memory_space<hbm>>, %arg3: memref<32x125x80xi32, #tpu.memory_space<hbm>>, %arg4: memref<32x125x80xi32, #tpu.memory_space<hbm>>, %arg5: memref<10240x16xf32, #tpu.memory_space<hbm>>, %arg6: memref<2x10240x16xf32, #tpu.memory_space<hbm>>, %arg7: memref<125x80xi32, #tpu.memory_space<vmem>>, %arg8: memref<125x80xi32, #tpu.memory_space<vmem>>, %arg9: memref<80x16xf32, #tpu.memory_space<vmem>>, %arg10: memref<80x16xf32, #tpu.memory_space<vmem>>, %arg11: memref<80x16xf32, #tpu.memory_space<vmem>>, %arg12: memref<80x16xf32, #tpu.memory_space<vmem>>, %arg13: memref<80x16xf32, #tpu.memory_space<vmem>>, %arg14: memref<10000x16xf32, #tpu.memory_space<vmem_shared>>, %arg15: memref<10240x16xf32, #tpu.memory_space<vmem_shared>>, %arg16: memref<!tpu.dma_semaphore, #tpu.memory_space<semaphore_mem>>, %arg17: memref<!tpu.dma_semaphore, #tpu.memory_space<semaphore_mem>>, %arg18: memref<!tpu.dma_semaphore, #tpu.memory_space<semaphore_mem>>, %arg19: memref<!tpu.dma_semaphore, #tpu.memory_space<semaphore_mem>>, %arg20: memref<!tpu.dma_semaphore, #tpu.memory_space<semaphore_mem>>, %arg21: memref<!tpu.dma_semaphore, #tpu.memory_space<semaphore_mem>>, %arg22: memref<!tpu.dma_semaphore, #tpu.memory_space<semaphore_mem>>, %arg23: memref<!tpu.dma_semaphore, #tpu.memory_space<semaphore_mem>>, %arg24: memref<!tpu.dma_semaphore, #tpu.memory_space<semaphore_mem>>, %arg25: memref<!tpu.dma_semaphore, #tpu.memory_space<semaphore_mem>>) attributes {dimension_semantics = [#tpu.dimension_semantics<core_parallel>, #tpu.dimension_semantics<subcore_parallel>], iteration_bounds = array<i64: 2, 16>, scalar_prefetch = 0 : i64, scratch_operands = 19 : i64, tpu.core_type = #tpu.core_type<sc_vector_subcore>, window_params = [{transform_indices = #map}, {transform_indices = #map1}, {transform_indices = #map1}, {transform_indices = #map}, {transform_indices = #map1}]} {
    %mul3A = arith.constant 16 : i32
    %mul3A_0 = arith.muli %arg0, %mul3A : i32
    %add3A = arith.addi %mul3A_0, %arg1 : i32
    %eq3A = arith.constant 0 : i32
    %eq3A_1 = arith.cmpi eq, %arg1, %eq3A : i32
    %convert_element_type3A = arith.extui %eq3A_1 : i1 to i32
    %cond3A = arith.constant 0 : i32
    %cond3A_2 = arith.cmpi ne, %convert_element_type3A, %cond3A : i32
    scf.if %cond3A_2 {
      "tpu.region"() ({
        %run_scoped3A = tpu.sem_alloc : memref<!tpu.dma_semaphore, #tpu.memory_space<semaphore_mem>>
        tpu.enqueue_dma source(%arg5 : memref<10240x16xf32, #tpu.memory_space<hbm>>) target(%arg15 : memref<10240x16xf32, #tpu.memory_space<vmem_shared>>) target_semaphore(%run_scoped3A : memref<!tpu.dma_semaphore, #tpu.memory_space<semaphore_mem>>)
        tpu.wait_dma2 semaphore(%run_scoped3A : memref<!tpu.dma_semaphore, #tpu.memory_space<semaphore_mem>>) src(%arg5 : memref<10240x16xf32, #tpu.memory_space<hbm>>) dst(%arg15 : memref<10240x16xf32, #tpu.memory_space<vmem_shared>>)
        tpu.yield
      }) : () -> ()
    } else {
    }
    %mul3A_3 = arith.constant 625 : i32
    %mul3A_4 = arith.muli %arg1, %mul3A_3 : i32
    %mul3A_5 = arith.constant 625 : i32
    %mul3A_6 = arith.muli %arg1, %mul3A_5 : i32
    "tpu.region"() ({
      %run_scoped3A = tpu.sem_alloc : memref<!tpu.dma_semaphore, #tpu.memory_space<semaphore_mem>>
      %dma_start3A_48 = arith.constant 0 : i32
      %dma_start3A_49 = tpu.memref_slice %arg14[%mul3A_6, %dma_start3A_48] : memref<10000x16xf32, #tpu.memory_space<vmem_shared>> -> memref<625x16xf32, #tpu.memory_space<vmem_shared>>
      %dma_start3A_50 = arith.constant 0 : i32
      %dma_start3A_51 = tpu.memref_slice %arg2[%mul3A_4, %dma_start3A_50] : memref<10000x16xf32, #tpu.memory_space<hbm>> -> memref<625x16xf32, #tpu.memory_space<hbm>>
      tpu.enqueue_dma source(%dma_start3A_51 : memref<625x16xf32, #tpu.memory_space<hbm>>) target(%dma_start3A_49 : memref<625x16xf32, #tpu.memory_space<vmem_shared>>) target_semaphore(%run_scoped3A : memref<!tpu.dma_semaphore, #tpu.memory_space<semaphore_mem>>)
      %dma_wait3A_52 = arith.constant 0 : i32
      %dma_wait3A_53 = tpu.memref_slice %arg14[%mul3A_6, %dma_wait3A_52] : memref<10000x16xf32, #tpu.memory_space<vmem_shared>> -> memref<625x16xf32, #tpu.memory_space<vmem_shared>>
      %dma_wait3A_54 = arith.constant 0 : i32
      %dma_wait3A_55 = tpu.memref_slice %arg2[%mul3A_4, %dma_wait3A_54] : memref<10000x16xf32, #tpu.memory_space<hbm>> -> memref<625x16xf32, #tpu.memory_space<hbm>>
      tpu.wait_dma2 semaphore(%run_scoped3A : memref<!tpu.dma_semaphore, #tpu.memory_space<semaphore_mem>>) src(%dma_wait3A_55 : memref<625x16xf32, #tpu.memory_space<hbm>>) dst(%dma_wait3A_53 : memref<625x16xf32, #tpu.memory_space<vmem_shared>>)
      tpu.yield
    }) : () -> ()
    "tpu.region"() ({
      %run_scoped3A = tpu.sem_alloc : memref<!tpu.dma_semaphore, #tpu.memory_space<semaphore_mem>>
      %dma_start3A_48 = arith.constant 0 : i32
      %dma_start3A_49 = arith.constant 0 : i32
      %dma_start3A_50 = tpu.memref_slice %arg3[%add3A, %dma_start3A_48, %dma_start3A_49] : memref<32x125x80xi32, #tpu.memory_space<hbm>> -> memref<1x125x80xi32, #tpu.memory_space<hbm>>
      %dma_start3A_51 = tpu.memref_squeeze %dma_start3A_50 : memref<1x125x80xi32, #tpu.memory_space<hbm>> -> memref<125x80xi32, #tpu.memory_space<hbm>>
      %dma_start3A_52 = arith.constant 0 : i32
      %dma_start3A_53 = arith.constant 0 : i32
      %dma_start3A_54 = tpu.memref_slice %arg3[%add3A, %dma_start3A_52, %dma_start3A_53] : memref<32x125x80xi32, #tpu.memory_space<hbm>> -> memref<1x125x80xi32, #tpu.memory_space<hbm>>
      %dma_start3A_55 = tpu.memref_squeeze %dma_start3A_54 : memref<1x125x80xi32, #tpu.memory_space<hbm>> -> memref<125x80xi32, #tpu.memory_space<hbm>>
      tpu.enqueue_dma source(%dma_start3A_55 : memref<125x80xi32, #tpu.memory_space<hbm>>) target(%arg7 : memref<125x80xi32, #tpu.memory_space<vmem>>) target_semaphore(%run_scoped3A : memref<!tpu.dma_semaphore, #tpu.memory_space<semaphore_mem>>)
      %dma_wait3A_56 = arith.constant 0 : i32
      %dma_wait3A_57 = arith.constant 0 : i32
      %dma_wait3A_58 = tpu.memref_slice %arg3[%add3A, %dma_wait3A_56, %dma_wait3A_57] : memref<32x125x80xi32, #tpu.memory_space<hbm>> -> memref<1x125x80xi32, #tpu.memory_space<hbm>>
      %dma_wait3A_59 = tpu.memref_squeeze %dma_wait3A_58 : memref<1x125x80xi32, #tpu.memory_space<hbm>> -> memref<125x80xi32, #tpu.memory_space<hbm>>
      %dma_wait3A_60 = arith.constant 0 : i32
      %dma_wait3A_61 = arith.constant 0 : i32
      %dma_wait3A_62 = tpu.memref_slice %arg3[%add3A, %dma_wait3A_60, %dma_wait3A_61] : memref<32x125x80xi32, #tpu.memory_space<hbm>> -> memref<1x125x80xi32, #tpu.memory_space<hbm>>
      %dma_wait3A_63 = tpu.memref_squeeze %dma_wait3A_62 : memref<1x125x80xi32, #tpu.memory_space<hbm>> -> memref<125x80xi32, #tpu.memory_space<hbm>>
      tpu.wait_dma2 semaphore(%run_scoped3A : memref<!tpu.dma_semaphore, #tpu.memory_space<semaphore_mem>>) src(%dma_wait3A_63 : memref<125x80xi32, #tpu.memory_space<hbm>>) dst(%arg7 : memref<125x80xi32, #tpu.memory_space<vmem>>)
      tpu.yield
    }) : () -> ()
    "tpu.region"() ({
      %run_scoped3A = tpu.sem_alloc : memref<!tpu.dma_semaphore, #tpu.memory_space<semaphore_mem>>
      %dma_start3A_48 = arith.constant 0 : i32
      %dma_start3A_49 = arith.constant 0 : i32
      %dma_start3A_50 = tpu.memref_slice %arg4[%add3A, %dma_start3A_48, %dma_start3A_49] : memref<32x125x80xi32, #tpu.memory_space<hbm>> -> memref<1x125x80xi32, #tpu.memory_space<hbm>>
      %dma_start3A_51 = tpu.memref_squeeze %dma_start3A_50 : memref<1x125x80xi32, #tpu.memory_space<hbm>> -> memref<125x80xi32, #tpu.memory_space<hbm>>
      %dma_start3A_52 = arith.constant 0 : i32
      %dma_start3A_53 = arith.constant 0 : i32
      %dma_start3A_54 = tpu.memref_slice %arg4[%add3A, %dma_start3A_52, %dma_start3A_53] : memref<32x125x80xi32, #tpu.memory_space<hbm>> -> memref<1x125x80xi32, #tpu.memory_space<hbm>>
      %dma_start3A_55 = tpu.memref_squeeze %dma_start3A_54 : memref<1x125x80xi32, #tpu.memory_space<hbm>> -> memref<125x80xi32, #tpu.memory_space<hbm>>
      tpu.enqueue_dma source(%dma_start3A_55 : memref<125x80xi32, #tpu.memory_space<hbm>>) target(%arg8 : memref<125x80xi32, #tpu.memory_space<vmem>>) target_semaphore(%run_scoped3A : memref<!tpu.dma_semaphore, #tpu.memory_space<semaphore_mem>>)
      %dma_wait3A_56 = arith.constant 0 : i32
      %dma_wait3A_57 = arith.constant 0 : i32
      %dma_wait3A_58 = tpu.memref_slice %arg4[%add3A, %dma_wait3A_56, %dma_wait3A_57] : memref<32x125x80xi32, #tpu.memory_space<hbm>> -> memref<1x125x80xi32, #tpu.memory_space<hbm>>
      %dma_wait3A_59 = tpu.memref_squeeze %dma_wait3A_58 : memref<1x125x80xi32, #tpu.memory_space<hbm>> -> memref<125x80xi32, #tpu.memory_space<hbm>>
      %dma_wait3A_60 = arith.constant 0 : i32
      %dma_wait3A_61 = arith.constant 0 : i32
      %dma_wait3A_62 = tpu.memref_slice %arg4[%add3A, %dma_wait3A_60, %dma_wait3A_61] : memref<32x125x80xi32, #tpu.memory_space<hbm>> -> memref<1x125x80xi32, #tpu.memory_space<hbm>>
      %dma_wait3A_63 = tpu.memref_squeeze %dma_wait3A_62 : memref<1x125x80xi32, #tpu.memory_space<hbm>> -> memref<125x80xi32, #tpu.memory_space<hbm>>
      tpu.wait_dma2 semaphore(%run_scoped3A : memref<!tpu.dma_semaphore, #tpu.memory_space<semaphore_mem>>) src(%dma_wait3A_63 : memref<125x80xi32, #tpu.memory_space<hbm>>) dst(%arg8 : memref<125x80xi32, #tpu.memory_space<vmem>>)
      tpu.yield
    }) : () -> ()
    %barrier3A = arith.constant 0 : index
    tpu.barrier barrier_id(%barrier3A)
    %dma_start3A = arith.constant 0 : i32
    %dma_start3A_7 = arith.constant 0 : i32
    %dma_start3A_8 = tpu.memref_slice %arg7[%dma_start3A, %dma_start3A_7] : memref<125x80xi32, #tpu.memory_space<vmem>> -> memref<1x80xi32, #tpu.memory_space<vmem>>
    %dma_start3A_9 = tpu.memref_squeeze %dma_start3A_8 : memref<1x80xi32, #tpu.memory_space<vmem>> -> memref<80xi32, #tpu.memory_space<vmem>>
    %dma_start3A_10 = arith.constant 0 : i32
    %dma_start3A_11 = arith.constant 0 : i32
    %dma_start3A_12 = tpu.memref_slice %arg14[%dma_start3A_10, %dma_start3A_11] : memref<10000x16xf32, #tpu.memory_space<vmem_shared>> -> memref<10000x16xf32, #tpu.memory_space<vmem_shared>>
    tpu.enqueue_indirect_dma source(%dma_start3A_12 : memref<10000x16xf32, #tpu.memory_space<vmem_shared>>) target(%arg9 : memref<80x16xf32, #tpu.memory_space<vmem>>) offsets(%dma_start3A_9 : memref<80xi32, #tpu.memory_space<vmem>>) semaphore(%arg16 : memref<!tpu.dma_semaphore, #tpu.memory_space<semaphore_mem>>)
    %dma_start3A_13 = arith.constant 1 : i32
    %dma_start3A_14 = arith.constant 0 : i32
    %dma_start3A_15 = tpu.memref_slice %arg7[%dma_start3A_13, %dma_start3A_14] : memref<125x80xi32, #tpu.memory_space<vmem>> -> memref<1x80xi32, #tpu.memory_space<vmem>>
    %dma_start3A_16 = tpu.memref_squeeze %dma_start3A_15 : memref<1x80xi32, #tpu.memory_space<vmem>> -> memref<80xi32, #tpu.memory_space<vmem>>
    %dma_start3A_17 = arith.constant 0 : i32
    %dma_start3A_18 = arith.constant 0 : i32
    %dma_start3A_19 = tpu.memref_slice %arg14[%dma_start3A_17, %dma_start3A_18] : memref<10000x16xf32, #tpu.memory_space<vmem_shared>> -> memref<10000x16xf32, #tpu.memory_space<vmem_shared>>
    tpu.enqueue_indirect_dma source(%dma_start3A_19 : memref<10000x16xf32, #tpu.memory_space<vmem_shared>>) target(%arg10 : memref<80x16xf32, #tpu.memory_space<vmem>>) offsets(%dma_start3A_16 : memref<80xi32, #tpu.memory_space<vmem>>) semaphore(%arg17 : memref<!tpu.dma_semaphore, #tpu.memory_space<semaphore_mem>>)
    %dma_start3A_20 = arith.constant 2 : i32
    %dma_start3A_21 = arith.constant 0 : i32
    %dma_start3A_22 = tpu.memref_slice %arg7[%dma_start3A_20, %dma_start3A_21] : memref<125x80xi32, #tpu.memory_space<vmem>> -> memref<1x80xi32, #tpu.memory_space<vmem>>
    %dma_start3A_23 = tpu.memref_squeeze %dma_start3A_22 : memref<1x80xi32, #tpu.memory_space<vmem>> -> memref<80xi32, #tpu.memory_space<vmem>>
    %dma_start3A_24 = arith.constant 0 : i32
    %dma_start3A_25 = arith.constant 0 : i32
    %dma_start3A_26 = tpu.memref_slice %arg14[%dma_start3A_24, %dma_start3A_25] : memref<10000x16xf32, #tpu.memory_space<vmem_shared>> -> memref<10000x16xf32, #tpu.memory_space<vmem_shared>>
    tpu.enqueue_indirect_dma source(%dma_start3A_26 : memref<10000x16xf32, #tpu.memory_space<vmem_shared>>) target(%arg11 : memref<80x16xf32, #tpu.memory_space<vmem>>) offsets(%dma_start3A_23 : memref<80xi32, #tpu.memory_space<vmem>>) semaphore(%arg18 : memref<!tpu.dma_semaphore, #tpu.memory_space<semaphore_mem>>)
    %dma_start3A_27 = arith.constant 3 : i32
    %dma_start3A_28 = arith.constant 0 : i32
    %dma_start3A_29 = tpu.memref_slice %arg7[%dma_start3A_27, %dma_start3A_28] : memref<125x80xi32, #tpu.memory_space<vmem>> -> memref<1x80xi32, #tpu.memory_space<vmem>>
    %dma_start3A_30 = tpu.memref_squeeze %dma_start3A_29 : memref<1x80xi32, #tpu.memory_space<vmem>> -> memref<80xi32, #tpu.memory_space<vmem>>
    %dma_start3A_31 = arith.constant 0 : i32
    %dma_start3A_32 = arith.constant 0 : i32
    %dma_start3A_33 = tpu.memref_slice %arg14[%dma_start3A_31, %dma_start3A_32] : memref<10000x16xf32, #tpu.memory_space<vmem_shared>> -> memref<10000x16xf32, #tpu.memory_space<vmem_shared>>
    tpu.enqueue_indirect_dma source(%dma_start3A_33 : memref<10000x16xf32, #tpu.memory_space<vmem_shared>>) target(%arg12 : memref<80x16xf32, #tpu.memory_space<vmem>>) offsets(%dma_start3A_30 : memref<80xi32, #tpu.memory_space<vmem>>) semaphore(%arg19 : memref<!tpu.dma_semaphore, #tpu.memory_space<semaphore_mem>>)
    %scan3A = arith.constant 0 : i32
    %scan3A_34 = arith.constant 0 : i32
    %scan3A_35 = arith.constant 25 : i32
    %scan3A_36 = arith.addi %scan3A_34, %scan3A_35 : i32
    %scan3A_37 = arith.constant 1 : i32
    scf.for %scan3A_48 = %scan3A_34 to %scan3A_36 step %scan3A_37  : i32 {
      %mul3A_49 = arith.constant 5 : i32
      %mul3A_50 = arith.muli %mul3A_49, %scan3A_48 : i32
      %add3A_51 = arith.constant 0 : i32
      %add3A_52 = arith.addi %mul3A_50, %add3A_51 : i32
      %add3A_53 = arith.constant 4 : i32
      %add3A_54 = arith.addi %add3A_52, %add3A_53 : i32
      %gt3A = arith.constant 0 : i32
      %gt3A_55 = arith.cmpi sgt, %scan3A_48, %gt3A : i32
      %convert_element_type3A_56 = arith.extui %gt3A_55 : i1 to i32
      %cond3A_57 = arith.constant 0 : i32
      %cond3A_58 = arith.cmpi ne, %convert_element_type3A_56, %cond3A_57 : i32
      scf.if %cond3A_58 {
        %dma_wait3A_221 = arith.constant 0 : i32
        %dma_wait3A_222 = arith.constant 0 : i32
        %dma_wait3A_223 = tpu.memref_slice %arg8[%dma_wait3A_221, %dma_wait3A_222] : memref<125x80xi32, #tpu.memory_space<vmem>> -> memref<1x80xi32, #tpu.memory_space<vmem>>
        %dma_wait3A_224 = tpu.memref_squeeze %dma_wait3A_223 : memref<1x80xi32, #tpu.memory_space<vmem>> -> memref<80xi32, #tpu.memory_space<vmem>>
        %dma_wait3A_225 = arith.constant 0 : i32
        %dma_wait3A_226 = arith.constant 0 : i32
        %dma_wait3A_227 = tpu.memref_slice %arg15[%dma_wait3A_225, %dma_wait3A_226] : memref<10240x16xf32, #tpu.memory_space<vmem_shared>> -> memref<10240x16xf32, #tpu.memory_space<vmem_shared>>
        tpu.wait_indirect_dma semaphore(%arg25 : memref<!tpu.dma_semaphore, #tpu.memory_space<semaphore_mem>>) src(%arg13 : memref<80x16xf32, #tpu.memory_space<vmem>>) dst(%dma_wait3A_227 : memref<10240x16xf32, #tpu.memory_space<vmem_shared>>)
      } else {
      }
      %dma_start3A_59 = arith.constant 0 : i32
      %dma_start3A_60 = tpu.memref_slice %arg7[%add3A_54, %dma_start3A_59] : memref<125x80xi32, #tpu.memory_space<vmem>> -> memref<1x80xi32, #tpu.memory_space<vmem>>
      %dma_start3A_61 = tpu.memref_squeeze %dma_start3A_60 : memref<1x80xi32, #tpu.memory_space<vmem>> -> memref<80xi32, #tpu.memory_space<vmem>>
      %dma_start3A_62 = arith.constant 0 : i32
      %dma_start3A_63 = arith.constant 0 : i32
      %dma_start3A_64 = tpu.memref_slice %arg14[%dma_start3A_62, %dma_start3A_63] : memref<10000x16xf32, #tpu.memory_space<vmem_shared>> -> memref<10000x16xf32, #tpu.memory_space<vmem_shared>>
      tpu.enqueue_indirect_dma source(%dma_start3A_64 : memref<10000x16xf32, #tpu.memory_space<vmem_shared>>) target(%arg13 : memref<80x16xf32, #tpu.memory_space<vmem>>) offsets(%dma_start3A_61 : memref<80xi32, #tpu.memory_space<vmem>>) semaphore(%arg20 : memref<!tpu.dma_semaphore, #tpu.memory_space<semaphore_mem>>)
      %mul3A_65 = arith.constant 5 : i32
      %mul3A_66 = arith.muli %mul3A_65, %scan3A_48 : i32
      %add3A_67 = arith.constant 0 : i32
      %add3A_68 = arith.addi %mul3A_66, %add3A_67 : i32
      %dma_wait3A_69 = arith.constant 0 : i32
      %dma_wait3A_70 = arith.constant 0 : i32
      %dma_wait3A_71 = tpu.memref_slice %arg7[%dma_wait3A_69, %dma_wait3A_70] : memref<125x80xi32, #tpu.memory_space<vmem>> -> memref<1x80xi32, #tpu.memory_space<vmem>>
      %dma_wait3A_72 = tpu.memref_squeeze %dma_wait3A_71 : memref<1x80xi32, #tpu.memory_space<vmem>> -> memref<80xi32, #tpu.memory_space<vmem>>
      %dma_wait3A_73 = arith.constant 0 : i32
      %dma_wait3A_74 = arith.constant 0 : i32
      %dma_wait3A_75 = tpu.memref_slice %arg14[%dma_wait3A_73, %dma_wait3A_74] : memref<10000x16xf32, #tpu.memory_space<vmem_shared>> -> memref<10000x16xf32, #tpu.memory_space<vmem_shared>>
      tpu.wait_indirect_dma semaphore(%arg16 : memref<!tpu.dma_semaphore, #tpu.memory_space<semaphore_mem>>) src(%dma_wait3A_75 : memref<10000x16xf32, #tpu.memory_space<vmem_shared>>) dst(%arg9 : memref<80x16xf32, #tpu.memory_space<vmem>>)
      %dma_start3A_76 = arith.constant 0 : i32
      %dma_start3A_77 = tpu.memref_slice %arg8[%add3A_68, %dma_start3A_76] : memref<125x80xi32, #tpu.memory_space<vmem>> -> memref<1x80xi32, #tpu.memory_space<vmem>>
      %dma_start3A_78 = tpu.memref_squeeze %dma_start3A_77 : memref<1x80xi32, #tpu.memory_space<vmem>> -> memref<80xi32, #tpu.memory_space<vmem>>
      %dma_start3A_79 = arith.constant 0 : i32
      %dma_start3A_80 = arith.constant 0 : i32
      %dma_start3A_81 = tpu.memref_slice %arg15[%dma_start3A_79, %dma_start3A_80] : memref<10240x16xf32, #tpu.memory_space<vmem_shared>> -> memref<10240x16xf32, #tpu.memory_space<vmem_shared>>
      tpu.enqueue_indirect_dma source(%arg9 : memref<80x16xf32, #tpu.memory_space<vmem>>) target(%dma_start3A_81 : memref<10240x16xf32, #tpu.memory_space<vmem_shared>>) offsets(%dma_start3A_78 : memref<80xi32, #tpu.memory_space<vmem>>) semaphore(%arg21 : memref<!tpu.dma_semaphore, #tpu.memory_space<semaphore_mem>>) {add = true}
      %mul3A_82 = arith.constant 5 : i32
      %mul3A_83 = arith.muli %mul3A_82, %scan3A_48 : i32
      %add3A_84 = arith.constant 1 : i32
      %add3A_85 = arith.addi %mul3A_83, %add3A_84 : i32
      %add3A_86 = arith.constant 4 : i32
      %add3A_87 = arith.addi %add3A_85, %add3A_86 : i32
      %dma_wait3A_88 = arith.constant 0 : i32
      %dma_wait3A_89 = arith.constant 0 : i32
      %dma_wait3A_90 = tpu.memref_slice %arg8[%dma_wait3A_88, %dma_wait3A_89] : memref<125x80xi32, #tpu.memory_space<vmem>> -> memref<1x80xi32, #tpu.memory_space<vmem>>
      %dma_wait3A_91 = tpu.memref_squeeze %dma_wait3A_90 : memref<1x80xi32, #tpu.memory_space<vmem>> -> memref<80xi32, #tpu.memory_space<vmem>>
      %dma_wait3A_92 = arith.constant 0 : i32
      %dma_wait3A_93 = arith.constant 0 : i32
      %dma_wait3A_94 = tpu.memref_slice %arg15[%dma_wait3A_92, %dma_wait3A_93] : memref<10240x16xf32, #tpu.memory_space<vmem_shared>> -> memref<10240x16xf32, #tpu.memory_space<vmem_shared>>
      tpu.wait_indirect_dma semaphore(%arg21 : memref<!tpu.dma_semaphore, #tpu.memory_space<semaphore_mem>>) src(%arg9 : memref<80x16xf32, #tpu.memory_space<vmem>>) dst(%dma_wait3A_94 : memref<10240x16xf32, #tpu.memory_space<vmem_shared>>)
      %lt3A = arith.constant 125 : i32
      %lt3A_95 = arith.cmpi slt, %add3A_87, %lt3A : i32
      %convert_element_type3A_96 = arith.extui %lt3A_95 : i1 to i32
      %cond3A_97 = arith.constant 0 : i32
      %cond3A_98 = arith.cmpi ne, %convert_element_type3A_96, %cond3A_97 : i32
      scf.if %cond3A_98 {
        %dma_start3A_221 = arith.constant 0 : i32
        %dma_start3A_222 = tpu.memref_slice %arg7[%add3A_87, %dma_start3A_221] : memref<125x80xi32, #tpu.memory_space<vmem>> -> memref<1x80xi32, #tpu.memory_space<vmem>>
        %dma_start3A_223 = tpu.memref_squeeze %dma_start3A_222 : memref<1x80xi32, #tpu.memory_space<vmem>> -> memref<80xi32, #tpu.memory_space<vmem>>
        %dma_start3A_224 = arith.constant 0 : i32
        %dma_start3A_225 = arith.constant 0 : i32
        %dma_start3A_226 = tpu.memref_slice %arg14[%dma_start3A_224, %dma_start3A_225] : memref<10000x16xf32, #tpu.memory_space<vmem_shared>> -> memref<10000x16xf32, #tpu.memory_space<vmem_shared>>
        tpu.enqueue_indirect_dma source(%dma_start3A_226 : memref<10000x16xf32, #tpu.memory_space<vmem_shared>>) target(%arg9 : memref<80x16xf32, #tpu.memory_space<vmem>>) offsets(%dma_start3A_223 : memref<80xi32, #tpu.memory_space<vmem>>) semaphore(%arg16 : memref<!tpu.dma_semaphore, #tpu.memory_space<semaphore_mem>>)
      } else {
      }
      %mul3A_99 = arith.constant 5 : i32
      %mul3A_100 = arith.muli %mul3A_99, %scan3A_48 : i32
      %add3A_101 = arith.constant 1 : i32
      %add3A_102 = arith.addi %mul3A_100, %add3A_101 : i32
      %dma_wait3A_103 = arith.constant 0 : i32
      %dma_wait3A_104 = arith.constant 0 : i32
      %dma_wait3A_105 = tpu.memref_slice %arg7[%dma_wait3A_103, %dma_wait3A_104] : memref<125x80xi32, #tpu.memory_space<vmem>> -> memref<1x80xi32, #tpu.memory_space<vmem>>
      %dma_wait3A_106 = tpu.memref_squeeze %dma_wait3A_105 : memref<1x80xi32, #tpu.memory_space<vmem>> -> memref<80xi32, #tpu.memory_space<vmem>>
      %dma_wait3A_107 = arith.constant 0 : i32
      %dma_wait3A_108 = arith.constant 0 : i32
      %dma_wait3A_109 = tpu.memref_slice %arg14[%dma_wait3A_107, %dma_wait3A_108] : memref<10000x16xf32, #tpu.memory_space<vmem_shared>> -> memref<10000x16xf32, #tpu.memory_space<vmem_shared>>
      tpu.wait_indirect_dma semaphore(%arg17 : memref<!tpu.dma_semaphore, #tpu.memory_space<semaphore_mem>>) src(%dma_wait3A_109 : memref<10000x16xf32, #tpu.memory_space<vmem_shared>>) dst(%arg10 : memref<80x16xf32, #tpu.memory_space<vmem>>)
      %dma_start3A_110 = arith.constant 0 : i32
      %dma_start3A_111 = tpu.memref_slice %arg8[%add3A_102, %dma_start3A_110] : memref<125x80xi32, #tpu.memory_space<vmem>> -> memref<1x80xi32, #tpu.memory_space<vmem>>
      %dma_start3A_112 = tpu.memref_squeeze %dma_start3A_111 : memref<1x80xi32, #tpu.memory_space<vmem>> -> memref<80xi32, #tpu.memory_space<vmem>>
      %dma_start3A_113 = arith.constant 0 : i32
      %dma_start3A_114 = arith.constant 0 : i32
      %dma_start3A_115 = tpu.memref_slice %arg15[%dma_start3A_113, %dma_start3A_114] : memref<10240x16xf32, #tpu.memory_space<vmem_shared>> -> memref<10240x16xf32, #tpu.memory_space<vmem_shared>>
      tpu.enqueue_indirect_dma source(%arg10 : memref<80x16xf32, #tpu.memory_space<vmem>>) target(%dma_start3A_115 : memref<10240x16xf32, #tpu.memory_space<vmem_shared>>) offsets(%dma_start3A_112 : memref<80xi32, #tpu.memory_space<vmem>>) semaphore(%arg22 : memref<!tpu.dma_semaphore, #tpu.memory_space<semaphore_mem>>) {add = true}
      %mul3A_116 = arith.constant 5 : i32
      %mul3A_117 = arith.muli %mul3A_116, %scan3A_48 : i32
      %add3A_118 = arith.constant 2 : i32
      %add3A_119 = arith.addi %mul3A_117, %add3A_118 : i32
      %add3A_120 = arith.constant 4 : i32
      %add3A_121 = arith.addi %add3A_119, %add3A_120 : i32
      %dma_wait3A_122 = arith.constant 0 : i32
      %dma_wait3A_123 = arith.constant 0 : i32
      %dma_wait3A_124 = tpu.memref_slice %arg8[%dma_wait3A_122, %dma_wait3A_123] : memref<125x80xi32, #tpu.memory_space<vmem>> -> memref<1x80xi32, #tpu.memory_space<vmem>>
      %dma_wait3A_125 = tpu.memref_squeeze %dma_wait3A_124 : memref<1x80xi32, #tpu.memory_space<vmem>> -> memref<80xi32, #tpu.memory_space<vmem>>
      %dma_wait3A_126 = arith.constant 0 : i32
      %dma_wait3A_127 = arith.constant 0 : i32
      %dma_wait3A_128 = tpu.memref_slice %arg15[%dma_wait3A_126, %dma_wait3A_127] : memref<10240x16xf32, #tpu.memory_space<vmem_shared>> -> memref<10240x16xf32, #tpu.memory_space<vmem_shared>>
      tpu.wait_indirect_dma semaphore(%arg22 : memref<!tpu.dma_semaphore, #tpu.memory_space<semaphore_mem>>) src(%arg10 : memref<80x16xf32, #tpu.memory_space<vmem>>) dst(%dma_wait3A_128 : memref<10240x16xf32, #tpu.memory_space<vmem_shared>>)
      %lt3A_129 = arith.constant 125 : i32
      %lt3A_130 = arith.cmpi slt, %add3A_121, %lt3A_129 : i32
      %convert_element_type3A_131 = arith.extui %lt3A_130 : i1 to i32
      %cond3A_132 = arith.constant 0 : i32
      %cond3A_133 = arith.cmpi ne, %convert_element_type3A_131, %cond3A_132 : i32
      scf.if %cond3A_133 {
        %dma_start3A_221 = arith.constant 0 : i32
        %dma_start3A_222 = tpu.memref_slice %arg7[%add3A_121, %dma_start3A_221] : memref<125x80xi32, #tpu.memory_space<vmem>> -> memref<1x80xi32, #tpu.memory_space<vmem>>
        %dma_start3A_223 = tpu.memref_squeeze %dma_start3A_222 : memref<1x80xi32, #tpu.memory_space<vmem>> -> memref<80xi32, #tpu.memory_space<vmem>>
        %dma_start3A_224 = arith.constant 0 : i32
        %dma_start3A_225 = arith.constant 0 : i32
        %dma_start3A_226 = tpu.memref_slice %arg14[%dma_start3A_224, %dma_start3A_225] : memref<10000x16xf32, #tpu.memory_space<vmem_shared>> -> memref<10000x16xf32, #tpu.memory_space<vmem_shared>>
        tpu.enqueue_indirect_dma source(%dma_start3A_226 : memref<10000x16xf32, #tpu.memory_space<vmem_shared>>) target(%arg10 : memref<80x16xf32, #tpu.memory_space<vmem>>) offsets(%dma_start3A_223 : memref<80xi32, #tpu.memory_space<vmem>>) semaphore(%arg17 : memref<!tpu.dma_semaphore, #tpu.memory_space<semaphore_mem>>)
      } else {
      }
      %mul3A_134 = arith.constant 5 : i32
      %mul3A_135 = arith.muli %mul3A_134, %scan3A_48 : i32
      %add3A_136 = arith.constant 2 : i32
      %add3A_137 = arith.addi %mul3A_135, %add3A_136 : i32
      %dma_wait3A_138 = arith.constant 0 : i32
      %dma_wait3A_139 = arith.constant 0 : i32
      %dma_wait3A_140 = tpu.memref_slice %arg7[%dma_wait3A_138, %dma_wait3A_139] : memref<125x80xi32, #tpu.memory_space<vmem>> -> memref<1x80xi32, #tpu.memory_space<vmem>>
      %dma_wait3A_141 = tpu.memref_squeeze %dma_wait3A_140 : memref<1x80xi32, #tpu.memory_space<vmem>> -> memref<80xi32, #tpu.memory_space<vmem>>
      %dma_wait3A_142 = arith.constant 0 : i32
      %dma_wait3A_143 = arith.constant 0 : i32
      %dma_wait3A_144 = tpu.memref_slice %arg14[%dma_wait3A_142, %dma_wait3A_143] : memref<10000x16xf32, #tpu.memory_space<vmem_shared>> -> memref<10000x16xf32, #tpu.memory_space<vmem_shared>>
      tpu.wait_indirect_dma semaphore(%arg18 : memref<!tpu.dma_semaphore, #tpu.memory_space<semaphore_mem>>) src(%dma_wait3A_144 : memref<10000x16xf32, #tpu.memory_space<vmem_shared>>) dst(%arg11 : memref<80x16xf32, #tpu.memory_space<vmem>>)
      %dma_start3A_145 = arith.constant 0 : i32
      %dma_start3A_146 = tpu.memref_slice %arg8[%add3A_137, %dma_start3A_145] : memref<125x80xi32, #tpu.memory_space<vmem>> -> memref<1x80xi32, #tpu.memory_space<vmem>>
      %dma_start3A_147 = tpu.memref_squeeze %dma_start3A_146 : memref<1x80xi32, #tpu.memory_space<vmem>> -> memref<80xi32, #tpu.memory_space<vmem>>
      %dma_start3A_148 = arith.constant 0 : i32
      %dma_start3A_149 = arith.constant 0 : i32
      %dma_start3A_150 = tpu.memref_slice %arg15[%dma_start3A_148, %dma_start3A_149] : memref<10240x16xf32, #tpu.memory_space<vmem_shared>> -> memref<10240x16xf32, #tpu.memory_space<vmem_shared>>
      tpu.enqueue_indirect_dma source(%arg11 : memref<80x16xf32, #tpu.memory_space<vmem>>) target(%dma_start3A_150 : memref<10240x16xf32, #tpu.memory_space<vmem_shared>>) offsets(%dma_start3A_147 : memref<80xi32, #tpu.memory_space<vmem>>) semaphore(%arg23 : memref<!tpu.dma_semaphore, #tpu.memory_space<semaphore_mem>>) {add = true}
      %mul3A_151 = arith.constant 5 : i32
      %mul3A_152 = arith.muli %mul3A_151, %scan3A_48 : i32
      %add3A_153 = arith.constant 3 : i32
      %add3A_154 = arith.addi %mul3A_152, %add3A_153 : i32
      %add3A_155 = arith.constant 4 : i32
      %add3A_156 = arith.addi %add3A_154, %add3A_155 : i32
      %dma_wait3A_157 = arith.constant 0 : i32
      %dma_wait3A_158 = arith.constant 0 : i32
      %dma_wait3A_159 = tpu.memref_slice %arg8[%dma_wait3A_157, %dma_wait3A_158] : memref<125x80xi32, #tpu.memory_space<vmem>> -> memref<1x80xi32, #tpu.memory_space<vmem>>
      %dma_wait3A_160 = tpu.memref_squeeze %dma_wait3A_159 : memref<1x80xi32, #tpu.memory_space<vmem>> -> memref<80xi32, #tpu.memory_space<vmem>>
      %dma_wait3A_161 = arith.constant 0 : i32
      %dma_wait3A_162 = arith.constant 0 : i32
      %dma_wait3A_163 = tpu.memref_slice %arg15[%dma_wait3A_161, %dma_wait3A_162] : memref<10240x16xf32, #tpu.memory_space<vmem_shared>> -> memref<10240x16xf32, #tpu.memory_space<vmem_shared>>
      tpu.wait_indirect_dma semaphore(%arg23 : memref<!tpu.dma_semaphore, #tpu.memory_space<semaphore_mem>>) src(%arg11 : memref<80x16xf32, #tpu.memory_space<vmem>>) dst(%dma_wait3A_163 : memref<10240x16xf32, #tpu.memory_space<vmem_shared>>)
      %lt3A_164 = arith.constant 125 : i32
      %lt3A_165 = arith.cmpi slt, %add3A_156, %lt3A_164 : i32
      %convert_element_type3A_166 = arith.extui %lt3A_165 : i1 to i32
      %cond3A_167 = arith.constant 0 : i32
      %cond3A_168 = arith.cmpi ne, %convert_element_type3A_166, %cond3A_167 : i32
      scf.if %cond3A_168 {
        %dma_start3A_221 = arith.constant 0 : i32
        %dma_start3A_222 = tpu.memref_slice %arg7[%add3A_156, %dma_start3A_221] : memref<125x80xi32, #tpu.memory_space<vmem>> -> memref<1x80xi32, #tpu.memory_space<vmem>>
        %dma_start3A_223 = tpu.memref_squeeze %dma_start3A_222 : memref<1x80xi32, #tpu.memory_space<vmem>> -> memref<80xi32, #tpu.memory_space<vmem>>
        %dma_start3A_224 = arith.constant 0 : i32
        %dma_start3A_225 = arith.constant 0 : i32
        %dma_start3A_226 = tpu.memref_slice %arg14[%dma_start3A_224, %dma_start3A_225] : memref<10000x16xf32, #tpu.memory_space<vmem_shared>> -> memref<10000x16xf32, #tpu.memory_space<vmem_shared>>
        tpu.enqueue_indirect_dma source(%dma_start3A_226 : memref<10000x16xf32, #tpu.memory_space<vmem_shared>>) target(%arg11 : memref<80x16xf32, #tpu.memory_space<vmem>>) offsets(%dma_start3A_223 : memref<80xi32, #tpu.memory_space<vmem>>) semaphore(%arg18 : memref<!tpu.dma_semaphore, #tpu.memory_space<semaphore_mem>>)
      } else {
      }
      %mul3A_169 = arith.constant 5 : i32
      %mul3A_170 = arith.muli %mul3A_169, %scan3A_48 : i32
      %add3A_171 = arith.constant 3 : i32
      %add3A_172 = arith.addi %mul3A_170, %add3A_171 : i32
      %dma_wait3A_173 = arith.constant 0 : i32
      %dma_wait3A_174 = arith.constant 0 : i32
      %dma_wait3A_175 = tpu.memref_slice %arg7[%dma_wait3A_173, %dma_wait3A_174] : memref<125x80xi32, #tpu.memory_space<vmem>> -> memref<1x80xi32, #tpu.memory_space<vmem>>
      %dma_wait3A_176 = tpu.memref_squeeze %dma_wait3A_175 : memref<1x80xi32, #tpu.memory_space<vmem>> -> memref<80xi32, #tpu.memory_space<vmem>>
      %dma_wait3A_177 = arith.constant 0 : i32
      %dma_wait3A_178 = arith.constant 0 : i32
      %dma_wait3A_179 = tpu.memref_slice %arg14[%dma_wait3A_177, %dma_wait3A_178] : memref<10000x16xf32, #tpu.memory_space<vmem_shared>> -> memref<10000x16xf32, #tpu.memory_space<vmem_shared>>
      tpu.wait_indirect_dma semaphore(%arg19 : memref<!tpu.dma_semaphore, #tpu.memory_space<semaphore_mem>>) src(%dma_wait3A_179 : memref<10000x16xf32, #tpu.memory_space<vmem_shared>>) dst(%arg12 : memref<80x16xf32, #tpu.memory_space<vmem>>)
      %dma_start3A_180 = arith.constant 0 : i32
      %dma_start3A_181 = tpu.memref_slice %arg8[%add3A_172, %dma_start3A_180] : memref<125x80xi32, #tpu.memory_space<vmem>> -> memref<1x80xi32, #tpu.memory_space<vmem>>
      %dma_start3A_182 = tpu.memref_squeeze %dma_start3A_181 : memref<1x80xi32, #tpu.memory_space<vmem>> -> memref<80xi32, #tpu.memory_space<vmem>>
      %dma_start3A_183 = arith.constant 0 : i32
      %dma_start3A_184 = arith.constant 0 : i32
      %dma_start3A_185 = tpu.memref_slice %arg15[%dma_start3A_183, %dma_start3A_184] : memref<10240x16xf32, #tpu.memory_space<vmem_shared>> -> memref<10240x16xf32, #tpu.memory_space<vmem_shared>>
      tpu.enqueue_indirect_dma source(%arg12 : memref<80x16xf32, #tpu.memory_space<vmem>>) target(%dma_start3A_185 : memref<10240x16xf32, #tpu.memory_space<vmem_shared>>) offsets(%dma_start3A_182 : memref<80xi32, #tpu.memory_space<vmem>>) semaphore(%arg24 : memref<!tpu.dma_semaphore, #tpu.memory_space<semaphore_mem>>) {add = true}
      %mul3A_186 = arith.constant 5 : i32
      %mul3A_187 = arith.muli %mul3A_186, %scan3A_48 : i32
      %add3A_188 = arith.constant 4 : i32
      %add3A_189 = arith.addi %mul3A_187, %add3A_188 : i32
      %add3A_190 = arith.constant 4 : i32
      %add3A_191 = arith.addi %add3A_189, %add3A_190 : i32
      %dma_wait3A_192 = arith.constant 0 : i32
      %dma_wait3A_193 = arith.constant 0 : i32
      %dma_wait3A_194 = tpu.memref_slice %arg8[%dma_wait3A_192, %dma_wait3A_193] : memref<125x80xi32, #tpu.memory_space<vmem>> -> memref<1x80xi32, #tpu.memory_space<vmem>>
      %dma_wait3A_195 = tpu.memref_squeeze %dma_wait3A_194 : memref<1x80xi32, #tpu.memory_space<vmem>> -> memref<80xi32, #tpu.memory_space<vmem>>
      %dma_wait3A_196 = arith.constant 0 : i32
      %dma_wait3A_197 = arith.constant 0 : i32
      %dma_wait3A_198 = tpu.memref_slice %arg15[%dma_wait3A_196, %dma_wait3A_197] : memref<10240x16xf32, #tpu.memory_space<vmem_shared>> -> memref<10240x16xf32, #tpu.memory_space<vmem_shared>>
      tpu.wait_indirect_dma semaphore(%arg24 : memref<!tpu.dma_semaphore, #tpu.memory_space<semaphore_mem>>) src(%arg12 : memref<80x16xf32, #tpu.memory_space<vmem>>) dst(%dma_wait3A_198 : memref<10240x16xf32, #tpu.memory_space<vmem_shared>>)
      %lt3A_199 = arith.constant 125 : i32
      %lt3A_200 = arith.cmpi slt, %add3A_191, %lt3A_199 : i32
      %convert_element_type3A_201 = arith.extui %lt3A_200 : i1 to i32
      %cond3A_202 = arith.constant 0 : i32
      %cond3A_203 = arith.cmpi ne, %convert_element_type3A_201, %cond3A_202 : i32
      scf.if %cond3A_203 {
        %dma_start3A_221 = arith.constant 0 : i32
        %dma_start3A_222 = tpu.memref_slice %arg7[%add3A_191, %dma_start3A_221] : memref<125x80xi32, #tpu.memory_space<vmem>> -> memref<1x80xi32, #tpu.memory_space<vmem>>
        %dma_start3A_223 = tpu.memref_squeeze %dma_start3A_222 : memref<1x80xi32, #tpu.memory_space<vmem>> -> memref<80xi32, #tpu.memory_space<vmem>>
        %dma_start3A_224 = arith.constant 0 : i32
        %dma_start3A_225 = arith.constant 0 : i32
        %dma_start3A_226 = tpu.memref_slice %arg14[%dma_start3A_224, %dma_start3A_225] : memref<10000x16xf32, #tpu.memory_space<vmem_shared>> -> memref<10000x16xf32, #tpu.memory_space<vmem_shared>>
        tpu.enqueue_indirect_dma source(%dma_start3A_226 : memref<10000x16xf32, #tpu.memory_space<vmem_shared>>) target(%arg12 : memref<80x16xf32, #tpu.memory_space<vmem>>) offsets(%dma_start3A_223 : memref<80xi32, #tpu.memory_space<vmem>>) semaphore(%arg19 : memref<!tpu.dma_semaphore, #tpu.memory_space<semaphore_mem>>)
      } else {
      }
      %mul3A_204 = arith.constant 5 : i32
      %mul3A_205 = arith.muli %mul3A_204, %scan3A_48 : i32
      %add3A_206 = arith.constant 4 : i32
      %add3A_207 = arith.addi %mul3A_205, %add3A_206 : i32
      %dma_wait3A_208 = arith.constant 0 : i32
      %dma_wait3A_209 = arith.constant 0 : i32
      %dma_wait3A_210 = tpu.memref_slice %arg7[%dma_wait3A_208, %dma_wait3A_209] : memref<125x80xi32, #tpu.memory_space<vmem>> -> memref<1x80xi32, #tpu.memory_space<vmem>>
      %dma_wait3A_211 = tpu.memref_squeeze %dma_wait3A_210 : memref<1x80xi32, #tpu.memory_space<vmem>> -> memref<80xi32, #tpu.memory_space<vmem>>
      %dma_wait3A_212 = arith.constant 0 : i32
      %dma_wait3A_213 = arith.constant 0 : i32
      %dma_wait3A_214 = tpu.memref_slice %arg14[%dma_wait3A_212, %dma_wait3A_213] : memref<10000x16xf32, #tpu.memory_space<vmem_shared>> -> memref<10000x16xf32, #tpu.memory_space<vmem_shared>>
      tpu.wait_indirect_dma semaphore(%arg20 : memref<!tpu.dma_semaphore, #tpu.memory_space<semaphore_mem>>) src(%dma_wait3A_214 : memref<10000x16xf32, #tpu.memory_space<vmem_shared>>) dst(%arg13 : memref<80x16xf32, #tpu.memory_space<vmem>>)
      %dma_start3A_215 = arith.constant 0 : i32
      %dma_start3A_216 = tpu.memref_slice %arg8[%add3A_207, %dma_start3A_215] : memref<125x80xi32, #tpu.memory_space<vmem>> -> memref<1x80xi32, #tpu.memory_space<vmem>>
      %dma_start3A_217 = tpu.memref_squeeze %dma_start3A_216 : memref<1x80xi32, #tpu.memory_space<vmem>> -> memref<80xi32, #tpu.memory_space<vmem>>
      %dma_start3A_218 = arith.constant 0 : i32
      %dma_start3A_219 = arith.constant 0 : i32
      %dma_start3A_220 = tpu.memref_slice %arg15[%dma_start3A_218, %dma_start3A_219] : memref<10240x16xf32, #tpu.memory_space<vmem_shared>> -> memref<10240x16xf32, #tpu.memory_space<vmem_shared>>
      tpu.enqueue_indirect_dma source(%arg13 : memref<80x16xf32, #tpu.memory_space<vmem>>) target(%dma_start3A_220 : memref<10240x16xf32, #tpu.memory_space<vmem_shared>>) offsets(%dma_start3A_217 : memref<80xi32, #tpu.memory_space<vmem>>) semaphore(%arg25 : memref<!tpu.dma_semaphore, #tpu.memory_space<semaphore_mem>>) {add = true}
    }
    %scan3A_38 = arith.constant 25 : i32
    %dma_wait3A = arith.constant 0 : i32
    %dma_wait3A_39 = arith.constant 0 : i32
    %dma_wait3A_40 = tpu.memref_slice %arg8[%dma_wait3A, %dma_wait3A_39] : memref<125x80xi32, #tpu.memory_space<vmem>> -> memref<1x80xi32, #tpu.memory_space<vmem>>
    %dma_wait3A_41 = tpu.memref_squeeze %dma_wait3A_40 : memref<1x80xi32, #tpu.memory_space<vmem>> -> memref<80xi32, #tpu.memory_space<vmem>>
    %dma_wait3A_42 = arith.constant 0 : i32
    %dma_wait3A_43 = arith.constant 0 : i32
    %dma_wait3A_44 = tpu.memref_slice %arg15[%dma_wait3A_42, %dma_wait3A_43] : memref<10240x16xf32, #tpu.memory_space<vmem_shared>> -> memref<10240x16xf32, #tpu.memory_space<vmem_shared>>
    tpu.wait_indirect_dma semaphore(%arg25 : memref<!tpu.dma_semaphore, #tpu.memory_space<semaphore_mem>>) src(%arg13 : memref<80x16xf32, #tpu.memory_space<vmem>>) dst(%dma_wait3A_44 : memref<10240x16xf32, #tpu.memory_space<vmem_shared>>)
    %barrier3A_45 = arith.constant 0 : index
    tpu.barrier barrier_id(%barrier3A_45)
    %mul3A_46 = arith.constant 640 : i32
    %mul3A_47 = arith.muli %arg1, %mul3A_46 : i32
    %multiple_of3A = tpu.assume_multiple %mul3A_47, 8 : i32
    "tpu.region"() ({
      %run_scoped3A = tpu.sem_alloc : memref<!tpu.dma_semaphore, #tpu.memory_space<semaphore_mem>>
      %dma_start3A_48 = arith.constant 0 : i32
      %dma_start3A_49 = tpu.memref_slice %arg6[%arg0, %multiple_of3A, %dma_start3A_48] : memref<2x10240x16xf32, #tpu.memory_space<hbm>> -> memref<1x640x16xf32, #tpu.memory_space<hbm>>
      %dma_start3A_50 = tpu.memref_squeeze %dma_start3A_49 : memref<1x640x16xf32, #tpu.memory_space<hbm>> -> memref<640x16xf32, #tpu.memory_space<hbm>>
      %dma_start3A_51 = arith.constant 0 : i32
      %dma_start3A_52 = tpu.memref_slice %arg15[%multiple_of3A, %dma_start3A_51] : memref<10240x16xf32, #tpu.memory_space<vmem_shared>> -> memref<640x16xf32, #tpu.memory_space<vmem_shared>>
      tpu.enqueue_dma source(%dma_start3A_52 : memref<640x16xf32, #tpu.memory_space<vmem_shared>>) target(%dma_start3A_50 : memref<640x16xf32, #tpu.memory_space<hbm>>) target_semaphore(%run_scoped3A : memref<!tpu.dma_semaphore, #tpu.memory_space<semaphore_mem>>)
      %dma_wait3A_53 = arith.constant 0 : i32
      %dma_wait3A_54 = tpu.memref_slice %arg6[%arg0, %multiple_of3A, %dma_wait3A_53] : memref<2x10240x16xf32, #tpu.memory_space<hbm>> -> memref<1x640x16xf32, #tpu.memory_space<hbm>>
      %dma_wait3A_55 = tpu.memref_squeeze %dma_wait3A_54 : memref<1x640x16xf32, #tpu.memory_space<hbm>> -> memref<640x16xf32, #tpu.memory_space<hbm>>
      %dma_wait3A_56 = arith.constant 0 : i32
      %dma_wait3A_57 = tpu.memref_slice %arg15[%multiple_of3A, %dma_wait3A_56] : memref<10240x16xf32, #tpu.memory_space<vmem_shared>> -> memref<640x16xf32, #tpu.memory_space<vmem_shared>>
      tpu.wait_dma2 semaphore(%run_scoped3A : memref<!tpu.dma_semaphore, #tpu.memory_space<semaphore_mem>>) src(%dma_wait3A_57 : memref<640x16xf32, #tpu.memory_space<vmem_shared>>) dst(%dma_wait3A_55 : memref<640x16xf32, #tpu.memory_space<hbm>>)
      tpu.yield
    }) : () -> ()
    return
  }
}

#map = affine_map<(d0, d1) -> (0, 0, 0)>
#map1 = affine_map<(d0, d1) -> (0, 0)>
#map2 = affine_map<(d0, d1) -> (0)>
module attributes {stable_mosaic.version = 14 : i64} {
  func.func @_mp16_fused(%arg0: i32, %arg1: i32, %arg2: memref<2x10240x16xf32, #tpu.memory_space<hbm>>, %arg3: memref<10240x16xf32, #tpu.memory_space<hbm>>, %arg4: memref<10240x16xf32, #tpu.memory_space<hbm>>, %arg5: memref<16xf32, #tpu.memory_space<hbm>>, %arg6: memref<32x125x80xi32, #tpu.memory_space<hbm>>, %arg7: memref<32x125x80xi32, #tpu.memory_space<hbm>>, %arg8: memref<10000x16xf32, #tpu.memory_space<hbm>>, %arg9: memref<2x10000x16xf32, #tpu.memory_space<hbm>>, %arg10: memref<125x80xi32, #tpu.memory_space<vmem>>, %arg11: memref<125x80xi32, #tpu.memory_space<vmem>>, %arg12: memref<80x16xf32, #tpu.memory_space<vmem>>, %arg13: memref<80x16xf32, #tpu.memory_space<vmem>>, %arg14: memref<80x16xf32, #tpu.memory_space<vmem>>, %arg15: memref<80x16xf32, #tpu.memory_space<vmem>>, %arg16: memref<80x16xf32, #tpu.memory_space<vmem>>, %arg17: memref<10240x16xf32, #tpu.memory_space<vmem_shared>>, %arg18: memref<10000x16xf32, #tpu.memory_space<vmem_shared>>, %arg19: memref<640x16xf32, #tpu.memory_space<vmem>>, %arg20: memref<640x16xf32, #tpu.memory_space<vmem>>, %arg21: memref<640x16xf32, #tpu.memory_space<vmem>>, %arg22: memref<640x16xf32, #tpu.memory_space<vmem>>, %arg23: memref<640x16xf32, #tpu.memory_space<vmem>>, %arg24: memref<16xf32, #tpu.memory_space<vmem>>, %arg25: memref<!tpu.dma_semaphore, #tpu.memory_space<semaphore_mem>>, %arg26: memref<!tpu.dma_semaphore, #tpu.memory_space<semaphore_mem>>, %arg27: memref<!tpu.dma_semaphore, #tpu.memory_space<semaphore_mem>>, %arg28: memref<!tpu.dma_semaphore, #tpu.memory_space<semaphore_mem>>, %arg29: memref<!tpu.dma_semaphore, #tpu.memory_space<semaphore_mem>>, %arg30: memref<!tpu.dma_semaphore, #tpu.memory_space<semaphore_mem>>, %arg31: memref<!tpu.dma_semaphore, #tpu.memory_space<semaphore_mem>>, %arg32: memref<!tpu.dma_semaphore, #tpu.memory_space<semaphore_mem>>, %arg33: memref<!tpu.dma_semaphore, #tpu.memory_space<semaphore_mem>>, %arg34: memref<!tpu.dma_semaphore, #tpu.memory_space<semaphore_mem>>) attributes {dimension_semantics = [#tpu.dimension_semantics<core_parallel>, #tpu.dimension_semantics<subcore_parallel>], iteration_bounds = array<i64: 2, 16>, scalar_prefetch = 0 : i64, scratch_operands = 25 : i64, tpu.core_type = #tpu.core_type<sc_vector_subcore>, window_params = [{transform_indices = #map}, {transform_indices = #map1}, {transform_indices = #map1}, {transform_indices = #map2}, {transform_indices = #map}, {transform_indices = #map}, {transform_indices = #map1}, {transform_indices = #map}]} {
    %mul3A = arith.constant 16 : i32
    %mul3A_0 = arith.muli %arg0, %mul3A : i32
    %add3A = arith.addi %mul3A_0, %arg1 : i32
    %eq3A = arith.constant 0 : i32
    %eq3A_1 = arith.cmpi eq, %arg1, %eq3A : i32
    %convert_element_type3A = arith.extui %eq3A_1 : i1 to i32
    %cond3A = arith.constant 0 : i32
    %cond3A_2 = arith.cmpi ne, %convert_element_type3A, %cond3A : i32
    scf.if %cond3A_2 {
      "tpu.region"() ({
        %run_scoped3A_62 = tpu.sem_alloc : memref<!tpu.dma_semaphore, #tpu.memory_space<semaphore_mem>>
        tpu.enqueue_dma source(%arg8 : memref<10000x16xf32, #tpu.memory_space<hbm>>) target(%arg18 : memref<10000x16xf32, #tpu.memory_space<vmem_shared>>) target_semaphore(%run_scoped3A_62 : memref<!tpu.dma_semaphore, #tpu.memory_space<semaphore_mem>>)
        tpu.wait_dma2 semaphore(%run_scoped3A_62 : memref<!tpu.dma_semaphore, #tpu.memory_space<semaphore_mem>>) src(%arg8 : memref<10000x16xf32, #tpu.memory_space<hbm>>) dst(%arg18 : memref<10000x16xf32, #tpu.memory_space<vmem_shared>>)
        tpu.yield
      }) : () -> ()
    } else {
    }
    %mul3A_3 = arith.constant 640 : i32
    %mul3A_4 = arith.muli %arg1, %mul3A_3 : i32
    %run_scoped3A = arith.constant 0 : i32
    "tpu.region"() ({
      %run_scoped3A_62 = tpu.sem_alloc : memref<!tpu.dma_semaphore, #tpu.memory_space<semaphore_mem>>
      %dma_start3A_63 = arith.constant 0 : i32
      %dma_start3A_64 = tpu.memref_slice %arg2[%run_scoped3A, %mul3A_4, %dma_start3A_63] : memref<2x10240x16xf32, #tpu.memory_space<hbm>> -> memref<1x640x16xf32, #tpu.memory_space<hbm>>
      %dma_start3A_65 = tpu.memref_squeeze %dma_start3A_64 : memref<1x640x16xf32, #tpu.memory_space<hbm>> -> memref<640x16xf32, #tpu.memory_space<hbm>>
      %dma_start3A_66 = arith.constant 0 : i32
      %dma_start3A_67 = tpu.memref_slice %arg2[%run_scoped3A, %mul3A_4, %dma_start3A_66] : memref<2x10240x16xf32, #tpu.memory_space<hbm>> -> memref<1x640x16xf32, #tpu.memory_space<hbm>>
      %dma_start3A_68 = tpu.memref_squeeze %dma_start3A_67 : memref<1x640x16xf32, #tpu.memory_space<hbm>> -> memref<640x16xf32, #tpu.memory_space<hbm>>
      tpu.enqueue_dma source(%dma_start3A_68 : memref<640x16xf32, #tpu.memory_space<hbm>>) target(%arg19 : memref<640x16xf32, #tpu.memory_space<vmem>>) target_semaphore(%run_scoped3A_62 : memref<!tpu.dma_semaphore, #tpu.memory_space<semaphore_mem>>)
      %dma_wait3A_69 = arith.constant 0 : i32
      %dma_wait3A_70 = tpu.memref_slice %arg2[%run_scoped3A, %mul3A_4, %dma_wait3A_69] : memref<2x10240x16xf32, #tpu.memory_space<hbm>> -> memref<1x640x16xf32, #tpu.memory_space<hbm>>
      %dma_wait3A_71 = tpu.memref_squeeze %dma_wait3A_70 : memref<1x640x16xf32, #tpu.memory_space<hbm>> -> memref<640x16xf32, #tpu.memory_space<hbm>>
      %dma_wait3A_72 = arith.constant 0 : i32
      %dma_wait3A_73 = tpu.memref_slice %arg2[%run_scoped3A, %mul3A_4, %dma_wait3A_72] : memref<2x10240x16xf32, #tpu.memory_space<hbm>> -> memref<1x640x16xf32, #tpu.memory_space<hbm>>
      %dma_wait3A_74 = tpu.memref_squeeze %dma_wait3A_73 : memref<1x640x16xf32, #tpu.memory_space<hbm>> -> memref<640x16xf32, #tpu.memory_space<hbm>>
      tpu.wait_dma2 semaphore(%run_scoped3A_62 : memref<!tpu.dma_semaphore, #tpu.memory_space<semaphore_mem>>) src(%dma_wait3A_74 : memref<640x16xf32, #tpu.memory_space<hbm>>) dst(%arg19 : memref<640x16xf32, #tpu.memory_space<vmem>>)
      tpu.yield
    }) : () -> ()
    %run_scoped3A_5 = arith.constant 1 : i32
    "tpu.region"() ({
      %run_scoped3A_62 = tpu.sem_alloc : memref<!tpu.dma_semaphore, #tpu.memory_space<semaphore_mem>>
      %dma_start3A_63 = arith.constant 0 : i32
      %dma_start3A_64 = tpu.memref_slice %arg2[%run_scoped3A_5, %mul3A_4, %dma_start3A_63] : memref<2x10240x16xf32, #tpu.memory_space<hbm>> -> memref<1x640x16xf32, #tpu.memory_space<hbm>>
      %dma_start3A_65 = tpu.memref_squeeze %dma_start3A_64 : memref<1x640x16xf32, #tpu.memory_space<hbm>> -> memref<640x16xf32, #tpu.memory_space<hbm>>
      %dma_start3A_66 = arith.constant 0 : i32
      %dma_start3A_67 = tpu.memref_slice %arg2[%run_scoped3A_5, %mul3A_4, %dma_start3A_66] : memref<2x10240x16xf32, #tpu.memory_space<hbm>> -> memref<1x640x16xf32, #tpu.memory_space<hbm>>
      %dma_start3A_68 = tpu.memref_squeeze %dma_start3A_67 : memref<1x640x16xf32, #tpu.memory_space<hbm>> -> memref<640x16xf32, #tpu.memory_space<hbm>>
      tpu.enqueue_dma source(%dma_start3A_68 : memref<640x16xf32, #tpu.memory_space<hbm>>) target(%arg20 : memref<640x16xf32, #tpu.memory_space<vmem>>) target_semaphore(%run_scoped3A_62 : memref<!tpu.dma_semaphore, #tpu.memory_space<semaphore_mem>>)
      %dma_wait3A_69 = arith.constant 0 : i32
      %dma_wait3A_70 = tpu.memref_slice %arg2[%run_scoped3A_5, %mul3A_4, %dma_wait3A_69] : memref<2x10240x16xf32, #tpu.memory_space<hbm>> -> memref<1x640x16xf32, #tpu.memory_space<hbm>>
      %dma_wait3A_71 = tpu.memref_squeeze %dma_wait3A_70 : memref<1x640x16xf32, #tpu.memory_space<hbm>> -> memref<640x16xf32, #tpu.memory_space<hbm>>
      %dma_wait3A_72 = arith.constant 0 : i32
      %dma_wait3A_73 = tpu.memref_slice %arg2[%run_scoped3A_5, %mul3A_4, %dma_wait3A_72] : memref<2x10240x16xf32, #tpu.memory_space<hbm>> -> memref<1x640x16xf32, #tpu.memory_space<hbm>>
      %dma_wait3A_74 = tpu.memref_squeeze %dma_wait3A_73 : memref<1x640x16xf32, #tpu.memory_space<hbm>> -> memref<640x16xf32, #tpu.memory_space<hbm>>
      tpu.wait_dma2 semaphore(%run_scoped3A_62 : memref<!tpu.dma_semaphore, #tpu.memory_space<semaphore_mem>>) src(%dma_wait3A_74 : memref<640x16xf32, #tpu.memory_space<hbm>>) dst(%arg20 : memref<640x16xf32, #tpu.memory_space<vmem>>)
      tpu.yield
    }) : () -> ()
    "tpu.region"() ({
      %run_scoped3A_62 = tpu.sem_alloc : memref<!tpu.dma_semaphore, #tpu.memory_space<semaphore_mem>>
      %dma_start3A_63 = arith.constant 0 : i32
      %dma_start3A_64 = tpu.memref_slice %arg3[%mul3A_4, %dma_start3A_63] : memref<10240x16xf32, #tpu.memory_space<hbm>> -> memref<640x16xf32, #tpu.memory_space<hbm>>
      %dma_start3A_65 = arith.constant 0 : i32
      %dma_start3A_66 = tpu.memref_slice %arg3[%mul3A_4, %dma_start3A_65] : memref<10240x16xf32, #tpu.memory_space<hbm>> -> memref<640x16xf32, #tpu.memory_space<hbm>>
      tpu.enqueue_dma source(%dma_start3A_66 : memref<640x16xf32, #tpu.memory_space<hbm>>) target(%arg22 : memref<640x16xf32, #tpu.memory_space<vmem>>) target_semaphore(%run_scoped3A_62 : memref<!tpu.dma_semaphore, #tpu.memory_space<semaphore_mem>>)
      %dma_wait3A_67 = arith.constant 0 : i32
      %dma_wait3A_68 = tpu.memref_slice %arg3[%mul3A_4, %dma_wait3A_67] : memref<10240x16xf32, #tpu.memory_space<hbm>> -> memref<640x16xf32, #tpu.memory_space<hbm>>
      %dma_wait3A_69 = arith.constant 0 : i32
      %dma_wait3A_70 = tpu.memref_slice %arg3[%mul3A_4, %dma_wait3A_69] : memref<10240x16xf32, #tpu.memory_space<hbm>> -> memref<640x16xf32, #tpu.memory_space<hbm>>
      tpu.wait_dma2 semaphore(%run_scoped3A_62 : memref<!tpu.dma_semaphore, #tpu.memory_space<semaphore_mem>>) src(%dma_wait3A_70 : memref<640x16xf32, #tpu.memory_space<hbm>>) dst(%arg22 : memref<640x16xf32, #tpu.memory_space<vmem>>)
      tpu.yield
    }) : () -> ()
    "tpu.region"() ({
      %run_scoped3A_62 = tpu.sem_alloc : memref<!tpu.dma_semaphore, #tpu.memory_space<semaphore_mem>>
      %dma_start3A_63 = arith.constant 0 : i32
      %dma_start3A_64 = tpu.memref_slice %arg4[%mul3A_4, %dma_start3A_63] : memref<10240x16xf32, #tpu.memory_space<hbm>> -> memref<640x16xf32, #tpu.memory_space<hbm>>
      %dma_start3A_65 = arith.constant 0 : i32
      %dma_start3A_66 = tpu.memref_slice %arg4[%mul3A_4, %dma_start3A_65] : memref<10240x16xf32, #tpu.memory_space<hbm>> -> memref<640x16xf32, #tpu.memory_space<hbm>>
      tpu.enqueue_dma source(%dma_start3A_66 : memref<640x16xf32, #tpu.memory_space<hbm>>) target(%arg23 : memref<640x16xf32, #tpu.memory_space<vmem>>) target_semaphore(%run_scoped3A_62 : memref<!tpu.dma_semaphore, #tpu.memory_space<semaphore_mem>>)
      %dma_wait3A_67 = arith.constant 0 : i32
      %dma_wait3A_68 = tpu.memref_slice %arg4[%mul3A_4, %dma_wait3A_67] : memref<10240x16xf32, #tpu.memory_space<hbm>> -> memref<640x16xf32, #tpu.memory_space<hbm>>
      %dma_wait3A_69 = arith.constant 0 : i32
      %dma_wait3A_70 = tpu.memref_slice %arg4[%mul3A_4, %dma_wait3A_69] : memref<10240x16xf32, #tpu.memory_space<hbm>> -> memref<640x16xf32, #tpu.memory_space<hbm>>
      tpu.wait_dma2 semaphore(%run_scoped3A_62 : memref<!tpu.dma_semaphore, #tpu.memory_space<semaphore_mem>>) src(%dma_wait3A_70 : memref<640x16xf32, #tpu.memory_space<hbm>>) dst(%arg23 : memref<640x16xf32, #tpu.memory_space<vmem>>)
      tpu.yield
    }) : () -> ()
    "tpu.region"() ({
      %run_scoped3A_62 = tpu.sem_alloc : memref<!tpu.dma_semaphore, #tpu.memory_space<semaphore_mem>>
      tpu.enqueue_dma source(%arg5 : memref<16xf32, #tpu.memory_space<hbm>>) target(%arg24 : memref<16xf32, #tpu.memory_space<vmem>>) target_semaphore(%run_scoped3A_62 : memref<!tpu.dma_semaphore, #tpu.memory_space<semaphore_mem>>)
      tpu.wait_dma2 semaphore(%run_scoped3A_62 : memref<!tpu.dma_semaphore, #tpu.memory_space<semaphore_mem>>) src(%arg5 : memref<16xf32, #tpu.memory_space<hbm>>) dst(%arg24 : memref<16xf32, #tpu.memory_space<vmem>>)
      tpu.yield
    }) : () -> ()
    "tpu.region"() ({
      %run_scoped3A_62 = tpu.sem_alloc : memref<!tpu.dma_semaphore, #tpu.memory_space<semaphore_mem>>
      %dma_start3A_63 = arith.constant 0 : i32
      %dma_start3A_64 = arith.constant 0 : i32
      %dma_start3A_65 = tpu.memref_slice %arg6[%add3A, %dma_start3A_63, %dma_start3A_64] : memref<32x125x80xi32, #tpu.memory_space<hbm>> -> memref<1x125x80xi32, #tpu.memory_space<hbm>>
      %dma_start3A_66 = tpu.memref_squeeze %dma_start3A_65 : memref<1x125x80xi32, #tpu.memory_space<hbm>> -> memref<125x80xi32, #tpu.memory_space<hbm>>
      %dma_start3A_67 = arith.constant 0 : i32
      %dma_start3A_68 = arith.constant 0 : i32
      %dma_start3A_69 = tpu.memref_slice %arg6[%add3A, %dma_start3A_67, %dma_start3A_68] : memref<32x125x80xi32, #tpu.memory_space<hbm>> -> memref<1x125x80xi32, #tpu.memory_space<hbm>>
      %dma_start3A_70 = tpu.memref_squeeze %dma_start3A_69 : memref<1x125x80xi32, #tpu.memory_space<hbm>> -> memref<125x80xi32, #tpu.memory_space<hbm>>
      tpu.enqueue_dma source(%dma_start3A_70 : memref<125x80xi32, #tpu.memory_space<hbm>>) target(%arg10 : memref<125x80xi32, #tpu.memory_space<vmem>>) target_semaphore(%run_scoped3A_62 : memref<!tpu.dma_semaphore, #tpu.memory_space<semaphore_mem>>)
      %dma_wait3A_71 = arith.constant 0 : i32
      %dma_wait3A_72 = arith.constant 0 : i32
      %dma_wait3A_73 = tpu.memref_slice %arg6[%add3A, %dma_wait3A_71, %dma_wait3A_72] : memref<32x125x80xi32, #tpu.memory_space<hbm>> -> memref<1x125x80xi32, #tpu.memory_space<hbm>>
      %dma_wait3A_74 = tpu.memref_squeeze %dma_wait3A_73 : memref<1x125x80xi32, #tpu.memory_space<hbm>> -> memref<125x80xi32, #tpu.memory_space<hbm>>
      %dma_wait3A_75 = arith.constant 0 : i32
      %dma_wait3A_76 = arith.constant 0 : i32
      %dma_wait3A_77 = tpu.memref_slice %arg6[%add3A, %dma_wait3A_75, %dma_wait3A_76] : memref<32x125x80xi32, #tpu.memory_space<hbm>> -> memref<1x125x80xi32, #tpu.memory_space<hbm>>
      %dma_wait3A_78 = tpu.memref_squeeze %dma_wait3A_77 : memref<1x125x80xi32, #tpu.memory_space<hbm>> -> memref<125x80xi32, #tpu.memory_space<hbm>>
      tpu.wait_dma2 semaphore(%run_scoped3A_62 : memref<!tpu.dma_semaphore, #tpu.memory_space<semaphore_mem>>) src(%dma_wait3A_78 : memref<125x80xi32, #tpu.memory_space<hbm>>) dst(%arg10 : memref<125x80xi32, #tpu.memory_space<vmem>>)
      tpu.yield
    }) : () -> ()
    "tpu.region"() ({
      %run_scoped3A_62 = tpu.sem_alloc : memref<!tpu.dma_semaphore, #tpu.memory_space<semaphore_mem>>
      %dma_start3A_63 = arith.constant 0 : i32
      %dma_start3A_64 = arith.constant 0 : i32
      %dma_start3A_65 = tpu.memref_slice %arg7[%add3A, %dma_start3A_63, %dma_start3A_64] : memref<32x125x80xi32, #tpu.memory_space<hbm>> -> memref<1x125x80xi32, #tpu.memory_space<hbm>>
      %dma_start3A_66 = tpu.memref_squeeze %dma_start3A_65 : memref<1x125x80xi32, #tpu.memory_space<hbm>> -> memref<125x80xi32, #tpu.memory_space<hbm>>
      %dma_start3A_67 = arith.constant 0 : i32
      %dma_start3A_68 = arith.constant 0 : i32
      %dma_start3A_69 = tpu.memref_slice %arg7[%add3A, %dma_start3A_67, %dma_start3A_68] : memref<32x125x80xi32, #tpu.memory_space<hbm>> -> memref<1x125x80xi32, #tpu.memory_space<hbm>>
      %dma_start3A_70 = tpu.memref_squeeze %dma_start3A_69 : memref<1x125x80xi32, #tpu.memory_space<hbm>> -> memref<125x80xi32, #tpu.memory_space<hbm>>
      tpu.enqueue_dma source(%dma_start3A_70 : memref<125x80xi32, #tpu.memory_space<hbm>>) target(%arg11 : memref<125x80xi32, #tpu.memory_space<vmem>>) target_semaphore(%run_scoped3A_62 : memref<!tpu.dma_semaphore, #tpu.memory_space<semaphore_mem>>)
      %dma_wait3A_71 = arith.constant 0 : i32
      %dma_wait3A_72 = arith.constant 0 : i32
      %dma_wait3A_73 = tpu.memref_slice %arg7[%add3A, %dma_wait3A_71, %dma_wait3A_72] : memref<32x125x80xi32, #tpu.memory_space<hbm>> -> memref<1x125x80xi32, #tpu.memory_space<hbm>>
      %dma_wait3A_74 = tpu.memref_squeeze %dma_wait3A_73 : memref<1x125x80xi32, #tpu.memory_space<hbm>> -> memref<125x80xi32, #tpu.memory_space<hbm>>
      %dma_wait3A_75 = arith.constant 0 : i32
      %dma_wait3A_76 = arith.constant 0 : i32
      %dma_wait3A_77 = tpu.memref_slice %arg7[%add3A, %dma_wait3A_75, %dma_wait3A_76] : memref<32x125x80xi32, #tpu.memory_space<hbm>> -> memref<1x125x80xi32, #tpu.memory_space<hbm>>
      %dma_wait3A_78 = tpu.memref_squeeze %dma_wait3A_77 : memref<1x125x80xi32, #tpu.memory_space<hbm>> -> memref<125x80xi32, #tpu.memory_space<hbm>>
      tpu.wait_dma2 semaphore(%run_scoped3A_62 : memref<!tpu.dma_semaphore, #tpu.memory_space<semaphore_mem>>) src(%dma_wait3A_78 : memref<125x80xi32, #tpu.memory_space<hbm>>) dst(%arg11 : memref<125x80xi32, #tpu.memory_space<vmem>>)
      tpu.yield
    }) : () -> ()
    %get3A = arith.constant 0 : index
    %get3A_6 = tpu.vector_load %arg24[%get3A] {strides = array<i32>} : memref<16xf32, #tpu.memory_space<vmem>>, vector<16xf32>,
    %get3A_7 = vector.shape_cast %get3A_6 : vector<16xf32> to vector<16xf32>
    %scan3A = arith.constant 0 : i32
    %scan3A_8 = arith.constant 0 : i32
    %scan3A_9 = arith.constant 640 : i32
    %scan3A_10 = arith.addi %scan3A_8, %scan3A_9 : i32
    %scan3A_11 = arith.constant 1 : i32
    scf.for %scan3A_62 = %scan3A_8 to %scan3A_10 step %scan3A_11  : i32 {
      %get3A_63 = arith.index_cast %scan3A_62 : i32 to index
      %get3A_64 = arith.constant 0 : index
      %get3A_65 = tpu.vector_load %arg19[%get3A_63, %get3A_64] {strides = array<i32>} : memref<640x16xf32, #tpu.memory_space<vmem>>, vector<1x16xf32>,
      %get3A_66 = vector.shape_cast %get3A_65 : vector<1x16xf32> to vector<16xf32>
      %get3A_67 = arith.index_cast %scan3A_62 : i32 to index
      %get3A_68 = arith.constant 0 : index
      %get3A_69 = tpu.vector_load %arg20[%get3A_67, %get3A_68] {strides = array<i32>} : memref<640x16xf32, #tpu.memory_space<vmem>>, vector<1x16xf32>,
      %get3A_70 = vector.shape_cast %get3A_69 : vector<1x16xf32> to vector<16xf32>
      %add3A_71 = arith.addf %get3A_66, %get3A_70 : vector<16xf32>
      %get3A_72 = arith.index_cast %scan3A_62 : i32 to index
      %get3A_73 = arith.constant 0 : index
      %get3A_74 = tpu.vector_load %arg22[%get3A_72, %get3A_73] {strides = array<i32>} : memref<640x16xf32, #tpu.memory_space<vmem>>, vector<1x16xf32>,
      %get3A_75 = vector.shape_cast %get3A_74 : vector<1x16xf32> to vector<16xf32>
      %mul3A_76 = arith.mulf %add3A_71, %get3A_75 : vector<16xf32>
      %add3A_77 = arith.addf %mul3A_76, %get3A_7 : vector<16xf32>
      %max3A = arith.constant 0.000000e+00 : f32
      %max3A_78 = vector.broadcast %max3A : f32 to vector<16xf32>
      %max3A_79 = arith.maximumf %add3A_77, %max3A_78 : vector<16xf32>
      %get3A_80 = arith.index_cast %scan3A_62 : i32 to index
      %get3A_81 = arith.constant 0 : index
      %get3A_82 = tpu.vector_load %arg23[%get3A_80, %get3A_81] {strides = array<i32>} : memref<640x16xf32, #tpu.memory_space<vmem>>, vector<1x16xf32>,
      %get3A_83 = vector.shape_cast %get3A_82 : vector<1x16xf32> to vector<16xf32>
      %mul3A_84 = arith.mulf %max3A_79, %get3A_83 : vector<16xf32>
      %swap3A = arith.index_cast %scan3A_62 : i32 to index
      %swap3A_85 = arith.constant 0 : index
      %swap3A_86 = tpu.vector_load %arg21[%swap3A, %swap3A_85] {strides = array<i32>} : memref<640x16xf32, #tpu.memory_space<vmem>>, vector<1x16xf32>,
      %swap3A_87 = vector.shape_cast %swap3A_86 : vector<1x16xf32> to vector<16xf32>
      %swap3A_88 = vector.shape_cast %mul3A_84 : vector<16xf32> to vector<1x16xf32>
      tpu.vector_store %arg21[%swap3A, %swap3A_85], %swap3A_88 {strides = array<i32>} : memref<640x16xf32, #tpu.memory_space<vmem>>, vector<1x16xf32>,
    }
    %scan3A_12 = arith.constant 640 : i32
    "tpu.region"() ({
      %run_scoped3A_62 = tpu.sem_alloc : memref<!tpu.dma_semaphore, #tpu.memory_space<semaphore_mem>>
      %dma_start3A_63 = arith.constant 0 : i32
      %dma_start3A_64 = tpu.memref_slice %arg17[%mul3A_4, %dma_start3A_63] : memref<10240x16xf32, #tpu.memory_space<vmem_shared>> -> memref<640x16xf32, #tpu.memory_space<vmem_shared>>
      %dma_start3A_65 = arith.constant 0 : i32
      %dma_start3A_66 = tpu.memref_slice %arg17[%mul3A_4, %dma_start3A_65] : memref<10240x16xf32, #tpu.memory_space<vmem_shared>> -> memref<640x16xf32, #tpu.memory_space<vmem_shared>>
      tpu.enqueue_dma source(%arg21 : memref<640x16xf32, #tpu.memory_space<vmem>>) target(%dma_start3A_66 : memref<640x16xf32, #tpu.memory_space<vmem_shared>>) target_semaphore(%run_scoped3A_62 : memref<!tpu.dma_semaphore, #tpu.memory_space<semaphore_mem>>)
      %dma_wait3A_67 = arith.constant 0 : i32
      %dma_wait3A_68 = tpu.memref_slice %arg17[%mul3A_4, %dma_wait3A_67] : memref<10240x16xf32, #tpu.memory_space<vmem_shared>> -> memref<640x16xf32, #tpu.memory_space<vmem_shared>>
      %dma_wait3A_69 = arith.constant 0 : i32
      %dma_wait3A_70 = tpu.memref_slice %arg17[%mul3A_4, %dma_wait3A_69] : memref<10240x16xf32, #tpu.memory_space<vmem_shared>> -> memref<640x16xf32, #tpu.memory_space<vmem_shared>>
      tpu.wait_dma2 semaphore(%run_scoped3A_62 : memref<!tpu.dma_semaphore, #tpu.memory_space<semaphore_mem>>) src(%arg21 : memref<640x16xf32, #tpu.memory_space<vmem>>) dst(%dma_wait3A_70 : memref<640x16xf32, #tpu.memory_space<vmem_shared>>)
      tpu.yield
    }) : () -> ()
    %barrier3A = arith.constant 0 : index
    tpu.barrier barrier_id(%barrier3A)
    %dma_start3A = arith.constant 0 : i32
    %dma_start3A_13 = arith.constant 0 : i32
    %dma_start3A_14 = tpu.memref_slice %arg10[%dma_start3A, %dma_start3A_13] : memref<125x80xi32, #tpu.memory_space<vmem>> -> memref<1x80xi32, #tpu.memory_space<vmem>>
    %dma_start3A_15 = tpu.memref_squeeze %dma_start3A_14 : memref<1x80xi32, #tpu.memory_space<vmem>> -> memref<80xi32, #tpu.memory_space<vmem>>
    %dma_start3A_16 = arith.constant 0 : i32
    %dma_start3A_17 = arith.constant 0 : i32
    %dma_start3A_18 = tpu.memref_slice %arg17[%dma_start3A_16, %dma_start3A_17] : memref<10240x16xf32, #tpu.memory_space<vmem_shared>> -> memref<10240x16xf32, #tpu.memory_space<vmem_shared>>
    tpu.enqueue_indirect_dma source(%dma_start3A_18 : memref<10240x16xf32, #tpu.memory_space<vmem_shared>>) target(%arg12 : memref<80x16xf32, #tpu.memory_space<vmem>>) offsets(%dma_start3A_15 : memref<80xi32, #tpu.memory_space<vmem>>) semaphore(%arg25 : memref<!tpu.dma_semaphore, #tpu.memory_space<semaphore_mem>>)
    %dma_start3A_19 = arith.constant 1 : i32
    %dma_start3A_20 = arith.constant 0 : i32
    %dma_start3A_21 = tpu.memref_slice %arg10[%dma_start3A_19, %dma_start3A_20] : memref<125x80xi32, #tpu.memory_space<vmem>> -> memref<1x80xi32, #tpu.memory_space<vmem>>
    %dma_start3A_22 = tpu.memref_squeeze %dma_start3A_21 : memref<1x80xi32, #tpu.memory_space<vmem>> -> memref<80xi32, #tpu.memory_space<vmem>>
    %dma_start3A_23 = arith.constant 0 : i32
    %dma_start3A_24 = arith.constant 0 : i32
    %dma_start3A_25 = tpu.memref_slice %arg17[%dma_start3A_23, %dma_start3A_24] : memref<10240x16xf32, #tpu.memory_space<vmem_shared>> -> memref<10240x16xf32, #tpu.memory_space<vmem_shared>>
    tpu.enqueue_indirect_dma source(%dma_start3A_25 : memref<10240x16xf32, #tpu.memory_space<vmem_shared>>) target(%arg13 : memref<80x16xf32, #tpu.memory_space<vmem>>) offsets(%dma_start3A_22 : memref<80xi32, #tpu.memory_space<vmem>>) semaphore(%arg26 : memref<!tpu.dma_semaphore, #tpu.memory_space<semaphore_mem>>)
    %dma_start3A_26 = arith.constant 2 : i32
    %dma_start3A_27 = arith.constant 0 : i32
    %dma_start3A_28 = tpu.memref_slice %arg10[%dma_start3A_26, %dma_start3A_27] : memref<125x80xi32, #tpu.memory_space<vmem>> -> memref<1x80xi32, #tpu.memory_space<vmem>>
    %dma_start3A_29 = tpu.memref_squeeze %dma_start3A_28 : memref<1x80xi32, #tpu.memory_space<vmem>> -> memref<80xi32, #tpu.memory_space<vmem>>
    %dma_start3A_30 = arith.constant 0 : i32
    %dma_start3A_31 = arith.constant 0 : i32
    %dma_start3A_32 = tpu.memref_slice %arg17[%dma_start3A_30, %dma_start3A_31] : memref<10240x16xf32, #tpu.memory_space<vmem_shared>> -> memref<10240x16xf32, #tpu.memory_space<vmem_shared>>
    tpu.enqueue_indirect_dma source(%dma_start3A_32 : memref<10240x16xf32, #tpu.memory_space<vmem_shared>>) target(%arg14 : memref<80x16xf32, #tpu.memory_space<vmem>>) offsets(%dma_start3A_29 : memref<80xi32, #tpu.memory_space<vmem>>) semaphore(%arg27 : memref<!tpu.dma_semaphore, #tpu.memory_space<semaphore_mem>>)
    %dma_start3A_33 = arith.constant 3 : i32
    %dma_start3A_34 = arith.constant 0 : i32
    %dma_start3A_35 = tpu.memref_slice %arg10[%dma_start3A_33, %dma_start3A_34] : memref<125x80xi32, #tpu.memory_space<vmem>> -> memref<1x80xi32, #tpu.memory_space<vmem>>
    %dma_start3A_36 = tpu.memref_squeeze %dma_start3A_35 : memref<1x80xi32, #tpu.memory_space<vmem>> -> memref<80xi32, #tpu.memory_space<vmem>>
    %dma_start3A_37 = arith.constant 0 : i32
    %dma_start3A_38 = arith.constant 0 : i32
    %dma_start3A_39 = tpu.memref_slice %arg17[%dma_start3A_37, %dma_start3A_38] : memref<10240x16xf32, #tpu.memory_space<vmem_shared>> -> memref<10240x16xf32, #tpu.memory_space<vmem_shared>>
    tpu.enqueue_indirect_dma source(%dma_start3A_39 : memref<10240x16xf32, #tpu.memory_space<vmem_shared>>) target(%arg15 : memref<80x16xf32, #tpu.memory_space<vmem>>) offsets(%dma_start3A_36 : memref<80xi32, #tpu.memory_space<vmem>>) semaphore(%arg28 : memref<!tpu.dma_semaphore, #tpu.memory_space<semaphore_mem>>)
    %scan3A_40 = arith.constant 0 : i32
    %scan3A_41 = arith.constant 0 : i32
    %scan3A_42 = arith.constant 25 : i32
    %scan3A_43 = arith.addi %scan3A_41, %scan3A_42 : i32
    %scan3A_44 = arith.constant 1 : i32
    scf.for %scan3A_62 = %scan3A_41 to %scan3A_43 step %scan3A_44  : i32 {
      %mul3A_63 = arith.constant 5 : i32
      %mul3A_64 = arith.muli %mul3A_63, %scan3A_62 : i32
      %add3A_65 = arith.constant 0 : i32
      %add3A_66 = arith.addi %mul3A_64, %add3A_65 : i32
      %add3A_67 = arith.constant 4 : i32
      %add3A_68 = arith.addi %add3A_66, %add3A_67 : i32
      %gt3A = arith.constant 0 : i32
      %gt3A_69 = arith.cmpi sgt, %scan3A_62, %gt3A : i32
      %convert_element_type3A_70 = arith.extui %gt3A_69 : i1 to i32
      %cond3A_71 = arith.constant 0 : i32
      %cond3A_72 = arith.cmpi ne, %convert_element_type3A_70, %cond3A_71 : i32
      scf.if %cond3A_72 {
        %dma_wait3A_236 = arith.constant 0 : i32
        %dma_wait3A_237 = arith.constant 0 : i32
        %dma_wait3A_238 = tpu.memref_slice %arg11[%dma_wait3A_236, %dma_wait3A_237] : memref<125x80xi32, #tpu.memory_space<vmem>> -> memref<1x80xi32, #tpu.memory_space<vmem>>
        %dma_wait3A_239 = tpu.memref_squeeze %dma_wait3A_238 : memref<1x80xi32, #tpu.memory_space<vmem>> -> memref<80xi32, #tpu.memory_space<vmem>>
        %dma_wait3A_240 = arith.constant 0 : i32
        %dma_wait3A_241 = arith.constant 0 : i32
        %dma_wait3A_242 = tpu.memref_slice %arg18[%dma_wait3A_240, %dma_wait3A_241] : memref<10000x16xf32, #tpu.memory_space<vmem_shared>> -> memref<10000x16xf32, #tpu.memory_space<vmem_shared>>
        tpu.wait_indirect_dma semaphore(%arg34 : memref<!tpu.dma_semaphore, #tpu.memory_space<semaphore_mem>>) src(%arg16 : memref<80x16xf32, #tpu.memory_space<vmem>>) dst(%dma_wait3A_242 : memref<10000x16xf32, #tpu.memory_space<vmem_shared>>)
      } else {
      }
      %dma_start3A_73 = arith.constant 0 : i32
      %dma_start3A_74 = tpu.memref_slice %arg10[%add3A_68, %dma_start3A_73] : memref<125x80xi32, #tpu.memory_space<vmem>> -> memref<1x80xi32, #tpu.memory_space<vmem>>
      %dma_start3A_75 = tpu.memref_squeeze %dma_start3A_74 : memref<1x80xi32, #tpu.memory_space<vmem>> -> memref<80xi32, #tpu.memory_space<vmem>>
      %dma_start3A_76 = arith.constant 0 : i32
      %dma_start3A_77 = arith.constant 0 : i32
      %dma_start3A_78 = tpu.memref_slice %arg17[%dma_start3A_76, %dma_start3A_77] : memref<10240x16xf32, #tpu.memory_space<vmem_shared>> -> memref<10240x16xf32, #tpu.memory_space<vmem_shared>>
      tpu.enqueue_indirect_dma source(%dma_start3A_78 : memref<10240x16xf32, #tpu.memory_space<vmem_shared>>) target(%arg16 : memref<80x16xf32, #tpu.memory_space<vmem>>) offsets(%dma_start3A_75 : memref<80xi32, #tpu.memory_space<vmem>>) semaphore(%arg29 : memref<!tpu.dma_semaphore, #tpu.memory_space<semaphore_mem>>)
      %mul3A_79 = arith.constant 5 : i32
      %mul3A_80 = arith.muli %mul3A_79, %scan3A_62 : i32
      %add3A_81 = arith.constant 0 : i32
      %add3A_82 = arith.addi %mul3A_80, %add3A_81 : i32
      %dma_wait3A_83 = arith.constant 0 : i32
      %dma_wait3A_84 = arith.constant 0 : i32
      %dma_wait3A_85 = tpu.memref_slice %arg10[%dma_wait3A_83, %dma_wait3A_84] : memref<125x80xi32, #tpu.memory_space<vmem>> -> memref<1x80xi32, #tpu.memory_space<vmem>>
      %dma_wait3A_86 = tpu.memref_squeeze %dma_wait3A_85 : memref<1x80xi32, #tpu.memory_space<vmem>> -> memref<80xi32, #tpu.memory_space<vmem>>
      %dma_wait3A_87 = arith.constant 0 : i32
      %dma_wait3A_88 = arith.constant 0 : i32
      %dma_wait3A_89 = tpu.memref_slice %arg17[%dma_wait3A_87, %dma_wait3A_88] : memref<10240x16xf32, #tpu.memory_space<vmem_shared>> -> memref<10240x16xf32, #tpu.memory_space<vmem_shared>>
      tpu.wait_indirect_dma semaphore(%arg25 : memref<!tpu.dma_semaphore, #tpu.memory_space<semaphore_mem>>) src(%dma_wait3A_89 : memref<10240x16xf32, #tpu.memory_space<vmem_shared>>) dst(%arg12 : memref<80x16xf32, #tpu.memory_space<vmem>>)
      %dma_start3A_90 = arith.constant 0 : i32
      %dma_start3A_91 = tpu.memref_slice %arg11[%add3A_82, %dma_start3A_90] : memref<125x80xi32, #tpu.memory_space<vmem>> -> memref<1x80xi32, #tpu.memory_space<vmem>>
      %dma_start3A_92 = tpu.memref_squeeze %dma_start3A_91 : memref<1x80xi32, #tpu.memory_space<vmem>> -> memref<80xi32, #tpu.memory_space<vmem>>
      %dma_start3A_93 = arith.constant 0 : i32
      %dma_start3A_94 = arith.constant 0 : i32
      %dma_start3A_95 = tpu.memref_slice %arg18[%dma_start3A_93, %dma_start3A_94] : memref<10000x16xf32, #tpu.memory_space<vmem_shared>> -> memref<10000x16xf32, #tpu.memory_space<vmem_shared>>
      tpu.enqueue_indirect_dma source(%arg12 : memref<80x16xf32, #tpu.memory_space<vmem>>) target(%dma_start3A_95 : memref<10000x16xf32, #tpu.memory_space<vmem_shared>>) offsets(%dma_start3A_92 : memref<80xi32, #tpu.memory_space<vmem>>) semaphore(%arg30 : memref<!tpu.dma_semaphore, #tpu.memory_space<semaphore_mem>>) {add = true}
      %mul3A_96 = arith.constant 5 : i32
      %mul3A_97 = arith.muli %mul3A_96, %scan3A_62 : i32
      %add3A_98 = arith.constant 1 : i32
      %add3A_99 = arith.addi %mul3A_97, %add3A_98 : i32
      %add3A_100 = arith.constant 4 : i32
      %add3A_101 = arith.addi %add3A_99, %add3A_100 : i32
      %dma_wait3A_102 = arith.constant 0 : i32
      %dma_wait3A_103 = arith.constant 0 : i32
      %dma_wait3A_104 = tpu.memref_slice %arg11[%dma_wait3A_102, %dma_wait3A_103] : memref<125x80xi32, #tpu.memory_space<vmem>> -> memref<1x80xi32, #tpu.memory_space<vmem>>
      %dma_wait3A_105 = tpu.memref_squeeze %dma_wait3A_104 : memref<1x80xi32, #tpu.memory_space<vmem>> -> memref<80xi32, #tpu.memory_space<vmem>>
      %dma_wait3A_106 = arith.constant 0 : i32
      %dma_wait3A_107 = arith.constant 0 : i32
      %dma_wait3A_108 = tpu.memref_slice %arg18[%dma_wait3A_106, %dma_wait3A_107] : memref<10000x16xf32, #tpu.memory_space<vmem_shared>> -> memref<10000x16xf32, #tpu.memory_space<vmem_shared>>
      tpu.wait_indirect_dma semaphore(%arg30 : memref<!tpu.dma_semaphore, #tpu.memory_space<semaphore_mem>>) src(%arg12 : memref<80x16xf32, #tpu.memory_space<vmem>>) dst(%dma_wait3A_108 : memref<10000x16xf32, #tpu.memory_space<vmem_shared>>)
      %lt3A_109 = arith.constant 125 : i32
      %lt3A_110 = arith.cmpi slt, %add3A_101, %lt3A_109 : i32
      %convert_element_type3A_111 = arith.extui %lt3A_110 : i1 to i32
      %cond3A_112 = arith.constant 0 : i32
      %cond3A_113 = arith.cmpi ne, %convert_element_type3A_111, %cond3A_112 : i32
      scf.if %cond3A_113 {
        %dma_start3A_236 = arith.constant 0 : i32
        %dma_start3A_237 = tpu.memref_slice %arg10[%add3A_101, %dma_start3A_236] : memref<125x80xi32, #tpu.memory_space<vmem>> -> memref<1x80xi32, #tpu.memory_space<vmem>>
        %dma_start3A_238 = tpu.memref_squeeze %dma_start3A_237 : memref<1x80xi32, #tpu.memory_space<vmem>> -> memref<80xi32, #tpu.memory_space<vmem>>
        %dma_start3A_239 = arith.constant 0 : i32
        %dma_start3A_240 = arith.constant 0 : i32
        %dma_start3A_241 = tpu.memref_slice %arg17[%dma_start3A_239, %dma_start3A_240] : memref<10240x16xf32, #tpu.memory_space<vmem_shared>> -> memref<10240x16xf32, #tpu.memory_space<vmem_shared>>
        tpu.enqueue_indirect_dma source(%dma_start3A_241 : memref<10240x16xf32, #tpu.memory_space<vmem_shared>>) target(%arg12 : memref<80x16xf32, #tpu.memory_space<vmem>>) offsets(%dma_start3A_238 : memref<80xi32, #tpu.memory_space<vmem>>) semaphore(%arg25 : memref<!tpu.dma_semaphore, #tpu.memory_space<semaphore_mem>>)
      } else {
      }
      %mul3A_114 = arith.constant 5 : i32
      %mul3A_115 = arith.muli %mul3A_114, %scan3A_62 : i32
      %add3A_116 = arith.constant 1 : i32
      %add3A_117 = arith.addi %mul3A_115, %add3A_116 : i32
      %dma_wait3A_118 = arith.constant 0 : i32
      %dma_wait3A_119 = arith.constant 0 : i32
      %dma_wait3A_120 = tpu.memref_slice %arg10[%dma_wait3A_118, %dma_wait3A_119] : memref<125x80xi32, #tpu.memory_space<vmem>> -> memref<1x80xi32, #tpu.memory_space<vmem>>
      %dma_wait3A_121 = tpu.memref_squeeze %dma_wait3A_120 : memref<1x80xi32, #tpu.memory_space<vmem>> -> memref<80xi32, #tpu.memory_space<vmem>>
      %dma_wait3A_122 = arith.constant 0 : i32
      %dma_wait3A_123 = arith.constant 0 : i32
      %dma_wait3A_124 = tpu.memref_slice %arg17[%dma_wait3A_122, %dma_wait3A_123] : memref<10240x16xf32, #tpu.memory_space<vmem_shared>> -> memref<10240x16xf32, #tpu.memory_space<vmem_shared>>
      tpu.wait_indirect_dma semaphore(%arg26 : memref<!tpu.dma_semaphore, #tpu.memory_space<semaphore_mem>>) src(%dma_wait3A_124 : memref<10240x16xf32, #tpu.memory_space<vmem_shared>>) dst(%arg13 : memref<80x16xf32, #tpu.memory_space<vmem>>)
      %dma_start3A_125 = arith.constant 0 : i32
      %dma_start3A_126 = tpu.memref_slice %arg11[%add3A_117, %dma_start3A_125] : memref<125x80xi32, #tpu.memory_space<vmem>> -> memref<1x80xi32, #tpu.memory_space<vmem>>
      %dma_start3A_127 = tpu.memref_squeeze %dma_start3A_126 : memref<1x80xi32, #tpu.memory_space<vmem>> -> memref<80xi32, #tpu.memory_space<vmem>>
      %dma_start3A_128 = arith.constant 0 : i32
      %dma_start3A_129 = arith.constant 0 : i32
      %dma_start3A_130 = tpu.memref_slice %arg18[%dma_start3A_128, %dma_start3A_129] : memref<10000x16xf32, #tpu.memory_space<vmem_shared>> -> memref<10000x16xf32, #tpu.memory_space<vmem_shared>>
      tpu.enqueue_indirect_dma source(%arg13 : memref<80x16xf32, #tpu.memory_space<vmem>>) target(%dma_start3A_130 : memref<10000x16xf32, #tpu.memory_space<vmem_shared>>) offsets(%dma_start3A_127 : memref<80xi32, #tpu.memory_space<vmem>>) semaphore(%arg31 : memref<!tpu.dma_semaphore, #tpu.memory_space<semaphore_mem>>) {add = true}
      %mul3A_131 = arith.constant 5 : i32
      %mul3A_132 = arith.muli %mul3A_131, %scan3A_62 : i32
      %add3A_133 = arith.constant 2 : i32
      %add3A_134 = arith.addi %mul3A_132, %add3A_133 : i32
      %add3A_135 = arith.constant 4 : i32
      %add3A_136 = arith.addi %add3A_134, %add3A_135 : i32
      %dma_wait3A_137 = arith.constant 0 : i32
      %dma_wait3A_138 = arith.constant 0 : i32
      %dma_wait3A_139 = tpu.memref_slice %arg11[%dma_wait3A_137, %dma_wait3A_138] : memref<125x80xi32, #tpu.memory_space<vmem>> -> memref<1x80xi32, #tpu.memory_space<vmem>>
      %dma_wait3A_140 = tpu.memref_squeeze %dma_wait3A_139 : memref<1x80xi32, #tpu.memory_space<vmem>> -> memref<80xi32, #tpu.memory_space<vmem>>
      %dma_wait3A_141 = arith.constant 0 : i32
      %dma_wait3A_142 = arith.constant 0 : i32
      %dma_wait3A_143 = tpu.memref_slice %arg18[%dma_wait3A_141, %dma_wait3A_142] : memref<10000x16xf32, #tpu.memory_space<vmem_shared>> -> memref<10000x16xf32, #tpu.memory_space<vmem_shared>>
      tpu.wait_indirect_dma semaphore(%arg31 : memref<!tpu.dma_semaphore, #tpu.memory_space<semaphore_mem>>) src(%arg13 : memref<80x16xf32, #tpu.memory_space<vmem>>) dst(%dma_wait3A_143 : memref<10000x16xf32, #tpu.memory_space<vmem_shared>>)
      %lt3A_144 = arith.constant 125 : i32
      %lt3A_145 = arith.cmpi slt, %add3A_136, %lt3A_144 : i32
      %convert_element_type3A_146 = arith.extui %lt3A_145 : i1 to i32
      %cond3A_147 = arith.constant 0 : i32
      %cond3A_148 = arith.cmpi ne, %convert_element_type3A_146, %cond3A_147 : i32
      scf.if %cond3A_148 {
        %dma_start3A_236 = arith.constant 0 : i32
        %dma_start3A_237 = tpu.memref_slice %arg10[%add3A_136, %dma_start3A_236] : memref<125x80xi32, #tpu.memory_space<vmem>> -> memref<1x80xi32, #tpu.memory_space<vmem>>
        %dma_start3A_238 = tpu.memref_squeeze %dma_start3A_237 : memref<1x80xi32, #tpu.memory_space<vmem>> -> memref<80xi32, #tpu.memory_space<vmem>>
        %dma_start3A_239 = arith.constant 0 : i32
        %dma_start3A_240 = arith.constant 0 : i32
        %dma_start3A_241 = tpu.memref_slice %arg17[%dma_start3A_239, %dma_start3A_240] : memref<10240x16xf32, #tpu.memory_space<vmem_shared>> -> memref<10240x16xf32, #tpu.memory_space<vmem_shared>>
        tpu.enqueue_indirect_dma source(%dma_start3A_241 : memref<10240x16xf32, #tpu.memory_space<vmem_shared>>) target(%arg13 : memref<80x16xf32, #tpu.memory_space<vmem>>) offsets(%dma_start3A_238 : memref<80xi32, #tpu.memory_space<vmem>>) semaphore(%arg26 : memref<!tpu.dma_semaphore, #tpu.memory_space<semaphore_mem>>)
      } else {
      }
      %mul3A_149 = arith.constant 5 : i32
      %mul3A_150 = arith.muli %mul3A_149, %scan3A_62 : i32
      %add3A_151 = arith.constant 2 : i32
      %add3A_152 = arith.addi %mul3A_150, %add3A_151 : i32
      %dma_wait3A_153 = arith.constant 0 : i32
      %dma_wait3A_154 = arith.constant 0 : i32
      %dma_wait3A_155 = tpu.memref_slice %arg10[%dma_wait3A_153, %dma_wait3A_154] : memref<125x80xi32, #tpu.memory_space<vmem>> -> memref<1x80xi32, #tpu.memory_space<vmem>>
      %dma_wait3A_156 = tpu.memref_squeeze %dma_wait3A_155 : memref<1x80xi32, #tpu.memory_space<vmem>> -> memref<80xi32, #tpu.memory_space<vmem>>
      %dma_wait3A_157 = arith.constant 0 : i32
      %dma_wait3A_158 = arith.constant 0 : i32
      %dma_wait3A_159 = tpu.memref_slice %arg17[%dma_wait3A_157, %dma_wait3A_158] : memref<10240x16xf32, #tpu.memory_space<vmem_shared>> -> memref<10240x16xf32, #tpu.memory_space<vmem_shared>>
      tpu.wait_indirect_dma semaphore(%arg27 : memref<!tpu.dma_semaphore, #tpu.memory_space<semaphore_mem>>) src(%dma_wait3A_159 : memref<10240x16xf32, #tpu.memory_space<vmem_shared>>) dst(%arg14 : memref<80x16xf32, #tpu.memory_space<vmem>>)
      %dma_start3A_160 = arith.constant 0 : i32
      %dma_start3A_161 = tpu.memref_slice %arg11[%add3A_152, %dma_start3A_160] : memref<125x80xi32, #tpu.memory_space<vmem>> -> memref<1x80xi32, #tpu.memory_space<vmem>>
      %dma_start3A_162 = tpu.memref_squeeze %dma_start3A_161 : memref<1x80xi32, #tpu.memory_space<vmem>> -> memref<80xi32, #tpu.memory_space<vmem>>
      %dma_start3A_163 = arith.constant 0 : i32
      %dma_start3A_164 = arith.constant 0 : i32
      %dma_start3A_165 = tpu.memref_slice %arg18[%dma_start3A_163, %dma_start3A_164] : memref<10000x16xf32, #tpu.memory_space<vmem_shared>> -> memref<10000x16xf32, #tpu.memory_space<vmem_shared>>
      tpu.enqueue_indirect_dma source(%arg14 : memref<80x16xf32, #tpu.memory_space<vmem>>) target(%dma_start3A_165 : memref<10000x16xf32, #tpu.memory_space<vmem_shared>>) offsets(%dma_start3A_162 : memref<80xi32, #tpu.memory_space<vmem>>) semaphore(%arg32 : memref<!tpu.dma_semaphore, #tpu.memory_space<semaphore_mem>>) {add = true}
      %mul3A_166 = arith.constant 5 : i32
      %mul3A_167 = arith.muli %mul3A_166, %scan3A_62 : i32
      %add3A_168 = arith.constant 3 : i32
      %add3A_169 = arith.addi %mul3A_167, %add3A_168 : i32
      %add3A_170 = arith.constant 4 : i32
      %add3A_171 = arith.addi %add3A_169, %add3A_170 : i32
      %dma_wait3A_172 = arith.constant 0 : i32
      %dma_wait3A_173 = arith.constant 0 : i32
      %dma_wait3A_174 = tpu.memref_slice %arg11[%dma_wait3A_172, %dma_wait3A_173] : memref<125x80xi32, #tpu.memory_space<vmem>> -> memref<1x80xi32, #tpu.memory_space<vmem>>
      %dma_wait3A_175 = tpu.memref_squeeze %dma_wait3A_174 : memref<1x80xi32, #tpu.memory_space<vmem>> -> memref<80xi32, #tpu.memory_space<vmem>>
      %dma_wait3A_176 = arith.constant 0 : i32
      %dma_wait3A_177 = arith.constant 0 : i32
      %dma_wait3A_178 = tpu.memref_slice %arg18[%dma_wait3A_176, %dma_wait3A_177] : memref<10000x16xf32, #tpu.memory_space<vmem_shared>> -> memref<10000x16xf32, #tpu.memory_space<vmem_shared>>
      tpu.wait_indirect_dma semaphore(%arg32 : memref<!tpu.dma_semaphore, #tpu.memory_space<semaphore_mem>>) src(%arg14 : memref<80x16xf32, #tpu.memory_space<vmem>>) dst(%dma_wait3A_178 : memref<10000x16xf32, #tpu.memory_space<vmem_shared>>)
      %lt3A_179 = arith.constant 125 : i32
      %lt3A_180 = arith.cmpi slt, %add3A_171, %lt3A_179 : i32
      %convert_element_type3A_181 = arith.extui %lt3A_180 : i1 to i32
      %cond3A_182 = arith.constant 0 : i32
      %cond3A_183 = arith.cmpi ne, %convert_element_type3A_181, %cond3A_182 : i32
      scf.if %cond3A_183 {
        %dma_start3A_236 = arith.constant 0 : i32
        %dma_start3A_237 = tpu.memref_slice %arg10[%add3A_171, %dma_start3A_236] : memref<125x80xi32, #tpu.memory_space<vmem>> -> memref<1x80xi32, #tpu.memory_space<vmem>>
        %dma_start3A_238 = tpu.memref_squeeze %dma_start3A_237 : memref<1x80xi32, #tpu.memory_space<vmem>> -> memref<80xi32, #tpu.memory_space<vmem>>
        %dma_start3A_239 = arith.constant 0 : i32
        %dma_start3A_240 = arith.constant 0 : i32
        %dma_start3A_241 = tpu.memref_slice %arg17[%dma_start3A_239, %dma_start3A_240] : memref<10240x16xf32, #tpu.memory_space<vmem_shared>> -> memref<10240x16xf32, #tpu.memory_space<vmem_shared>>
        tpu.enqueue_indirect_dma source(%dma_start3A_241 : memref<10240x16xf32, #tpu.memory_space<vmem_shared>>) target(%arg14 : memref<80x16xf32, #tpu.memory_space<vmem>>) offsets(%dma_start3A_238 : memref<80xi32, #tpu.memory_space<vmem>>) semaphore(%arg27 : memref<!tpu.dma_semaphore, #tpu.memory_space<semaphore_mem>>)
      } else {
      }
      %mul3A_184 = arith.constant 5 : i32
      %mul3A_185 = arith.muli %mul3A_184, %scan3A_62 : i32
      %add3A_186 = arith.constant 3 : i32
      %add3A_187 = arith.addi %mul3A_185, %add3A_186 : i32
      %dma_wait3A_188 = arith.constant 0 : i32
      %dma_wait3A_189 = arith.constant 0 : i32
      %dma_wait3A_190 = tpu.memref_slice %arg10[%dma_wait3A_188, %dma_wait3A_189] : memref<125x80xi32, #tpu.memory_space<vmem>> -> memref<1x80xi32, #tpu.memory_space<vmem>>
      %dma_wait3A_191 = tpu.memref_squeeze %dma_wait3A_190 : memref<1x80xi32, #tpu.memory_space<vmem>> -> memref<80xi32, #tpu.memory_space<vmem>>
      %dma_wait3A_192 = arith.constant 0 : i32
      %dma_wait3A_193 = arith.constant 0 : i32
      %dma_wait3A_194 = tpu.memref_slice %arg17[%dma_wait3A_192, %dma_wait3A_193] : memref<10240x16xf32, #tpu.memory_space<vmem_shared>> -> memref<10240x16xf32, #tpu.memory_space<vmem_shared>>
      tpu.wait_indirect_dma semaphore(%arg28 : memref<!tpu.dma_semaphore, #tpu.memory_space<semaphore_mem>>) src(%dma_wait3A_194 : memref<10240x16xf32, #tpu.memory_space<vmem_shared>>) dst(%arg15 : memref<80x16xf32, #tpu.memory_space<vmem>>)
      %dma_start3A_195 = arith.constant 0 : i32
      %dma_start3A_196 = tpu.memref_slice %arg11[%add3A_187, %dma_start3A_195] : memref<125x80xi32, #tpu.memory_space<vmem>> -> memref<1x80xi32, #tpu.memory_space<vmem>>
      %dma_start3A_197 = tpu.memref_squeeze %dma_start3A_196 : memref<1x80xi32, #tpu.memory_space<vmem>> -> memref<80xi32, #tpu.memory_space<vmem>>
      %dma_start3A_198 = arith.constant 0 : i32
      %dma_start3A_199 = arith.constant 0 : i32
      %dma_start3A_200 = tpu.memref_slice %arg18[%dma_start3A_198, %dma_start3A_199] : memref<10000x16xf32, #tpu.memory_space<vmem_shared>> -> memref<10000x16xf32, #tpu.memory_space<vmem_shared>>
      tpu.enqueue_indirect_dma source(%arg15 : memref<80x16xf32, #tpu.memory_space<vmem>>) target(%dma_start3A_200 : memref<10000x16xf32, #tpu.memory_space<vmem_shared>>) offsets(%dma_start3A_197 : memref<80xi32, #tpu.memory_space<vmem>>) semaphore(%arg33 : memref<!tpu.dma_semaphore, #tpu.memory_space<semaphore_mem>>) {add = true}
      %mul3A_201 = arith.constant 5 : i32
      %mul3A_202 = arith.muli %mul3A_201, %scan3A_62 : i32
      %add3A_203 = arith.constant 4 : i32
      %add3A_204 = arith.addi %mul3A_202, %add3A_203 : i32
      %add3A_205 = arith.constant 4 : i32
      %add3A_206 = arith.addi %add3A_204, %add3A_205 : i32
      %dma_wait3A_207 = arith.constant 0 : i32
      %dma_wait3A_208 = arith.constant 0 : i32
      %dma_wait3A_209 = tpu.memref_slice %arg11[%dma_wait3A_207, %dma_wait3A_208] : memref<125x80xi32, #tpu.memory_space<vmem>> -> memref<1x80xi32, #tpu.memory_space<vmem>>
      %dma_wait3A_210 = tpu.memref_squeeze %dma_wait3A_209 : memref<1x80xi32, #tpu.memory_space<vmem>> -> memref<80xi32, #tpu.memory_space<vmem>>
      %dma_wait3A_211 = arith.constant 0 : i32
      %dma_wait3A_212 = arith.constant 0 : i32
      %dma_wait3A_213 = tpu.memref_slice %arg18[%dma_wait3A_211, %dma_wait3A_212] : memref<10000x16xf32, #tpu.memory_space<vmem_shared>> -> memref<10000x16xf32, #tpu.memory_space<vmem_shared>>
      tpu.wait_indirect_dma semaphore(%arg33 : memref<!tpu.dma_semaphore, #tpu.memory_space<semaphore_mem>>) src(%arg15 : memref<80x16xf32, #tpu.memory_space<vmem>>) dst(%dma_wait3A_213 : memref<10000x16xf32, #tpu.memory_space<vmem_shared>>)
      %lt3A_214 = arith.constant 125 : i32
      %lt3A_215 = arith.cmpi slt, %add3A_206, %lt3A_214 : i32
      %convert_element_type3A_216 = arith.extui %lt3A_215 : i1 to i32
      %cond3A_217 = arith.constant 0 : i32
      %cond3A_218 = arith.cmpi ne, %convert_element_type3A_216, %cond3A_217 : i32
      scf.if %cond3A_218 {
        %dma_start3A_236 = arith.constant 0 : i32
        %dma_start3A_237 = tpu.memref_slice %arg10[%add3A_206, %dma_start3A_236] : memref<125x80xi32, #tpu.memory_space<vmem>> -> memref<1x80xi32, #tpu.memory_space<vmem>>
        %dma_start3A_238 = tpu.memref_squeeze %dma_start3A_237 : memref<1x80xi32, #tpu.memory_space<vmem>> -> memref<80xi32, #tpu.memory_space<vmem>>
        %dma_start3A_239 = arith.constant 0 : i32
        %dma_start3A_240 = arith.constant 0 : i32
        %dma_start3A_241 = tpu.memref_slice %arg17[%dma_start3A_239, %dma_start3A_240] : memref<10240x16xf32, #tpu.memory_space<vmem_shared>> -> memref<10240x16xf32, #tpu.memory_space<vmem_shared>>
        tpu.enqueue_indirect_dma source(%dma_start3A_241 : memref<10240x16xf32, #tpu.memory_space<vmem_shared>>) target(%arg15 : memref<80x16xf32, #tpu.memory_space<vmem>>) offsets(%dma_start3A_238 : memref<80xi32, #tpu.memory_space<vmem>>) semaphore(%arg28 : memref<!tpu.dma_semaphore, #tpu.memory_space<semaphore_mem>>)
      } else {
      }
      %mul3A_219 = arith.constant 5 : i32
      %mul3A_220 = arith.muli %mul3A_219, %scan3A_62 : i32
      %add3A_221 = arith.constant 4 : i32
      %add3A_222 = arith.addi %mul3A_220, %add3A_221 : i32
      %dma_wait3A_223 = arith.constant 0 : i32
      %dma_wait3A_224 = arith.constant 0 : i32
      %dma_wait3A_225 = tpu.memref_slice %arg10[%dma_wait3A_223, %dma_wait3A_224] : memref<125x80xi32, #tpu.memory_space<vmem>> -> memref<1x80xi32, #tpu.memory_space<vmem>>
      %dma_wait3A_226 = tpu.memref_squeeze %dma_wait3A_225 : memref<1x80xi32, #tpu.memory_space<vmem>> -> memref<80xi32, #tpu.memory_space<vmem>>
      %dma_wait3A_227 = arith.constant 0 : i32
      %dma_wait3A_228 = arith.constant 0 : i32
      %dma_wait3A_229 = tpu.memref_slice %arg17[%dma_wait3A_227, %dma_wait3A_228] : memref<10240x16xf32, #tpu.memory_space<vmem_shared>> -> memref<10240x16xf32, #tpu.memory_space<vmem_shared>>
      tpu.wait_indirect_dma semaphore(%arg29 : memref<!tpu.dma_semaphore, #tpu.memory_space<semaphore_mem>>) src(%dma_wait3A_229 : memref<10240x16xf32, #tpu.memory_space<vmem_shared>>) dst(%arg16 : memref<80x16xf32, #tpu.memory_space<vmem>>)
      %dma_start3A_230 = arith.constant 0 : i32
      %dma_start3A_231 = tpu.memref_slice %arg11[%add3A_222, %dma_start3A_230] : memref<125x80xi32, #tpu.memory_space<vmem>> -> memref<1x80xi32, #tpu.memory_space<vmem>>
      %dma_start3A_232 = tpu.memref_squeeze %dma_start3A_231 : memref<1x80xi32, #tpu.memory_space<vmem>> -> memref<80xi32, #tpu.memory_space<vmem>>
      %dma_start3A_233 = arith.constant 0 : i32
      %dma_start3A_234 = arith.constant 0 : i32
      %dma_start3A_235 = tpu.memref_slice %arg18[%dma_start3A_233, %dma_start3A_234] : memref<10000x16xf32, #tpu.memory_space<vmem_shared>> -> memref<10000x16xf32, #tpu.memory_space<vmem_shared>>
      tpu.enqueue_indirect_dma source(%arg16 : memref<80x16xf32, #tpu.memory_space<vmem>>) target(%dma_start3A_235 : memref<10000x16xf32, #tpu.memory_space<vmem_shared>>) offsets(%dma_start3A_232 : memref<80xi32, #tpu.memory_space<vmem>>) semaphore(%arg34 : memref<!tpu.dma_semaphore, #tpu.memory_space<semaphore_mem>>) {add = true}
    }
    %scan3A_45 = arith.constant 25 : i32
    %dma_wait3A = arith.constant 0 : i32
    %dma_wait3A_46 = arith.constant 0 : i32
    %dma_wait3A_47 = tpu.memref_slice %arg11[%dma_wait3A, %dma_wait3A_46] : memref<125x80xi32, #tpu.memory_space<vmem>> -> memref<1x80xi32, #tpu.memory_space<vmem>>
    %dma_wait3A_48 = tpu.memref_squeeze %dma_wait3A_47 : memref<1x80xi32, #tpu.memory_space<vmem>> -> memref<80xi32, #tpu.memory_space<vmem>>
    %dma_wait3A_49 = arith.constant 0 : i32
    %dma_wait3A_50 = arith.constant 0 : i32
    %dma_wait3A_51 = tpu.memref_slice %arg18[%dma_wait3A_49, %dma_wait3A_50] : memref<10000x16xf32, #tpu.memory_space<vmem_shared>> -> memref<10000x16xf32, #tpu.memory_space<vmem_shared>>
    tpu.wait_indirect_dma semaphore(%arg34 : memref<!tpu.dma_semaphore, #tpu.memory_space<semaphore_mem>>) src(%arg16 : memref<80x16xf32, #tpu.memory_space<vmem>>) dst(%dma_wait3A_51 : memref<10000x16xf32, #tpu.memory_space<vmem_shared>>)
    %barrier3A_52 = arith.constant 0 : index
    tpu.barrier barrier_id(%barrier3A_52)
    %lt3A = arith.constant 15 : i32
    %lt3A_53 = arith.cmpi slt, %arg1, %lt3A : i32
    %convert_element_type3A_54 = arith.extui %lt3A_53 : i1 to i32
    %cond3A_55 = arith.constant 0 : i32
    %cond3A_56 = arith.cmpi ne, %convert_element_type3A_54, %cond3A_55 : i32
    scf.if %cond3A_56 {
      %mul3A_62 = arith.constant 624 : i32
      %mul3A_63 = arith.muli %arg1, %mul3A_62 : i32
      %multiple_of3A = tpu.assume_multiple %mul3A_63, 8 : i32
      "tpu.region"() ({
        %run_scoped3A_64 = tpu.sem_alloc : memref<!tpu.dma_semaphore, #tpu.memory_space<semaphore_mem>>
        %dma_start3A_65 = arith.constant 0 : i32
        %dma_start3A_66 = tpu.memref_slice %arg9[%arg0, %multiple_of3A, %dma_start3A_65] : memref<2x10000x16xf32, #tpu.memory_space<hbm>> -> memref<1x624x16xf32, #tpu.memory_space<hbm>>
        %dma_start3A_67 = tpu.memref_squeeze %dma_start3A_66 : memref<1x624x16xf32, #tpu.memory_space<hbm>> -> memref<624x16xf32, #tpu.memory_space<hbm>>
        %dma_start3A_68 = arith.constant 0 : i32
        %dma_start3A_69 = tpu.memref_slice %arg18[%multiple_of3A, %dma_start3A_68] : memref<10000x16xf32, #tpu.memory_space<vmem_shared>> -> memref<624x16xf32, #tpu.memory_space<vmem_shared>>
        tpu.enqueue_dma source(%dma_start3A_69 : memref<624x16xf32, #tpu.memory_space<vmem_shared>>) target(%dma_start3A_67 : memref<624x16xf32, #tpu.memory_space<hbm>>) target_semaphore(%run_scoped3A_64 : memref<!tpu.dma_semaphore, #tpu.memory_space<semaphore_mem>>)
        %dma_wait3A_70 = arith.constant 0 : i32
        %dma_wait3A_71 = tpu.memref_slice %arg9[%arg0, %multiple_of3A, %dma_wait3A_70] : memref<2x10000x16xf32, #tpu.memory_space<hbm>> -> memref<1x624x16xf32, #tpu.memory_space<hbm>>
        %dma_wait3A_72 = tpu.memref_squeeze %dma_wait3A_71 : memref<1x624x16xf32, #tpu.memory_space<hbm>> -> memref<624x16xf32, #tpu.memory_space<hbm>>
        %dma_wait3A_73 = arith.constant 0 : i32
        %dma_wait3A_74 = tpu.memref_slice %arg18[%multiple_of3A, %dma_wait3A_73] : memref<10000x16xf32, #tpu.memory_space<vmem_shared>> -> memref<624x16xf32, #tpu.memory_space<vmem_shared>>
        tpu.wait_dma2 semaphore(%run_scoped3A_64 : memref<!tpu.dma_semaphore, #tpu.memory_space<semaphore_mem>>) src(%dma_wait3A_74 : memref<624x16xf32, #tpu.memory_space<vmem_shared>>) dst(%dma_wait3A_72 : memref<624x16xf32, #tpu.memory_space<hbm>>)
        tpu.yield
      }) : () -> ()
    } else {
    }
    %eq3A_57 = arith.constant 15 : i32
    %eq3A_58 = arith.cmpi eq, %arg1, %eq3A_57 : i32
    %convert_element_type3A_59 = arith.extui %eq3A_58 : i1 to i32
    %cond3A_60 = arith.constant 0 : i32
    %cond3A_61 = arith.cmpi ne, %convert_element_type3A_59, %cond3A_60 : i32
    scf.if %cond3A_61 {
      "tpu.region"() ({
        %run_scoped3A_62 = tpu.sem_alloc : memref<!tpu.dma_semaphore, #tpu.memory_space<semaphore_mem>>
        %dma_start3A_63 = arith.constant 9360 : i32
        %dma_start3A_64 = arith.constant 0 : i32
        %dma_start3A_65 = tpu.memref_slice %arg9[%arg0, %dma_start3A_63, %dma_start3A_64] : memref<2x10000x16xf32, #tpu.memory_space<hbm>> -> memref<1x640x16xf32, #tpu.memory_space<hbm>>
        %dma_start3A_66 = tpu.memref_squeeze %dma_start3A_65 : memref<1x640x16xf32, #tpu.memory_space<hbm>> -> memref<640x16xf32, #tpu.memory_space<hbm>>
        %dma_start3A_67 = arith.constant 9360 : i32
        %dma_start3A_68 = arith.constant 0 : i32
        %dma_start3A_69 = tpu.memref_slice %arg18[%dma_start3A_67, %dma_start3A_68] : memref<10000x16xf32, #tpu.memory_space<vmem_shared>> -> memref<640x16xf32, #tpu.memory_space<vmem_shared>>
        tpu.enqueue_dma source(%dma_start3A_69 : memref<640x16xf32, #tpu.memory_space<vmem_shared>>) target(%dma_start3A_66 : memref<640x16xf32, #tpu.memory_space<hbm>>) target_semaphore(%run_scoped3A_62 : memref<!tpu.dma_semaphore, #tpu.memory_space<semaphore_mem>>)
        %dma_wait3A_70 = arith.constant 9360 : i32
        %dma_wait3A_71 = arith.constant 0 : i32
        %dma_wait3A_72 = tpu.memref_slice %arg9[%arg0, %dma_wait3A_70, %dma_wait3A_71] : memref<2x10000x16xf32, #tpu.memory_space<hbm>> -> memref<1x640x16xf32, #tpu.memory_space<hbm>>
        %dma_wait3A_73 = tpu.memref_squeeze %dma_wait3A_72 : memref<1x640x16xf32, #tpu.memory_space<hbm>> -> memref<640x16xf32, #tpu.memory_space<hbm>>
        %dma_wait3A_74 = arith.constant 9360 : i32
        %dma_wait3A_75 = arith.constant 0 : i32
        %dma_wait3A_76 = tpu.memref_slice %arg18[%dma_wait3A_74, %dma_wait3A_75] : memref<10000x16xf32, #tpu.memory_space<vmem_shared>> -> memref<640x16xf32, #tpu.memory_space<vmem_shared>>
        tpu.wait_dma2 semaphore(%run_scoped3A_62 : memref<!tpu.dma_semaphore, #tpu.memory_space<semaphore_mem>>) src(%dma_wait3A_76 : memref<640x16xf32, #tpu.memory_space<vmem_shared>>) dst(%dma_wait3A_73 : memref<640x16xf32, #tpu.memory_space<hbm>>)
        tpu.yield
      }) : () -> ()
    } else {
    }
    return
  }
}

#map = affine_map<(d0, d1) -> (0, 0, 0)>
#map1 = affine_map<(d0, d1) -> (0, 0)>
#map2 = affine_map<(d0, d1) -> (0, 0, 0, 0)>
module attributes {stable_mosaic.version = 14 : i64} {
  func.func @deg(%arg0: i32, %arg1: i32, %arg2: memref<32x125x80xi32, #tpu.memory_space<hbm>>, %arg3: memref<32x125x80xi32, #tpu.memory_space<hbm>>, %arg4: memref<10240x8xf32, #tpu.memory_space<hbm>>, %arg5: memref<80x8xf32, #tpu.memory_space<hbm>>, %arg6: memref<2x2x10240x8xf32, #tpu.memory_space<hbm>>, %arg7: memref<125x80xi32, #tpu.memory_space<vmem>>, %arg8: memref<125x80xi32, #tpu.memory_space<vmem>>, %arg9: memref<80x8xf32, #tpu.memory_space<vmem>>, %arg10: memref<10240x8xf32, #tpu.memory_space<vmem_shared>>, %arg11: memref<10240x8xf32, #tpu.memory_space<vmem_shared>>) attributes {dimension_semantics = [#tpu.dimension_semantics<core_parallel>, #tpu.dimension_semantics<subcore_parallel>], iteration_bounds = array<i64: 2, 16>, scalar_prefetch = 0 : i64, scratch_operands = 5 : i64, tpu.core_type = #tpu.core_type<sc_vector_subcore>, window_params = [{transform_indices = #map}, {transform_indices = #map}, {transform_indices = #map1}, {transform_indices = #map1}, {transform_indices = #map2}]} {
    %mul3A = arith.constant 16 : i32
    %mul3A_0 = arith.muli %arg0, %mul3A : i32
    %add3A = arith.addi %mul3A_0, %arg1 : i32
    %eq3A = arith.constant 0 : i32
    %eq3A_1 = arith.cmpi eq, %arg1, %eq3A : i32
    %convert_element_type3A = arith.extui %eq3A_1 : i1 to i32
    %cond3A = arith.constant 0 : i32
    %cond3A_2 = arith.cmpi ne, %convert_element_type3A, %cond3A : i32
    scf.if %cond3A_2 {
      "tpu.region"() ({
        %run_scoped3A_23 = tpu.sem_alloc : memref<!tpu.dma_semaphore, #tpu.memory_space<semaphore_mem>>
        tpu.enqueue_dma source(%arg4 : memref<10240x8xf32, #tpu.memory_space<hbm>>) target(%arg10 : memref<10240x8xf32, #tpu.memory_space<vmem_shared>>) target_semaphore(%run_scoped3A_23 : memref<!tpu.dma_semaphore, #tpu.memory_space<semaphore_mem>>)
        tpu.wait_dma2 semaphore(%run_scoped3A_23 : memref<!tpu.dma_semaphore, #tpu.memory_space<semaphore_mem>>) src(%arg4 : memref<10240x8xf32, #tpu.memory_space<hbm>>) dst(%arg10 : memref<10240x8xf32, #tpu.memory_space<vmem_shared>>)
        tpu.yield
      }) : () -> ()
    } else {
    }
    %eq3A_3 = arith.constant 1 : i32
    %eq3A_4 = arith.cmpi eq, %arg1, %eq3A_3 : i32
    %convert_element_type3A_5 = arith.extui %eq3A_4 : i1 to i32
    %cond3A_6 = arith.constant 0 : i32
    %cond3A_7 = arith.cmpi ne, %convert_element_type3A_5, %cond3A_6 : i32
    scf.if %cond3A_7 {
      "tpu.region"() ({
        %run_scoped3A_23 = tpu.sem_alloc : memref<!tpu.dma_semaphore, #tpu.memory_space<semaphore_mem>>
        tpu.enqueue_dma source(%arg4 : memref<10240x8xf32, #tpu.memory_space<hbm>>) target(%arg11 : memref<10240x8xf32, #tpu.memory_space<vmem_shared>>) target_semaphore(%run_scoped3A_23 : memref<!tpu.dma_semaphore, #tpu.memory_space<semaphore_mem>>)
        tpu.wait_dma2 semaphore(%run_scoped3A_23 : memref<!tpu.dma_semaphore, #tpu.memory_space<semaphore_mem>>) src(%arg4 : memref<10240x8xf32, #tpu.memory_space<hbm>>) dst(%arg11 : memref<10240x8xf32, #tpu.memory_space<vmem_shared>>)
        tpu.yield
      }) : () -> ()
    } else {
    }
    "tpu.region"() ({
      %run_scoped3A_23 = tpu.sem_alloc : memref<!tpu.dma_semaphore, #tpu.memory_space<semaphore_mem>>
      tpu.enqueue_dma source(%arg5 : memref<80x8xf32, #tpu.memory_space<hbm>>) target(%arg9 : memref<80x8xf32, #tpu.memory_space<vmem>>) target_semaphore(%run_scoped3A_23 : memref<!tpu.dma_semaphore, #tpu.memory_space<semaphore_mem>>)
      tpu.wait_dma2 semaphore(%run_scoped3A_23 : memref<!tpu.dma_semaphore, #tpu.memory_space<semaphore_mem>>) src(%arg5 : memref<80x8xf32, #tpu.memory_space<hbm>>) dst(%arg9 : memref<80x8xf32, #tpu.memory_space<vmem>>)
      tpu.yield
    }) : () -> ()
    "tpu.region"() ({
      %run_scoped3A_23 = tpu.sem_alloc : memref<!tpu.dma_semaphore, #tpu.memory_space<semaphore_mem>>
      %dma_start3A = arith.constant 0 : i32
      %dma_start3A_24 = arith.constant 0 : i32
      %dma_start3A_25 = tpu.memref_slice %arg2[%add3A, %dma_start3A, %dma_start3A_24] : memref<32x125x80xi32, #tpu.memory_space<hbm>> -> memref<1x125x80xi32, #tpu.memory_space<hbm>>
      %dma_start3A_26 = tpu.memref_squeeze %dma_start3A_25 : memref<1x125x80xi32, #tpu.memory_space<hbm>> -> memref<125x80xi32, #tpu.memory_space<hbm>>
      %dma_start3A_27 = arith.constant 0 : i32
      %dma_start3A_28 = arith.constant 0 : i32
      %dma_start3A_29 = tpu.memref_slice %arg2[%add3A, %dma_start3A_27, %dma_start3A_28] : memref<32x125x80xi32, #tpu.memory_space<hbm>> -> memref<1x125x80xi32, #tpu.memory_space<hbm>>
      %dma_start3A_30 = tpu.memref_squeeze %dma_start3A_29 : memref<1x125x80xi32, #tpu.memory_space<hbm>> -> memref<125x80xi32, #tpu.memory_space<hbm>>
      tpu.enqueue_dma source(%dma_start3A_30 : memref<125x80xi32, #tpu.memory_space<hbm>>) target(%arg7 : memref<125x80xi32, #tpu.memory_space<vmem>>) target_semaphore(%run_scoped3A_23 : memref<!tpu.dma_semaphore, #tpu.memory_space<semaphore_mem>>)
      %dma_wait3A = arith.constant 0 : i32
      %dma_wait3A_31 = arith.constant 0 : i32
      %dma_wait3A_32 = tpu.memref_slice %arg2[%add3A, %dma_wait3A, %dma_wait3A_31] : memref<32x125x80xi32, #tpu.memory_space<hbm>> -> memref<1x125x80xi32, #tpu.memory_space<hbm>>
      %dma_wait3A_33 = tpu.memref_squeeze %dma_wait3A_32 : memref<1x125x80xi32, #tpu.memory_space<hbm>> -> memref<125x80xi32, #tpu.memory_space<hbm>>
      %dma_wait3A_34 = arith.constant 0 : i32
      %dma_wait3A_35 = arith.constant 0 : i32
      %dma_wait3A_36 = tpu.memref_slice %arg2[%add3A, %dma_wait3A_34, %dma_wait3A_35] : memref<32x125x80xi32, #tpu.memory_space<hbm>> -> memref<1x125x80xi32, #tpu.memory_space<hbm>>
      %dma_wait3A_37 = tpu.memref_squeeze %dma_wait3A_36 : memref<1x125x80xi32, #tpu.memory_space<hbm>> -> memref<125x80xi32, #tpu.memory_space<hbm>>
      tpu.wait_dma2 semaphore(%run_scoped3A_23 : memref<!tpu.dma_semaphore, #tpu.memory_space<semaphore_mem>>) src(%dma_wait3A_37 : memref<125x80xi32, #tpu.memory_space<hbm>>) dst(%arg7 : memref<125x80xi32, #tpu.memory_space<vmem>>)
      tpu.yield
    }) : () -> ()
    "tpu.region"() ({
      %run_scoped3A_23 = tpu.sem_alloc : memref<!tpu.dma_semaphore, #tpu.memory_space<semaphore_mem>>
      %dma_start3A = arith.constant 0 : i32
      %dma_start3A_24 = arith.constant 0 : i32
      %dma_start3A_25 = tpu.memref_slice %arg3[%add3A, %dma_start3A, %dma_start3A_24] : memref<32x125x80xi32, #tpu.memory_space<hbm>> -> memref<1x125x80xi32, #tpu.memory_space<hbm>>
      %dma_start3A_26 = tpu.memref_squeeze %dma_start3A_25 : memref<1x125x80xi32, #tpu.memory_space<hbm>> -> memref<125x80xi32, #tpu.memory_space<hbm>>
      %dma_start3A_27 = arith.constant 0 : i32
      %dma_start3A_28 = arith.constant 0 : i32
      %dma_start3A_29 = tpu.memref_slice %arg3[%add3A, %dma_start3A_27, %dma_start3A_28] : memref<32x125x80xi32, #tpu.memory_space<hbm>> -> memref<1x125x80xi32, #tpu.memory_space<hbm>>
      %dma_start3A_30 = tpu.memref_squeeze %dma_start3A_29 : memref<1x125x80xi32, #tpu.memory_space<hbm>> -> memref<125x80xi32, #tpu.memory_space<hbm>>
      tpu.enqueue_dma source(%dma_start3A_30 : memref<125x80xi32, #tpu.memory_space<hbm>>) target(%arg8 : memref<125x80xi32, #tpu.memory_space<vmem>>) target_semaphore(%run_scoped3A_23 : memref<!tpu.dma_semaphore, #tpu.memory_space<semaphore_mem>>)
      %dma_wait3A = arith.constant 0 : i32
      %dma_wait3A_31 = arith.constant 0 : i32
      %dma_wait3A_32 = tpu.memref_slice %arg3[%add3A, %dma_wait3A, %dma_wait3A_31] : memref<32x125x80xi32, #tpu.memory_space<hbm>> -> memref<1x125x80xi32, #tpu.memory_space<hbm>>
      %dma_wait3A_33 = tpu.memref_squeeze %dma_wait3A_32 : memref<1x125x80xi32, #tpu.memory_space<hbm>> -> memref<125x80xi32, #tpu.memory_space<hbm>>
      %dma_wait3A_34 = arith.constant 0 : i32
      %dma_wait3A_35 = arith.constant 0 : i32
      %dma_wait3A_36 = tpu.memref_slice %arg3[%add3A, %dma_wait3A_34, %dma_wait3A_35] : memref<32x125x80xi32, #tpu.memory_space<hbm>> -> memref<1x125x80xi32, #tpu.memory_space<hbm>>
      %dma_wait3A_37 = tpu.memref_squeeze %dma_wait3A_36 : memref<1x125x80xi32, #tpu.memory_space<hbm>> -> memref<125x80xi32, #tpu.memory_space<hbm>>
      tpu.wait_dma2 semaphore(%run_scoped3A_23 : memref<!tpu.dma_semaphore, #tpu.memory_space<semaphore_mem>>) src(%dma_wait3A_37 : memref<125x80xi32, #tpu.memory_space<hbm>>) dst(%arg8 : memref<125x80xi32, #tpu.memory_space<vmem>>)
      tpu.yield
    }) : () -> ()
    %barrier3A = arith.constant 0 : index
    tpu.barrier barrier_id(%barrier3A)
    %scan3A = arith.constant 0 : i32
    %scan3A_8 = arith.constant 0 : i32
    %scan3A_9 = arith.constant 125 : i32
    %scan3A_10 = arith.addi %scan3A_8, %scan3A_9 : i32
    %scan3A_11 = arith.constant 1 : i32
    scf.for %scan3A_23 = %scan3A_8 to %scan3A_10 step %scan3A_11  : i32 {
      "tpu.region"() ({
        %run_scoped3A_24 = tpu.sem_alloc : memref<!tpu.dma_semaphore, #tpu.memory_space<semaphore_mem>>
        %dma_start3A = arith.constant 0 : i32
        %dma_start3A_25 = tpu.memref_slice %arg7[%scan3A_23, %dma_start3A] : memref<125x80xi32, #tpu.memory_space<vmem>> -> memref<1x80xi32, #tpu.memory_space<vmem>>
        %dma_start3A_26 = tpu.memref_squeeze %dma_start3A_25 : memref<1x80xi32, #tpu.memory_space<vmem>> -> memref<80xi32, #tpu.memory_space<vmem>>
        %dma_start3A_27 = arith.constant 0 : i32
        %dma_start3A_28 = arith.constant 0 : i32
        %dma_start3A_29 = tpu.memref_slice %arg10[%dma_start3A_27, %dma_start3A_28] : memref<10240x8xf32, #tpu.memory_space<vmem_shared>> -> memref<10240x8xf32, #tpu.memory_space<vmem_shared>>
        tpu.enqueue_indirect_dma source(%arg9 : memref<80x8xf32, #tpu.memory_space<vmem>>) target(%dma_start3A_29 : memref<10240x8xf32, #tpu.memory_space<vmem_shared>>) offsets(%dma_start3A_26 : memref<80xi32, #tpu.memory_space<vmem>>) semaphore(%run_scoped3A_24 : memref<!tpu.dma_semaphore, #tpu.memory_space<semaphore_mem>>) {add = true}
        %dma_wait3A = arith.constant 0 : i32
        %dma_wait3A_30 = tpu.memref_slice %arg7[%scan3A_23, %dma_wait3A] : memref<125x80xi32, #tpu.memory_space<vmem>> -> memref<1x80xi32, #tpu.memory_space<vmem>>
        %dma_wait3A_31 = tpu.memref_squeeze %dma_wait3A_30 : memref<1x80xi32, #tpu.memory_space<vmem>> -> memref<80xi32, #tpu.memory_space<vmem>>
        %dma_wait3A_32 = arith.constant 0 : i32
        %dma_wait3A_33 = arith.constant 0 : i32
        %dma_wait3A_34 = tpu.memref_slice %arg10[%dma_wait3A_32, %dma_wait3A_33] : memref<10240x8xf32, #tpu.memory_space<vmem_shared>> -> memref<10240x8xf32, #tpu.memory_space<vmem_shared>>
        tpu.wait_indirect_dma semaphore(%run_scoped3A_24 : memref<!tpu.dma_semaphore, #tpu.memory_space<semaphore_mem>>) src(%arg9 : memref<80x8xf32, #tpu.memory_space<vmem>>) dst(%dma_wait3A_34 : memref<10240x8xf32, #tpu.memory_space<vmem_shared>>)
        tpu.yield
      }) : () -> ()
    }
    %scan3A_12 = arith.constant 125 : i32
    %scan3A_13 = arith.constant 0 : i32
    %scan3A_14 = arith.constant 0 : i32
    %scan3A_15 = arith.constant 125 : i32
    %scan3A_16 = arith.addi %scan3A_14, %scan3A_15 : i32
    %scan3A_17 = arith.constant 1 : i32
    scf.for %scan3A_23 = %scan3A_14 to %scan3A_16 step %scan3A_17  : i32 {
      "tpu.region"() ({
        %run_scoped3A_24 = tpu.sem_alloc : memref<!tpu.dma_semaphore, #tpu.memory_space<semaphore_mem>>
        %dma_start3A = arith.constant 0 : i32
        %dma_start3A_25 = tpu.memref_slice %arg8[%scan3A_23, %dma_start3A] : memref<125x80xi32, #tpu.memory_space<vmem>> -> memref<1x80xi32, #tpu.memory_space<vmem>>
        %dma_start3A_26 = tpu.memref_squeeze %dma_start3A_25 : memref<1x80xi32, #tpu.memory_space<vmem>> -> memref<80xi32, #tpu.memory_space<vmem>>
        %dma_start3A_27 = arith.constant 0 : i32
        %dma_start3A_28 = arith.constant 0 : i32
        %dma_start3A_29 = tpu.memref_slice %arg11[%dma_start3A_27, %dma_start3A_28] : memref<10240x8xf32, #tpu.memory_space<vmem_shared>> -> memref<10240x8xf32, #tpu.memory_space<vmem_shared>>
        tpu.enqueue_indirect_dma source(%arg9 : memref<80x8xf32, #tpu.memory_space<vmem>>) target(%dma_start3A_29 : memref<10240x8xf32, #tpu.memory_space<vmem_shared>>) offsets(%dma_start3A_26 : memref<80xi32, #tpu.memory_space<vmem>>) semaphore(%run_scoped3A_24 : memref<!tpu.dma_semaphore, #tpu.memory_space<semaphore_mem>>) {add = true}
        %dma_wait3A = arith.constant 0 : i32
        %dma_wait3A_30 = tpu.memref_slice %arg8[%scan3A_23, %dma_wait3A] : memref<125x80xi32, #tpu.memory_space<vmem>> -> memref<1x80xi32, #tpu.memory_space<vmem>>
        %dma_wait3A_31 = tpu.memref_squeeze %dma_wait3A_30 : memref<1x80xi32, #tpu.memory_space<vmem>> -> memref<80xi32, #tpu.memory_space<vmem>>
        %dma_wait3A_32 = arith.constant 0 : i32
        %dma_wait3A_33 = arith.constant 0 : i32
        %dma_wait3A_34 = tpu.memref_slice %arg11[%dma_wait3A_32, %dma_wait3A_33] : memref<10240x8xf32, #tpu.memory_space<vmem_shared>> -> memref<10240x8xf32, #tpu.memory_space<vmem_shared>>
        tpu.wait_indirect_dma semaphore(%run_scoped3A_24 : memref<!tpu.dma_semaphore, #tpu.memory_space<semaphore_mem>>) src(%arg9 : memref<80x8xf32, #tpu.memory_space<vmem>>) dst(%dma_wait3A_34 : memref<10240x8xf32, #tpu.memory_space<vmem_shared>>)
        tpu.yield
      }) : () -> ()
    }
    %scan3A_18 = arith.constant 125 : i32
    %barrier3A_19 = arith.constant 0 : index
    tpu.barrier barrier_id(%barrier3A_19)
    %mul3A_20 = arith.constant 640 : i32
    %mul3A_21 = arith.muli %arg1, %mul3A_20 : i32
    %multiple_of3A = tpu.assume_multiple %mul3A_21, 8 : i32
    %run_scoped3A = arith.constant 0 : i32
    "tpu.region"() ({
      %run_scoped3A_23 = tpu.sem_alloc : memref<!tpu.dma_semaphore, #tpu.memory_space<semaphore_mem>>
      %dma_start3A = arith.constant 0 : i32
      %dma_start3A_24 = tpu.memref_slice %arg6[%arg0, %run_scoped3A, %multiple_of3A, %dma_start3A] : memref<2x2x10240x8xf32, #tpu.memory_space<hbm>> -> memref<1x1x640x8xf32, #tpu.memory_space<hbm>>
      %dma_start3A_25 = tpu.memref_squeeze %dma_start3A_24 : memref<1x1x640x8xf32, #tpu.memory_space<hbm>> -> memref<640x8xf32, #tpu.memory_space<hbm>>
      %dma_start3A_26 = arith.constant 0 : i32
      %dma_start3A_27 = tpu.memref_slice %arg10[%multiple_of3A, %dma_start3A_26] : memref<10240x8xf32, #tpu.memory_space<vmem_shared>> -> memref<640x8xf32, #tpu.memory_space<vmem_shared>>
      tpu.enqueue_dma source(%dma_start3A_27 : memref<640x8xf32, #tpu.memory_space<vmem_shared>>) target(%dma_start3A_25 : memref<640x8xf32, #tpu.memory_space<hbm>>) target_semaphore(%run_scoped3A_23 : memref<!tpu.dma_semaphore, #tpu.memory_space<semaphore_mem>>)
      %dma_wait3A = arith.constant 0 : i32
      %dma_wait3A_28 = tpu.memref_slice %arg6[%arg0, %run_scoped3A, %multiple_of3A, %dma_wait3A] : memref<2x2x10240x8xf32, #tpu.memory_space<hbm>> -> memref<1x1x640x8xf32, #tpu.memory_space<hbm>>
      %dma_wait3A_29 = tpu.memref_squeeze %dma_wait3A_28 : memref<1x1x640x8xf32, #tpu.memory_space<hbm>> -> memref<640x8xf32, #tpu.memory_space<hbm>>
      %dma_wait3A_30 = arith.constant 0 : i32
      %dma_wait3A_31 = tpu.memref_slice %arg10[%multiple_of3A, %dma_wait3A_30] : memref<10240x8xf32, #tpu.memory_space<vmem_shared>> -> memref<640x8xf32, #tpu.memory_space<vmem_shared>>
      tpu.wait_dma2 semaphore(%run_scoped3A_23 : memref<!tpu.dma_semaphore, #tpu.memory_space<semaphore_mem>>) src(%dma_wait3A_31 : memref<640x8xf32, #tpu.memory_space<vmem_shared>>) dst(%dma_wait3A_29 : memref<640x8xf32, #tpu.memory_space<hbm>>)
      tpu.yield
    }) : () -> ()
    %run_scoped3A_22 = arith.constant 1 : i32
    "tpu.region"() ({
      %run_scoped3A_23 = tpu.sem_alloc : memref<!tpu.dma_semaphore, #tpu.memory_space<semaphore_mem>>
      %dma_start3A = arith.constant 0 : i32
      %dma_start3A_24 = tpu.memref_slice %arg6[%arg0, %run_scoped3A_22, %multiple_of3A, %dma_start3A] : memref<2x2x10240x8xf32, #tpu.memory_space<hbm>> -> memref<1x1x640x8xf32, #tpu.memory_space<hbm>>
      %dma_start3A_25 = tpu.memref_squeeze %dma_start3A_24 : memref<1x1x640x8xf32, #tpu.memory_space<hbm>> -> memref<640x8xf32, #tpu.memory_space<hbm>>
      %dma_start3A_26 = arith.constant 0 : i32
      %dma_start3A_27 = tpu.memref_slice %arg11[%multiple_of3A, %dma_start3A_26] : memref<10240x8xf32, #tpu.memory_space<vmem_shared>> -> memref<640x8xf32, #tpu.memory_space<vmem_shared>>
      tpu.enqueue_dma source(%dma_start3A_27 : memref<640x8xf32, #tpu.memory_space<vmem_shared>>) target(%dma_start3A_25 : memref<640x8xf32, #tpu.memory_space<hbm>>) target_semaphore(%run_scoped3A_23 : memref<!tpu.dma_semaphore, #tpu.memory_space<semaphore_mem>>)
      %dma_wait3A = arith.constant 0 : i32
      %dma_wait3A_28 = tpu.memref_slice %arg6[%arg0, %run_scoped3A_22, %multiple_of3A, %dma_wait3A] : memref<2x2x10240x8xf32, #tpu.memory_space<hbm>> -> memref<1x1x640x8xf32, #tpu.memory_space<hbm>>
      %dma_wait3A_29 = tpu.memref_squeeze %dma_wait3A_28 : memref<1x1x640x8xf32, #tpu.memory_space<hbm>> -> memref<640x8xf32, #tpu.memory_space<hbm>>
      %dma_wait3A_30 = arith.constant 0 : i32
      %dma_wait3A_31 = tpu.memref_slice %arg11[%multiple_of3A, %dma_wait3A_30] : memref<10240x8xf32, #tpu.memory_space<vmem_shared>> -> memref<640x8xf32, #tpu.memory_space<vmem_shared>>
      tpu.wait_dma2 semaphore(%run_scoped3A_23 : memref<!tpu.dma_semaphore, #tpu.memory_space<semaphore_mem>>) src(%dma_wait3A_31 : memref<640x8xf32, #tpu.memory_space<vmem_shared>>) dst(%dma_wait3A_29 : memref<640x8xf32, #tpu.memory_space<hbm>>)
      tpu.yield
    }) : () -> ()
    return
  }
}

#map = affine_map<(d0, d1) -> (0, 0)>
#map1 = affine_map<(d0, d1) -> (0, 0, 0)>
module attributes {stable_mosaic.version = 14 : i64} {
  func.func @mp(%arg0: i32, %arg1: i32, %arg2: memref<10000x32xf32, #tpu.memory_space<hbm>>, %arg3: memref<32x125x80xi32, #tpu.memory_space<hbm>>, %arg4: memref<32x125x80xi32, #tpu.memory_space<hbm>>, %arg5: memref<10000x32xf32, #tpu.memory_space<hbm>>, %arg6: memref<2x10000x32xf32, #tpu.memory_space<hbm>>, %arg7: memref<125x80xi32, #tpu.memory_space<vmem>>, %arg8: memref<125x80xi32, #tpu.memory_space<vmem>>, %arg9: memref<80x32xf32, #tpu.memory_space<vmem>>, %arg10: memref<80x32xf32, #tpu.memory_space<vmem>>, %arg11: memref<80x32xf32, #tpu.memory_space<vmem>>, %arg12: memref<80x32xf32, #tpu.memory_space<vmem>>, %arg13: memref<80x32xf32, #tpu.memory_space<vmem>>, %arg14: memref<10000x32xf32, #tpu.memory_space<vmem_shared>>, %arg15: memref<10000x32xf32, #tpu.memory_space<vmem_shared>>, %arg16: memref<!tpu.dma_semaphore, #tpu.memory_space<semaphore_mem>>, %arg17: memref<!tpu.dma_semaphore, #tpu.memory_space<semaphore_mem>>, %arg18: memref<!tpu.dma_semaphore, #tpu.memory_space<semaphore_mem>>, %arg19: memref<!tpu.dma_semaphore, #tpu.memory_space<semaphore_mem>>, %arg20: memref<!tpu.dma_semaphore, #tpu.memory_space<semaphore_mem>>, %arg21: memref<!tpu.dma_semaphore, #tpu.memory_space<semaphore_mem>>, %arg22: memref<!tpu.dma_semaphore, #tpu.memory_space<semaphore_mem>>, %arg23: memref<!tpu.dma_semaphore, #tpu.memory_space<semaphore_mem>>, %arg24: memref<!tpu.dma_semaphore, #tpu.memory_space<semaphore_mem>>, %arg25: memref<!tpu.dma_semaphore, #tpu.memory_space<semaphore_mem>>) attributes {dimension_semantics = [#tpu.dimension_semantics<core_parallel>, #tpu.dimension_semantics<subcore_parallel>], iteration_bounds = array<i64: 2, 16>, scalar_prefetch = 0 : i64, scratch_operands = 19 : i64, tpu.core_type = #tpu.core_type<sc_vector_subcore>, window_params = [{transform_indices = #map}, {transform_indices = #map1}, {transform_indices = #map1}, {transform_indices = #map}, {transform_indices = #map1}]} {
    %mul3A = arith.constant 16 : i32
    %mul3A_0 = arith.muli %arg0, %mul3A : i32
    %add3A = arith.addi %mul3A_0, %arg1 : i32
    %eq3A = arith.constant 0 : i32
    %eq3A_1 = arith.cmpi eq, %arg1, %eq3A : i32
    %convert_element_type3A = arith.extui %eq3A_1 : i1 to i32
    %cond3A = arith.constant 0 : i32
    %cond3A_2 = arith.cmpi ne, %convert_element_type3A, %cond3A : i32
    scf.if %cond3A_2 {
      "tpu.region"() ({
        %run_scoped3A = tpu.sem_alloc : memref<!tpu.dma_semaphore, #tpu.memory_space<semaphore_mem>>
        tpu.enqueue_dma source(%arg5 : memref<10000x32xf32, #tpu.memory_space<hbm>>) target(%arg15 : memref<10000x32xf32, #tpu.memory_space<vmem_shared>>) target_semaphore(%run_scoped3A : memref<!tpu.dma_semaphore, #tpu.memory_space<semaphore_mem>>)
        tpu.wait_dma2 semaphore(%run_scoped3A : memref<!tpu.dma_semaphore, #tpu.memory_space<semaphore_mem>>) src(%arg5 : memref<10000x32xf32, #tpu.memory_space<hbm>>) dst(%arg15 : memref<10000x32xf32, #tpu.memory_space<vmem_shared>>)
        tpu.yield
      }) : () -> ()
    } else {
    }
    %mul3A_3 = arith.constant 625 : i32
    %mul3A_4 = arith.muli %arg1, %mul3A_3 : i32
    %mul3A_5 = arith.constant 625 : i32
    %mul3A_6 = arith.muli %arg1, %mul3A_5 : i32
    "tpu.region"() ({
      %run_scoped3A = tpu.sem_alloc : memref<!tpu.dma_semaphore, #tpu.memory_space<semaphore_mem>>
      %dma_start3A_55 = arith.constant 0 : i32
      %dma_start3A_56 = tpu.memref_slice %arg14[%mul3A_6, %dma_start3A_55] : memref<10000x32xf32, #tpu.memory_space<vmem_shared>> -> memref<625x32xf32, #tpu.memory_space<vmem_shared>>
      %dma_start3A_57 = arith.constant 0 : i32
      %dma_start3A_58 = tpu.memref_slice %arg2[%mul3A_4, %dma_start3A_57] : memref<10000x32xf32, #tpu.memory_space<hbm>> -> memref<625x32xf32, #tpu.memory_space<hbm>>
      tpu.enqueue_dma source(%dma_start3A_58 : memref<625x32xf32, #tpu.memory_space<hbm>>) target(%dma_start3A_56 : memref<625x32xf32, #tpu.memory_space<vmem_shared>>) target_semaphore(%run_scoped3A : memref<!tpu.dma_semaphore, #tpu.memory_space<semaphore_mem>>)
      %dma_wait3A_59 = arith.constant 0 : i32
      %dma_wait3A_60 = tpu.memref_slice %arg14[%mul3A_6, %dma_wait3A_59] : memref<10000x32xf32, #tpu.memory_space<vmem_shared>> -> memref<625x32xf32, #tpu.memory_space<vmem_shared>>
      %dma_wait3A_61 = arith.constant 0 : i32
      %dma_wait3A_62 = tpu.memref_slice %arg2[%mul3A_4, %dma_wait3A_61] : memref<10000x32xf32, #tpu.memory_space<hbm>> -> memref<625x32xf32, #tpu.memory_space<hbm>>
      tpu.wait_dma2 semaphore(%run_scoped3A : memref<!tpu.dma_semaphore, #tpu.memory_space<semaphore_mem>>) src(%dma_wait3A_62 : memref<625x32xf32, #tpu.memory_space<hbm>>) dst(%dma_wait3A_60 : memref<625x32xf32, #tpu.memory_space<vmem_shared>>)
      tpu.yield
    }) : () -> ()
    "tpu.region"() ({
      %run_scoped3A = tpu.sem_alloc : memref<!tpu.dma_semaphore, #tpu.memory_space<semaphore_mem>>
      %dma_start3A_55 = arith.constant 0 : i32
      %dma_start3A_56 = arith.constant 0 : i32
      %dma_start3A_57 = tpu.memref_slice %arg3[%add3A, %dma_start3A_55, %dma_start3A_56] : memref<32x125x80xi32, #tpu.memory_space<hbm>> -> memref<1x125x80xi32, #tpu.memory_space<hbm>>
      %dma_start3A_58 = tpu.memref_squeeze %dma_start3A_57 : memref<1x125x80xi32, #tpu.memory_space<hbm>> -> memref<125x80xi32, #tpu.memory_space<hbm>>
      %dma_start3A_59 = arith.constant 0 : i32
      %dma_start3A_60 = arith.constant 0 : i32
      %dma_start3A_61 = tpu.memref_slice %arg3[%add3A, %dma_start3A_59, %dma_start3A_60] : memref<32x125x80xi32, #tpu.memory_space<hbm>> -> memref<1x125x80xi32, #tpu.memory_space<hbm>>
      %dma_start3A_62 = tpu.memref_squeeze %dma_start3A_61 : memref<1x125x80xi32, #tpu.memory_space<hbm>> -> memref<125x80xi32, #tpu.memory_space<hbm>>
      tpu.enqueue_dma source(%dma_start3A_62 : memref<125x80xi32, #tpu.memory_space<hbm>>) target(%arg7 : memref<125x80xi32, #tpu.memory_space<vmem>>) target_semaphore(%run_scoped3A : memref<!tpu.dma_semaphore, #tpu.memory_space<semaphore_mem>>)
      %dma_wait3A_63 = arith.constant 0 : i32
      %dma_wait3A_64 = arith.constant 0 : i32
      %dma_wait3A_65 = tpu.memref_slice %arg3[%add3A, %dma_wait3A_63, %dma_wait3A_64] : memref<32x125x80xi32, #tpu.memory_space<hbm>> -> memref<1x125x80xi32, #tpu.memory_space<hbm>>
      %dma_wait3A_66 = tpu.memref_squeeze %dma_wait3A_65 : memref<1x125x80xi32, #tpu.memory_space<hbm>> -> memref<125x80xi32, #tpu.memory_space<hbm>>
      %dma_wait3A_67 = arith.constant 0 : i32
      %dma_wait3A_68 = arith.constant 0 : i32
      %dma_wait3A_69 = tpu.memref_slice %arg3[%add3A, %dma_wait3A_67, %dma_wait3A_68] : memref<32x125x80xi32, #tpu.memory_space<hbm>> -> memref<1x125x80xi32, #tpu.memory_space<hbm>>
      %dma_wait3A_70 = tpu.memref_squeeze %dma_wait3A_69 : memref<1x125x80xi32, #tpu.memory_space<hbm>> -> memref<125x80xi32, #tpu.memory_space<hbm>>
      tpu.wait_dma2 semaphore(%run_scoped3A : memref<!tpu.dma_semaphore, #tpu.memory_space<semaphore_mem>>) src(%dma_wait3A_70 : memref<125x80xi32, #tpu.memory_space<hbm>>) dst(%arg7 : memref<125x80xi32, #tpu.memory_space<vmem>>)
      tpu.yield
    }) : () -> ()
    "tpu.region"() ({
      %run_scoped3A = tpu.sem_alloc : memref<!tpu.dma_semaphore, #tpu.memory_space<semaphore_mem>>
      %dma_start3A_55 = arith.constant 0 : i32
      %dma_start3A_56 = arith.constant 0 : i32
      %dma_start3A_57 = tpu.memref_slice %arg4[%add3A, %dma_start3A_55, %dma_start3A_56] : memref<32x125x80xi32, #tpu.memory_space<hbm>> -> memref<1x125x80xi32, #tpu.memory_space<hbm>>
      %dma_start3A_58 = tpu.memref_squeeze %dma_start3A_57 : memref<1x125x80xi32, #tpu.memory_space<hbm>> -> memref<125x80xi32, #tpu.memory_space<hbm>>
      %dma_start3A_59 = arith.constant 0 : i32
      %dma_start3A_60 = arith.constant 0 : i32
      %dma_start3A_61 = tpu.memref_slice %arg4[%add3A, %dma_start3A_59, %dma_start3A_60] : memref<32x125x80xi32, #tpu.memory_space<hbm>> -> memref<1x125x80xi32, #tpu.memory_space<hbm>>
      %dma_start3A_62 = tpu.memref_squeeze %dma_start3A_61 : memref<1x125x80xi32, #tpu.memory_space<hbm>> -> memref<125x80xi32, #tpu.memory_space<hbm>>
      tpu.enqueue_dma source(%dma_start3A_62 : memref<125x80xi32, #tpu.memory_space<hbm>>) target(%arg8 : memref<125x80xi32, #tpu.memory_space<vmem>>) target_semaphore(%run_scoped3A : memref<!tpu.dma_semaphore, #tpu.memory_space<semaphore_mem>>)
      %dma_wait3A_63 = arith.constant 0 : i32
      %dma_wait3A_64 = arith.constant 0 : i32
      %dma_wait3A_65 = tpu.memref_slice %arg4[%add3A, %dma_wait3A_63, %dma_wait3A_64] : memref<32x125x80xi32, #tpu.memory_space<hbm>> -> memref<1x125x80xi32, #tpu.memory_space<hbm>>
      %dma_wait3A_66 = tpu.memref_squeeze %dma_wait3A_65 : memref<1x125x80xi32, #tpu.memory_space<hbm>> -> memref<125x80xi32, #tpu.memory_space<hbm>>
      %dma_wait3A_67 = arith.constant 0 : i32
      %dma_wait3A_68 = arith.constant 0 : i32
      %dma_wait3A_69 = tpu.memref_slice %arg4[%add3A, %dma_wait3A_67, %dma_wait3A_68] : memref<32x125x80xi32, #tpu.memory_space<hbm>> -> memref<1x125x80xi32, #tpu.memory_space<hbm>>
      %dma_wait3A_70 = tpu.memref_squeeze %dma_wait3A_69 : memref<1x125x80xi32, #tpu.memory_space<hbm>> -> memref<125x80xi32, #tpu.memory_space<hbm>>
      tpu.wait_dma2 semaphore(%run_scoped3A : memref<!tpu.dma_semaphore, #tpu.memory_space<semaphore_mem>>) src(%dma_wait3A_70 : memref<125x80xi32, #tpu.memory_space<hbm>>) dst(%arg8 : memref<125x80xi32, #tpu.memory_space<vmem>>)
      tpu.yield
    }) : () -> ()
    %barrier3A = arith.constant 0 : index
    tpu.barrier barrier_id(%barrier3A)
    %dma_start3A = arith.constant 0 : i32
    %dma_start3A_7 = arith.constant 0 : i32
    %dma_start3A_8 = tpu.memref_slice %arg7[%dma_start3A, %dma_start3A_7] : memref<125x80xi32, #tpu.memory_space<vmem>> -> memref<1x80xi32, #tpu.memory_space<vmem>>
    %dma_start3A_9 = tpu.memref_squeeze %dma_start3A_8 : memref<1x80xi32, #tpu.memory_space<vmem>> -> memref<80xi32, #tpu.memory_space<vmem>>
    %dma_start3A_10 = arith.constant 0 : i32
    %dma_start3A_11 = arith.constant 0 : i32
    %dma_start3A_12 = tpu.memref_slice %arg14[%dma_start3A_10, %dma_start3A_11] : memref<10000x32xf32, #tpu.memory_space<vmem_shared>> -> memref<10000x32xf32, #tpu.memory_space<vmem_shared>>
    tpu.enqueue_indirect_dma source(%dma_start3A_12 : memref<10000x32xf32, #tpu.memory_space<vmem_shared>>) target(%arg9 : memref<80x32xf32, #tpu.memory_space<vmem>>) offsets(%dma_start3A_9 : memref<80xi32, #tpu.memory_space<vmem>>) semaphore(%arg16 : memref<!tpu.dma_semaphore, #tpu.memory_space<semaphore_mem>>)
    %dma_start3A_13 = arith.constant 1 : i32
    %dma_start3A_14 = arith.constant 0 : i32
    %dma_start3A_15 = tpu.memref_slice %arg7[%dma_start3A_13, %dma_start3A_14] : memref<125x80xi32, #tpu.memory_space<vmem>> -> memref<1x80xi32, #tpu.memory_space<vmem>>
    %dma_start3A_16 = tpu.memref_squeeze %dma_start3A_15 : memref<1x80xi32, #tpu.memory_space<vmem>> -> memref<80xi32, #tpu.memory_space<vmem>>
    %dma_start3A_17 = arith.constant 0 : i32
    %dma_start3A_18 = arith.constant 0 : i32
    %dma_start3A_19 = tpu.memref_slice %arg14[%dma_start3A_17, %dma_start3A_18] : memref<10000x32xf32, #tpu.memory_space<vmem_shared>> -> memref<10000x32xf32, #tpu.memory_space<vmem_shared>>
    tpu.enqueue_indirect_dma source(%dma_start3A_19 : memref<10000x32xf32, #tpu.memory_space<vmem_shared>>) target(%arg10 : memref<80x32xf32, #tpu.memory_space<vmem>>) offsets(%dma_start3A_16 : memref<80xi32, #tpu.memory_space<vmem>>) semaphore(%arg17 : memref<!tpu.dma_semaphore, #tpu.memory_space<semaphore_mem>>)
    %dma_start3A_20 = arith.constant 2 : i32
    %dma_start3A_21 = arith.constant 0 : i32
    %dma_start3A_22 = tpu.memref_slice %arg7[%dma_start3A_20, %dma_start3A_21] : memref<125x80xi32, #tpu.memory_space<vmem>> -> memref<1x80xi32, #tpu.memory_space<vmem>>
    %dma_start3A_23 = tpu.memref_squeeze %dma_start3A_22 : memref<1x80xi32, #tpu.memory_space<vmem>> -> memref<80xi32, #tpu.memory_space<vmem>>
    %dma_start3A_24 = arith.constant 0 : i32
    %dma_start3A_25 = arith.constant 0 : i32
    %dma_start3A_26 = tpu.memref_slice %arg14[%dma_start3A_24, %dma_start3A_25] : memref<10000x32xf32, #tpu.memory_space<vmem_shared>> -> memref<10000x32xf32, #tpu.memory_space<vmem_shared>>
    tpu.enqueue_indirect_dma source(%dma_start3A_26 : memref<10000x32xf32, #tpu.memory_space<vmem_shared>>) target(%arg11 : memref<80x32xf32, #tpu.memory_space<vmem>>) offsets(%dma_start3A_23 : memref<80xi32, #tpu.memory_space<vmem>>) semaphore(%arg18 : memref<!tpu.dma_semaphore, #tpu.memory_space<semaphore_mem>>)
    %dma_start3A_27 = arith.constant 3 : i32
    %dma_start3A_28 = arith.constant 0 : i32
    %dma_start3A_29 = tpu.memref_slice %arg7[%dma_start3A_27, %dma_start3A_28] : memref<125x80xi32, #tpu.memory_space<vmem>> -> memref<1x80xi32, #tpu.memory_space<vmem>>
    %dma_start3A_30 = tpu.memref_squeeze %dma_start3A_29 : memref<1x80xi32, #tpu.memory_space<vmem>> -> memref<80xi32, #tpu.memory_space<vmem>>
    %dma_start3A_31 = arith.constant 0 : i32
    %dma_start3A_32 = arith.constant 0 : i32
    %dma_start3A_33 = tpu.memref_slice %arg14[%dma_start3A_31, %dma_start3A_32] : memref<10000x32xf32, #tpu.memory_space<vmem_shared>> -> memref<10000x32xf32, #tpu.memory_space<vmem_shared>>
    tpu.enqueue_indirect_dma source(%dma_start3A_33 : memref<10000x32xf32, #tpu.memory_space<vmem_shared>>) target(%arg12 : memref<80x32xf32, #tpu.memory_space<vmem>>) offsets(%dma_start3A_30 : memref<80xi32, #tpu.memory_space<vmem>>) semaphore(%arg19 : memref<!tpu.dma_semaphore, #tpu.memory_space<semaphore_mem>>)
    %scan3A = arith.constant 0 : i32
    %scan3A_34 = arith.constant 0 : i32
    %scan3A_35 = arith.constant 25 : i32
    %scan3A_36 = arith.addi %scan3A_34, %scan3A_35 : i32
    %scan3A_37 = arith.constant 1 : i32
    scf.for %scan3A_55 = %scan3A_34 to %scan3A_36 step %scan3A_37  : i32 {
      %mul3A_56 = arith.constant 5 : i32
      %mul3A_57 = arith.muli %mul3A_56, %scan3A_55 : i32
      %add3A_58 = arith.constant 0 : i32
      %add3A_59 = arith.addi %mul3A_57, %add3A_58 : i32
      %add3A_60 = arith.constant 4 : i32
      %add3A_61 = arith.addi %add3A_59, %add3A_60 : i32
      %gt3A = arith.constant 0 : i32
      %gt3A_62 = arith.cmpi sgt, %scan3A_55, %gt3A : i32
      %convert_element_type3A_63 = arith.extui %gt3A_62 : i1 to i32
      %cond3A_64 = arith.constant 0 : i32
      %cond3A_65 = arith.cmpi ne, %convert_element_type3A_63, %cond3A_64 : i32
      scf.if %cond3A_65 {
        %dma_wait3A_229 = arith.constant 0 : i32
        %dma_wait3A_230 = arith.constant 0 : i32
        %dma_wait3A_231 = tpu.memref_slice %arg8[%dma_wait3A_229, %dma_wait3A_230] : memref<125x80xi32, #tpu.memory_space<vmem>> -> memref<1x80xi32, #tpu.memory_space<vmem>>
        %dma_wait3A_232 = tpu.memref_squeeze %dma_wait3A_231 : memref<1x80xi32, #tpu.memory_space<vmem>> -> memref<80xi32, #tpu.memory_space<vmem>>
        %dma_wait3A_233 = arith.constant 0 : i32
        %dma_wait3A_234 = arith.constant 0 : i32
        %dma_wait3A_235 = tpu.memref_slice %arg15[%dma_wait3A_233, %dma_wait3A_234] : memref<10000x32xf32, #tpu.memory_space<vmem_shared>> -> memref<10000x32xf32, #tpu.memory_space<vmem_shared>>
        tpu.wait_indirect_dma semaphore(%arg25 : memref<!tpu.dma_semaphore, #tpu.memory_space<semaphore_mem>>) src(%arg13 : memref<80x32xf32, #tpu.memory_space<vmem>>) dst(%dma_wait3A_235 : memref<10000x32xf32, #tpu.memory_space<vmem_shared>>)
      } else {
      }
      %dma_start3A_66 = arith.constant 0 : i32
      %dma_start3A_67 = tpu.memref_slice %arg7[%add3A_61, %dma_start3A_66] : memref<125x80xi32, #tpu.memory_space<vmem>> -> memref<1x80xi32, #tpu.memory_space<vmem>>
      %dma_start3A_68 = tpu.memref_squeeze %dma_start3A_67 : memref<1x80xi32, #tpu.memory_space<vmem>> -> memref<80xi32, #tpu.memory_space<vmem>>
      %dma_start3A_69 = arith.constant 0 : i32
      %dma_start3A_70 = arith.constant 0 : i32
      %dma_start3A_71 = tpu.memref_slice %arg14[%dma_start3A_69, %dma_start3A_70] : memref<10000x32xf32, #tpu.memory_space<vmem_shared>> -> memref<10000x32xf32, #tpu.memory_space<vmem_shared>>
      tpu.enqueue_indirect_dma source(%dma_start3A_71 : memref<10000x32xf32, #tpu.memory_space<vmem_shared>>) target(%arg13 : memref<80x32xf32, #tpu.memory_space<vmem>>) offsets(%dma_start3A_68 : memref<80xi32, #tpu.memory_space<vmem>>) semaphore(%arg20 : memref<!tpu.dma_semaphore, #tpu.memory_space<semaphore_mem>>)
      %mul3A_72 = arith.constant 5 : i32
      %mul3A_73 = arith.muli %mul3A_72, %scan3A_55 : i32
      %add3A_74 = arith.constant 0 : i32
      %add3A_75 = arith.addi %mul3A_73, %add3A_74 : i32
      %dma_wait3A_76 = arith.constant 0 : i32
      %dma_wait3A_77 = arith.constant 0 : i32
      %dma_wait3A_78 = tpu.memref_slice %arg7[%dma_wait3A_76, %dma_wait3A_77] : memref<125x80xi32, #tpu.memory_space<vmem>> -> memref<1x80xi32, #tpu.memory_space<vmem>>
      %dma_wait3A_79 = tpu.memref_squeeze %dma_wait3A_78 : memref<1x80xi32, #tpu.memory_space<vmem>> -> memref<80xi32, #tpu.memory_space<vmem>>
      %dma_wait3A_80 = arith.constant 0 : i32
      %dma_wait3A_81 = arith.constant 0 : i32
      %dma_wait3A_82 = tpu.memref_slice %arg14[%dma_wait3A_80, %dma_wait3A_81] : memref<10000x32xf32, #tpu.memory_space<vmem_shared>> -> memref<10000x32xf32, #tpu.memory_space<vmem_shared>>
      tpu.wait_indirect_dma semaphore(%arg16 : memref<!tpu.dma_semaphore, #tpu.memory_space<semaphore_mem>>) src(%dma_wait3A_82 : memref<10000x32xf32, #tpu.memory_space<vmem_shared>>) dst(%arg9 : memref<80x32xf32, #tpu.memory_space<vmem>>)
      %dma_start3A_83 = arith.constant 0 : i32
      %dma_start3A_84 = tpu.memref_slice %arg8[%add3A_75, %dma_start3A_83] : memref<125x80xi32, #tpu.memory_space<vmem>> -> memref<1x80xi32, #tpu.memory_space<vmem>>
      %dma_start3A_85 = tpu.memref_squeeze %dma_start3A_84 : memref<1x80xi32, #tpu.memory_space<vmem>> -> memref<80xi32, #tpu.memory_space<vmem>>
      %dma_start3A_86 = arith.constant 0 : i32
      %dma_start3A_87 = arith.constant 0 : i32
      %dma_start3A_88 = tpu.memref_slice %arg15[%dma_start3A_86, %dma_start3A_87] : memref<10000x32xf32, #tpu.memory_space<vmem_shared>> -> memref<10000x32xf32, #tpu.memory_space<vmem_shared>>
      tpu.enqueue_indirect_dma source(%arg9 : memref<80x32xf32, #tpu.memory_space<vmem>>) target(%dma_start3A_88 : memref<10000x32xf32, #tpu.memory_space<vmem_shared>>) offsets(%dma_start3A_85 : memref<80xi32, #tpu.memory_space<vmem>>) semaphore(%arg21 : memref<!tpu.dma_semaphore, #tpu.memory_space<semaphore_mem>>) {add = true}
      %mul3A_89 = arith.constant 5 : i32
      %mul3A_90 = arith.muli %mul3A_89, %scan3A_55 : i32
      %add3A_91 = arith.constant 1 : i32
      %add3A_92 = arith.addi %mul3A_90, %add3A_91 : i32
      %add3A_93 = arith.constant 4 : i32
      %add3A_94 = arith.addi %add3A_92, %add3A_93 : i32
      %dma_wait3A_95 = arith.constant 0 : i32
      %dma_wait3A_96 = arith.constant 0 : i32
      %dma_wait3A_97 = tpu.memref_slice %arg8[%dma_wait3A_95, %dma_wait3A_96] : memref<125x80xi32, #tpu.memory_space<vmem>> -> memref<1x80xi32, #tpu.memory_space<vmem>>
      %dma_wait3A_98 = tpu.memref_squeeze %dma_wait3A_97 : memref<1x80xi32, #tpu.memory_space<vmem>> -> memref<80xi32, #tpu.memory_space<vmem>>
      %dma_wait3A_99 = arith.constant 0 : i32
      %dma_wait3A_100 = arith.constant 0 : i32
      %dma_wait3A_101 = tpu.memref_slice %arg15[%dma_wait3A_99, %dma_wait3A_100] : memref<10000x32xf32, #tpu.memory_space<vmem_shared>> -> memref<10000x32xf32, #tpu.memory_space<vmem_shared>>
      tpu.wait_indirect_dma semaphore(%arg21 : memref<!tpu.dma_semaphore, #tpu.memory_space<semaphore_mem>>) src(%arg9 : memref<80x32xf32, #tpu.memory_space<vmem>>) dst(%dma_wait3A_101 : memref<10000x32xf32, #tpu.memory_space<vmem_shared>>)
      %lt3A_102 = arith.constant 125 : i32
      %lt3A_103 = arith.cmpi slt, %add3A_94, %lt3A_102 : i32
      %convert_element_type3A_104 = arith.extui %lt3A_103 : i1 to i32
      %cond3A_105 = arith.constant 0 : i32
      %cond3A_106 = arith.cmpi ne, %convert_element_type3A_104, %cond3A_105 : i32
      scf.if %cond3A_106 {
        %dma_start3A_229 = arith.constant 0 : i32
        %dma_start3A_230 = tpu.memref_slice %arg7[%add3A_94, %dma_start3A_229] : memref<125x80xi32, #tpu.memory_space<vmem>> -> memref<1x80xi32, #tpu.memory_space<vmem>>
        %dma_start3A_231 = tpu.memref_squeeze %dma_start3A_230 : memref<1x80xi32, #tpu.memory_space<vmem>> -> memref<80xi32, #tpu.memory_space<vmem>>
        %dma_start3A_232 = arith.constant 0 : i32
        %dma_start3A_233 = arith.constant 0 : i32
        %dma_start3A_234 = tpu.memref_slice %arg14[%dma_start3A_232, %dma_start3A_233] : memref<10000x32xf32, #tpu.memory_space<vmem_shared>> -> memref<10000x32xf32, #tpu.memory_space<vmem_shared>>
        tpu.enqueue_indirect_dma source(%dma_start3A_234 : memref<10000x32xf32, #tpu.memory_space<vmem_shared>>) target(%arg9 : memref<80x32xf32, #tpu.memory_space<vmem>>) offsets(%dma_start3A_231 : memref<80xi32, #tpu.memory_space<vmem>>) semaphore(%arg16 : memref<!tpu.dma_semaphore, #tpu.memory_space<semaphore_mem>>)
      } else {
      }
      %mul3A_107 = arith.constant 5 : i32
      %mul3A_108 = arith.muli %mul3A_107, %scan3A_55 : i32
      %add3A_109 = arith.constant 1 : i32
      %add3A_110 = arith.addi %mul3A_108, %add3A_109 : i32
      %dma_wait3A_111 = arith.constant 0 : i32
      %dma_wait3A_112 = arith.constant 0 : i32
      %dma_wait3A_113 = tpu.memref_slice %arg7[%dma_wait3A_111, %dma_wait3A_112] : memref<125x80xi32, #tpu.memory_space<vmem>> -> memref<1x80xi32, #tpu.memory_space<vmem>>
      %dma_wait3A_114 = tpu.memref_squeeze %dma_wait3A_113 : memref<1x80xi32, #tpu.memory_space<vmem>> -> memref<80xi32, #tpu.memory_space<vmem>>
      %dma_wait3A_115 = arith.constant 0 : i32
      %dma_wait3A_116 = arith.constant 0 : i32
      %dma_wait3A_117 = tpu.memref_slice %arg14[%dma_wait3A_115, %dma_wait3A_116] : memref<10000x32xf32, #tpu.memory_space<vmem_shared>> -> memref<10000x32xf32, #tpu.memory_space<vmem_shared>>
      tpu.wait_indirect_dma semaphore(%arg17 : memref<!tpu.dma_semaphore, #tpu.memory_space<semaphore_mem>>) src(%dma_wait3A_117 : memref<10000x32xf32, #tpu.memory_space<vmem_shared>>) dst(%arg10 : memref<80x32xf32, #tpu.memory_space<vmem>>)
      %dma_start3A_118 = arith.constant 0 : i32
      %dma_start3A_119 = tpu.memref_slice %arg8[%add3A_110, %dma_start3A_118] : memref<125x80xi32, #tpu.memory_space<vmem>> -> memref<1x80xi32, #tpu.memory_space<vmem>>
      %dma_start3A_120 = tpu.memref_squeeze %dma_start3A_119 : memref<1x80xi32, #tpu.memory_space<vmem>> -> memref<80xi32, #tpu.memory_space<vmem>>
      %dma_start3A_121 = arith.constant 0 : i32
      %dma_start3A_122 = arith.constant 0 : i32
      %dma_start3A_123 = tpu.memref_slice %arg15[%dma_start3A_121, %dma_start3A_122] : memref<10000x32xf32, #tpu.memory_space<vmem_shared>> -> memref<10000x32xf32, #tpu.memory_space<vmem_shared>>
      tpu.enqueue_indirect_dma source(%arg10 : memref<80x32xf32, #tpu.memory_space<vmem>>) target(%dma_start3A_123 : memref<10000x32xf32, #tpu.memory_space<vmem_shared>>) offsets(%dma_start3A_120 : memref<80xi32, #tpu.memory_space<vmem>>) semaphore(%arg22 : memref<!tpu.dma_semaphore, #tpu.memory_space<semaphore_mem>>) {add = true}
      %mul3A_124 = arith.constant 5 : i32
      %mul3A_125 = arith.muli %mul3A_124, %scan3A_55 : i32
      %add3A_126 = arith.constant 2 : i32
      %add3A_127 = arith.addi %mul3A_125, %add3A_126 : i32
      %add3A_128 = arith.constant 4 : i32
      %add3A_129 = arith.addi %add3A_127, %add3A_128 : i32
      %dma_wait3A_130 = arith.constant 0 : i32
      %dma_wait3A_131 = arith.constant 0 : i32
      %dma_wait3A_132 = tpu.memref_slice %arg8[%dma_wait3A_130, %dma_wait3A_131] : memref<125x80xi32, #tpu.memory_space<vmem>> -> memref<1x80xi32, #tpu.memory_space<vmem>>
      %dma_wait3A_133 = tpu.memref_squeeze %dma_wait3A_132 : memref<1x80xi32, #tpu.memory_space<vmem>> -> memref<80xi32, #tpu.memory_space<vmem>>
      %dma_wait3A_134 = arith.constant 0 : i32
      %dma_wait3A_135 = arith.constant 0 : i32
      %dma_wait3A_136 = tpu.memref_slice %arg15[%dma_wait3A_134, %dma_wait3A_135] : memref<10000x32xf32, #tpu.memory_space<vmem_shared>> -> memref<10000x32xf32, #tpu.memory_space<vmem_shared>>
      tpu.wait_indirect_dma semaphore(%arg22 : memref<!tpu.dma_semaphore, #tpu.memory_space<semaphore_mem>>) src(%arg10 : memref<80x32xf32, #tpu.memory_space<vmem>>) dst(%dma_wait3A_136 : memref<10000x32xf32, #tpu.memory_space<vmem_shared>>)
      %lt3A_137 = arith.constant 125 : i32
      %lt3A_138 = arith.cmpi slt, %add3A_129, %lt3A_137 : i32
      %convert_element_type3A_139 = arith.extui %lt3A_138 : i1 to i32
      %cond3A_140 = arith.constant 0 : i32
      %cond3A_141 = arith.cmpi ne, %convert_element_type3A_139, %cond3A_140 : i32
      scf.if %cond3A_141 {
        %dma_start3A_229 = arith.constant 0 : i32
        %dma_start3A_230 = tpu.memref_slice %arg7[%add3A_129, %dma_start3A_229] : memref<125x80xi32, #tpu.memory_space<vmem>> -> memref<1x80xi32, #tpu.memory_space<vmem>>
        %dma_start3A_231 = tpu.memref_squeeze %dma_start3A_230 : memref<1x80xi32, #tpu.memory_space<vmem>> -> memref<80xi32, #tpu.memory_space<vmem>>
        %dma_start3A_232 = arith.constant 0 : i32
        %dma_start3A_233 = arith.constant 0 : i32
        %dma_start3A_234 = tpu.memref_slice %arg14[%dma_start3A_232, %dma_start3A_233] : memref<10000x32xf32, #tpu.memory_space<vmem_shared>> -> memref<10000x32xf32, #tpu.memory_space<vmem_shared>>
        tpu.enqueue_indirect_dma source(%dma_start3A_234 : memref<10000x32xf32, #tpu.memory_space<vmem_shared>>) target(%arg10 : memref<80x32xf32, #tpu.memory_space<vmem>>) offsets(%dma_start3A_231 : memref<80xi32, #tpu.memory_space<vmem>>) semaphore(%arg17 : memref<!tpu.dma_semaphore, #tpu.memory_space<semaphore_mem>>)
      } else {
      }
      %mul3A_142 = arith.constant 5 : i32
      %mul3A_143 = arith.muli %mul3A_142, %scan3A_55 : i32
      %add3A_144 = arith.constant 2 : i32
      %add3A_145 = arith.addi %mul3A_143, %add3A_144 : i32
      %dma_wait3A_146 = arith.constant 0 : i32
      %dma_wait3A_147 = arith.constant 0 : i32
      %dma_wait3A_148 = tpu.memref_slice %arg7[%dma_wait3A_146, %dma_wait3A_147] : memref<125x80xi32, #tpu.memory_space<vmem>> -> memref<1x80xi32, #tpu.memory_space<vmem>>
      %dma_wait3A_149 = tpu.memref_squeeze %dma_wait3A_148 : memref<1x80xi32, #tpu.memory_space<vmem>> -> memref<80xi32, #tpu.memory_space<vmem>>
      %dma_wait3A_150 = arith.constant 0 : i32
      %dma_wait3A_151 = arith.constant 0 : i32
      %dma_wait3A_152 = tpu.memref_slice %arg14[%dma_wait3A_150, %dma_wait3A_151] : memref<10000x32xf32, #tpu.memory_space<vmem_shared>> -> memref<10000x32xf32, #tpu.memory_space<vmem_shared>>
      tpu.wait_indirect_dma semaphore(%arg18 : memref<!tpu.dma_semaphore, #tpu.memory_space<semaphore_mem>>) src(%dma_wait3A_152 : memref<10000x32xf32, #tpu.memory_space<vmem_shared>>) dst(%arg11 : memref<80x32xf32, #tpu.memory_space<vmem>>)
      %dma_start3A_153 = arith.constant 0 : i32
      %dma_start3A_154 = tpu.memref_slice %arg8[%add3A_145, %dma_start3A_153] : memref<125x80xi32, #tpu.memory_space<vmem>> -> memref<1x80xi32, #tpu.memory_space<vmem>>
      %dma_start3A_155 = tpu.memref_squeeze %dma_start3A_154 : memref<1x80xi32, #tpu.memory_space<vmem>> -> memref<80xi32, #tpu.memory_space<vmem>>
      %dma_start3A_156 = arith.constant 0 : i32
      %dma_start3A_157 = arith.constant 0 : i32
      %dma_start3A_158 = tpu.memref_slice %arg15[%dma_start3A_156, %dma_start3A_157] : memref<10000x32xf32, #tpu.memory_space<vmem_shared>> -> memref<10000x32xf32, #tpu.memory_space<vmem_shared>>
      tpu.enqueue_indirect_dma source(%arg11 : memref<80x32xf32, #tpu.memory_space<vmem>>) target(%dma_start3A_158 : memref<10000x32xf32, #tpu.memory_space<vmem_shared>>) offsets(%dma_start3A_155 : memref<80xi32, #tpu.memory_space<vmem>>) semaphore(%arg23 : memref<!tpu.dma_semaphore, #tpu.memory_space<semaphore_mem>>) {add = true}
      %mul3A_159 = arith.constant 5 : i32
      %mul3A_160 = arith.muli %mul3A_159, %scan3A_55 : i32
      %add3A_161 = arith.constant 3 : i32
      %add3A_162 = arith.addi %mul3A_160, %add3A_161 : i32
      %add3A_163 = arith.constant 4 : i32
      %add3A_164 = arith.addi %add3A_162, %add3A_163 : i32
      %dma_wait3A_165 = arith.constant 0 : i32
      %dma_wait3A_166 = arith.constant 0 : i32
      %dma_wait3A_167 = tpu.memref_slice %arg8[%dma_wait3A_165, %dma_wait3A_166] : memref<125x80xi32, #tpu.memory_space<vmem>> -> memref<1x80xi32, #tpu.memory_space<vmem>>
      %dma_wait3A_168 = tpu.memref_squeeze %dma_wait3A_167 : memref<1x80xi32, #tpu.memory_space<vmem>> -> memref<80xi32, #tpu.memory_space<vmem>>
      %dma_wait3A_169 = arith.constant 0 : i32
      %dma_wait3A_170 = arith.constant 0 : i32
      %dma_wait3A_171 = tpu.memref_slice %arg15[%dma_wait3A_169, %dma_wait3A_170] : memref<10000x32xf32, #tpu.memory_space<vmem_shared>> -> memref<10000x32xf32, #tpu.memory_space<vmem_shared>>
      tpu.wait_indirect_dma semaphore(%arg23 : memref<!tpu.dma_semaphore, #tpu.memory_space<semaphore_mem>>) src(%arg11 : memref<80x32xf32, #tpu.memory_space<vmem>>) dst(%dma_wait3A_171 : memref<10000x32xf32, #tpu.memory_space<vmem_shared>>)
      %lt3A_172 = arith.constant 125 : i32
      %lt3A_173 = arith.cmpi slt, %add3A_164, %lt3A_172 : i32
      %convert_element_type3A_174 = arith.extui %lt3A_173 : i1 to i32
      %cond3A_175 = arith.constant 0 : i32
      %cond3A_176 = arith.cmpi ne, %convert_element_type3A_174, %cond3A_175 : i32
      scf.if %cond3A_176 {
        %dma_start3A_229 = arith.constant 0 : i32
        %dma_start3A_230 = tpu.memref_slice %arg7[%add3A_164, %dma_start3A_229] : memref<125x80xi32, #tpu.memory_space<vmem>> -> memref<1x80xi32, #tpu.memory_space<vmem>>
        %dma_start3A_231 = tpu.memref_squeeze %dma_start3A_230 : memref<1x80xi32, #tpu.memory_space<vmem>> -> memref<80xi32, #tpu.memory_space<vmem>>
        %dma_start3A_232 = arith.constant 0 : i32
        %dma_start3A_233 = arith.constant 0 : i32
        %dma_start3A_234 = tpu.memref_slice %arg14[%dma_start3A_232, %dma_start3A_233] : memref<10000x32xf32, #tpu.memory_space<vmem_shared>> -> memref<10000x32xf32, #tpu.memory_space<vmem_shared>>
        tpu.enqueue_indirect_dma source(%dma_start3A_234 : memref<10000x32xf32, #tpu.memory_space<vmem_shared>>) target(%arg11 : memref<80x32xf32, #tpu.memory_space<vmem>>) offsets(%dma_start3A_231 : memref<80xi32, #tpu.memory_space<vmem>>) semaphore(%arg18 : memref<!tpu.dma_semaphore, #tpu.memory_space<semaphore_mem>>)
      } else {
      }
      %mul3A_177 = arith.constant 5 : i32
      %mul3A_178 = arith.muli %mul3A_177, %scan3A_55 : i32
      %add3A_179 = arith.constant 3 : i32
      %add3A_180 = arith.addi %mul3A_178, %add3A_179 : i32
      %dma_wait3A_181 = arith.constant 0 : i32
      %dma_wait3A_182 = arith.constant 0 : i32
      %dma_wait3A_183 = tpu.memref_slice %arg7[%dma_wait3A_181, %dma_wait3A_182] : memref<125x80xi32, #tpu.memory_space<vmem>> -> memref<1x80xi32, #tpu.memory_space<vmem>>
      %dma_wait3A_184 = tpu.memref_squeeze %dma_wait3A_183 : memref<1x80xi32, #tpu.memory_space<vmem>> -> memref<80xi32, #tpu.memory_space<vmem>>
      %dma_wait3A_185 = arith.constant 0 : i32
      %dma_wait3A_186 = arith.constant 0 : i32
      %dma_wait3A_187 = tpu.memref_slice %arg14[%dma_wait3A_185, %dma_wait3A_186] : memref<10000x32xf32, #tpu.memory_space<vmem_shared>> -> memref<10000x32xf32, #tpu.memory_space<vmem_shared>>
      tpu.wait_indirect_dma semaphore(%arg19 : memref<!tpu.dma_semaphore, #tpu.memory_space<semaphore_mem>>) src(%dma_wait3A_187 : memref<10000x32xf32, #tpu.memory_space<vmem_shared>>) dst(%arg12 : memref<80x32xf32, #tpu.memory_space<vmem>>)
      %dma_start3A_188 = arith.constant 0 : i32
      %dma_start3A_189 = tpu.memref_slice %arg8[%add3A_180, %dma_start3A_188] : memref<125x80xi32, #tpu.memory_space<vmem>> -> memref<1x80xi32, #tpu.memory_space<vmem>>
      %dma_start3A_190 = tpu.memref_squeeze %dma_start3A_189 : memref<1x80xi32, #tpu.memory_space<vmem>> -> memref<80xi32, #tpu.memory_space<vmem>>
      %dma_start3A_191 = arith.constant 0 : i32
      %dma_start3A_192 = arith.constant 0 : i32
      %dma_start3A_193 = tpu.memref_slice %arg15[%dma_start3A_191, %dma_start3A_192] : memref<10000x32xf32, #tpu.memory_space<vmem_shared>> -> memref<10000x32xf32, #tpu.memory_space<vmem_shared>>
      tpu.enqueue_indirect_dma source(%arg12 : memref<80x32xf32, #tpu.memory_space<vmem>>) target(%dma_start3A_193 : memref<10000x32xf32, #tpu.memory_space<vmem_shared>>) offsets(%dma_start3A_190 : memref<80xi32, #tpu.memory_space<vmem>>) semaphore(%arg24 : memref<!tpu.dma_semaphore, #tpu.memory_space<semaphore_mem>>) {add = true}
      %mul3A_194 = arith.constant 5 : i32
      %mul3A_195 = arith.muli %mul3A_194, %scan3A_55 : i32
      %add3A_196 = arith.constant 4 : i32
      %add3A_197 = arith.addi %mul3A_195, %add3A_196 : i32
      %add3A_198 = arith.constant 4 : i32
      %add3A_199 = arith.addi %add3A_197, %add3A_198 : i32
      %dma_wait3A_200 = arith.constant 0 : i32
      %dma_wait3A_201 = arith.constant 0 : i32
      %dma_wait3A_202 = tpu.memref_slice %arg8[%dma_wait3A_200, %dma_wait3A_201] : memref<125x80xi32, #tpu.memory_space<vmem>> -> memref<1x80xi32, #tpu.memory_space<vmem>>
      %dma_wait3A_203 = tpu.memref_squeeze %dma_wait3A_202 : memref<1x80xi32, #tpu.memory_space<vmem>> -> memref<80xi32, #tpu.memory_space<vmem>>
      %dma_wait3A_204 = arith.constant 0 : i32
      %dma_wait3A_205 = arith.constant 0 : i32
      %dma_wait3A_206 = tpu.memref_slice %arg15[%dma_wait3A_204, %dma_wait3A_205] : memref<10000x32xf32, #tpu.memory_space<vmem_shared>> -> memref<10000x32xf32, #tpu.memory_space<vmem_shared>>
      tpu.wait_indirect_dma semaphore(%arg24 : memref<!tpu.dma_semaphore, #tpu.memory_space<semaphore_mem>>) src(%arg12 : memref<80x32xf32, #tpu.memory_space<vmem>>) dst(%dma_wait3A_206 : memref<10000x32xf32, #tpu.memory_space<vmem_shared>>)
      %lt3A_207 = arith.constant 125 : i32
      %lt3A_208 = arith.cmpi slt, %add3A_199, %lt3A_207 : i32
      %convert_element_type3A_209 = arith.extui %lt3A_208 : i1 to i32
      %cond3A_210 = arith.constant 0 : i32
      %cond3A_211 = arith.cmpi ne, %convert_element_type3A_209, %cond3A_210 : i32
      scf.if %cond3A_211 {
        %dma_start3A_229 = arith.constant 0 : i32
        %dma_start3A_230 = tpu.memref_slice %arg7[%add3A_199, %dma_start3A_229] : memref<125x80xi32, #tpu.memory_space<vmem>> -> memref<1x80xi32, #tpu.memory_space<vmem>>
        %dma_start3A_231 = tpu.memref_squeeze %dma_start3A_230 : memref<1x80xi32, #tpu.memory_space<vmem>> -> memref<80xi32, #tpu.memory_space<vmem>>
        %dma_start3A_232 = arith.constant 0 : i32
        %dma_start3A_233 = arith.constant 0 : i32
        %dma_start3A_234 = tpu.memref_slice %arg14[%dma_start3A_232, %dma_start3A_233] : memref<10000x32xf32, #tpu.memory_space<vmem_shared>> -> memref<10000x32xf32, #tpu.memory_space<vmem_shared>>
        tpu.enqueue_indirect_dma source(%dma_start3A_234 : memref<10000x32xf32, #tpu.memory_space<vmem_shared>>) target(%arg12 : memref<80x32xf32, #tpu.memory_space<vmem>>) offsets(%dma_start3A_231 : memref<80xi32, #tpu.memory_space<vmem>>) semaphore(%arg19 : memref<!tpu.dma_semaphore, #tpu.memory_space<semaphore_mem>>)
      } else {
      }
      %mul3A_212 = arith.constant 5 : i32
      %mul3A_213 = arith.muli %mul3A_212, %scan3A_55 : i32
      %add3A_214 = arith.constant 4 : i32
      %add3A_215 = arith.addi %mul3A_213, %add3A_214 : i32
      %dma_wait3A_216 = arith.constant 0 : i32
      %dma_wait3A_217 = arith.constant 0 : i32
      %dma_wait3A_218 = tpu.memref_slice %arg7[%dma_wait3A_216, %dma_wait3A_217] : memref<125x80xi32, #tpu.memory_space<vmem>> -> memref<1x80xi32, #tpu.memory_space<vmem>>
      %dma_wait3A_219 = tpu.memref_squeeze %dma_wait3A_218 : memref<1x80xi32, #tpu.memory_space<vmem>> -> memref<80xi32, #tpu.memory_space<vmem>>
      %dma_wait3A_220 = arith.constant 0 : i32
      %dma_wait3A_221 = arith.constant 0 : i32
      %dma_wait3A_222 = tpu.memref_slice %arg14[%dma_wait3A_220, %dma_wait3A_221] : memref<10000x32xf32, #tpu.memory_space<vmem_shared>> -> memref<10000x32xf32, #tpu.memory_space<vmem_shared>>
      tpu.wait_indirect_dma semaphore(%arg20 : memref<!tpu.dma_semaphore, #tpu.memory_space<semaphore_mem>>) src(%dma_wait3A_222 : memref<10000x32xf32, #tpu.memory_space<vmem_shared>>) dst(%arg13 : memref<80x32xf32, #tpu.memory_space<vmem>>)
      %dma_start3A_223 = arith.constant 0 : i32
      %dma_start3A_224 = tpu.memref_slice %arg8[%add3A_215, %dma_start3A_223] : memref<125x80xi32, #tpu.memory_space<vmem>> -> memref<1x80xi32, #tpu.memory_space<vmem>>
      %dma_start3A_225 = tpu.memref_squeeze %dma_start3A_224 : memref<1x80xi32, #tpu.memory_space<vmem>> -> memref<80xi32, #tpu.memory_space<vmem>>
      %dma_start3A_226 = arith.constant 0 : i32
      %dma_start3A_227 = arith.constant 0 : i32
      %dma_start3A_228 = tpu.memref_slice %arg15[%dma_start3A_226, %dma_start3A_227] : memref<10000x32xf32, #tpu.memory_space<vmem_shared>> -> memref<10000x32xf32, #tpu.memory_space<vmem_shared>>
      tpu.enqueue_indirect_dma source(%arg13 : memref<80x32xf32, #tpu.memory_space<vmem>>) target(%dma_start3A_228 : memref<10000x32xf32, #tpu.memory_space<vmem_shared>>) offsets(%dma_start3A_225 : memref<80xi32, #tpu.memory_space<vmem>>) semaphore(%arg25 : memref<!tpu.dma_semaphore, #tpu.memory_space<semaphore_mem>>) {add = true}
    }
    %scan3A_38 = arith.constant 25 : i32
    %dma_wait3A = arith.constant 0 : i32
    %dma_wait3A_39 = arith.constant 0 : i32
    %dma_wait3A_40 = tpu.memref_slice %arg8[%dma_wait3A, %dma_wait3A_39] : memref<125x80xi32, #tpu.memory_space<vmem>> -> memref<1x80xi32, #tpu.memory_space<vmem>>
    %dma_wait3A_41 = tpu.memref_squeeze %dma_wait3A_40 : memref<1x80xi32, #tpu.memory_space<vmem>> -> memref<80xi32, #tpu.memory_space<vmem>>
    %dma_wait3A_42 = arith.constant 0 : i32
    %dma_wait3A_43 = arith.constant 0 : i32
    %dma_wait3A_44 = tpu.memref_slice %arg15[%dma_wait3A_42, %dma_wait3A_43] : memref<10000x32xf32, #tpu.memory_space<vmem_shared>> -> memref<10000x32xf32, #tpu.memory_space<vmem_shared>>
    tpu.wait_indirect_dma semaphore(%arg25 : memref<!tpu.dma_semaphore, #tpu.memory_space<semaphore_mem>>) src(%arg13 : memref<80x32xf32, #tpu.memory_space<vmem>>) dst(%dma_wait3A_44 : memref<10000x32xf32, #tpu.memory_space<vmem_shared>>)
    %barrier3A_45 = arith.constant 0 : index
    tpu.barrier barrier_id(%barrier3A_45)
    %lt3A = arith.constant 15 : i32
    %lt3A_46 = arith.cmpi slt, %arg1, %lt3A : i32
    %convert_element_type3A_47 = arith.extui %lt3A_46 : i1 to i32
    %cond3A_48 = arith.constant 0 : i32
    %cond3A_49 = arith.cmpi ne, %convert_element_type3A_47, %cond3A_48 : i32
    scf.if %cond3A_49 {
      %mul3A_55 = arith.constant 624 : i32
      %mul3A_56 = arith.muli %arg1, %mul3A_55 : i32
      %multiple_of3A = tpu.assume_multiple %mul3A_56, 8 : i32
      "tpu.region"() ({
        %run_scoped3A = tpu.sem_alloc : memref<!tpu.dma_semaphore, #tpu.memory_space<semaphore_mem>>
        %dma_start3A_57 = arith.constant 0 : i32
        %dma_start3A_58 = tpu.memref_slice %arg6[%arg0, %multiple_of3A, %dma_start3A_57] : memref<2x10000x32xf32, #tpu.memory_space<hbm>> -> memref<1x624x32xf32, #tpu.memory_space<hbm>>
        %dma_start3A_59 = tpu.memref_squeeze %dma_start3A_58 : memref<1x624x32xf32, #tpu.memory_space<hbm>> -> memref<624x32xf32, #tpu.memory_space<hbm>>
        %dma_start3A_60 = arith.constant 0 : i32
        %dma_start3A_61 = tpu.memref_slice %arg15[%multiple_of3A, %dma_start3A_60] : memref<10000x32xf32, #tpu.memory_space<vmem_shared>> -> memref<624x32xf32, #tpu.memory_space<vmem_shared>>
        tpu.enqueue_dma source(%dma_start3A_61 : memref<624x32xf32, #tpu.memory_space<vmem_shared>>) target(%dma_start3A_59 : memref<624x32xf32, #tpu.memory_space<hbm>>) target_semaphore(%run_scoped3A : memref<!tpu.dma_semaphore, #tpu.memory_space<semaphore_mem>>)
        %dma_wait3A_62 = arith.constant 0 : i32
        %dma_wait3A_63 = tpu.memref_slice %arg6[%arg0, %multiple_of3A, %dma_wait3A_62] : memref<2x10000x32xf32, #tpu.memory_space<hbm>> -> memref<1x624x32xf32, #tpu.memory_space<hbm>>
        %dma_wait3A_64 = tpu.memref_squeeze %dma_wait3A_63 : memref<1x624x32xf32, #tpu.memory_space<hbm>> -> memref<624x32xf32, #tpu.memory_space<hbm>>
        %dma_wait3A_65 = arith.constant 0 : i32
        %dma_wait3A_66 = tpu.memref_slice %arg15[%multiple_of3A, %dma_wait3A_65] : memref<10000x32xf32, #tpu.memory_space<vmem_shared>> -> memref<624x32xf32, #tpu.memory_space<vmem_shared>>
        tpu.wait_dma2 semaphore(%run_scoped3A : memref<!tpu.dma_semaphore, #tpu.memory_space<semaphore_mem>>) src(%dma_wait3A_66 : memref<624x32xf32, #tpu.memory_space<vmem_shared>>) dst(%dma_wait3A_64 : memref<624x32xf32, #tpu.memory_space<hbm>>)
        tpu.yield
      }) : () -> ()
    } else {
    }
    %eq3A_50 = arith.constant 15 : i32
    %eq3A_51 = arith.cmpi eq, %arg1, %eq3A_50 : i32
    %convert_element_type3A_52 = arith.extui %eq3A_51 : i1 to i32
    %cond3A_53 = arith.constant 0 : i32
    %cond3A_54 = arith.cmpi ne, %convert_element_type3A_52, %cond3A_53 : i32
    scf.if %cond3A_54 {
      "tpu.region"() ({
        %run_scoped3A = tpu.sem_alloc : memref<!tpu.dma_semaphore, #tpu.memory_space<semaphore_mem>>
        %dma_start3A_55 = arith.constant 9360 : i32
        %dma_start3A_56 = arith.constant 0 : i32
        %dma_start3A_57 = tpu.memref_slice %arg6[%arg0, %dma_start3A_55, %dma_start3A_56] : memref<2x10000x32xf32, #tpu.memory_space<hbm>> -> memref<1x640x32xf32, #tpu.memory_space<hbm>>
        %dma_start3A_58 = tpu.memref_squeeze %dma_start3A_57 : memref<1x640x32xf32, #tpu.memory_space<hbm>> -> memref<640x32xf32, #tpu.memory_space<hbm>>
        %dma_start3A_59 = arith.constant 9360 : i32
        %dma_start3A_60 = arith.constant 0 : i32
        %dma_start3A_61 = tpu.memref_slice %arg15[%dma_start3A_59, %dma_start3A_60] : memref<10000x32xf32, #tpu.memory_space<vmem_shared>> -> memref<640x32xf32, #tpu.memory_space<vmem_shared>>
        tpu.enqueue_dma source(%dma_start3A_61 : memref<640x32xf32, #tpu.memory_space<vmem_shared>>) target(%dma_start3A_58 : memref<640x32xf32, #tpu.memory_space<hbm>>) target_semaphore(%run_scoped3A : memref<!tpu.dma_semaphore, #tpu.memory_space<semaphore_mem>>)
        %dma_wait3A_62 = arith.constant 9360 : i32
        %dma_wait3A_63 = arith.constant 0 : i32
        %dma_wait3A_64 = tpu.memref_slice %arg6[%arg0, %dma_wait3A_62, %dma_wait3A_63] : memref<2x10000x32xf32, #tpu.memory_space<hbm>> -> memref<1x640x32xf32, #tpu.memory_space<hbm>>
        %dma_wait3A_65 = tpu.memref_squeeze %dma_wait3A_64 : memref<1x640x32xf32, #tpu.memory_space<hbm>> -> memref<640x32xf32, #tpu.memory_space<hbm>>
        %dma_wait3A_66 = arith.constant 9360 : i32
        %dma_wait3A_67 = arith.constant 0 : i32
        %dma_wait3A_68 = tpu.memref_slice %arg15[%dma_wait3A_66, %dma_wait3A_67] : memref<10000x32xf32, #tpu.memory_space<vmem_shared>> -> memref<640x32xf32, #tpu.memory_space<vmem_shared>>
        tpu.wait_dma2 semaphore(%run_scoped3A : memref<!tpu.dma_semaphore, #tpu.memory_space<semaphore_mem>>) src(%dma_wait3A_68 : memref<640x32xf32, #tpu.memory_space<vmem_shared>>) dst(%dma_wait3A_65 : memref<640x32xf32, #tpu.memory_space<hbm>>)
        tpu.yield
      }) : () -> ()
    } else {
    }
    return
  }
}

module attributes {stable_mosaic.version = 14 : i64} {
  func.func @_tc0_body(%arg0: memref<10000x128xf32, #tpu.memory_space<vmem>>, %arg1: memref<128x32xf32, #tpu.memory_space<vmem>>, %arg2: memref<10000x32xf32, #tpu.memory_space<vmem>>) attributes {dimension_semantics = [], scalar_prefetch = 0 : i64, scratch_operands = 0 : i64, tpu.core_type = #tpu.core_type<tc>} {
    %get3A = arith.constant 0 : index
    %get3A_0 = arith.constant 0 : index
    %get3A_1 = vector.load %arg0[%get3A, %get3A_0] : memref<10000x128xf32, #tpu.memory_space<vmem>>, vector<10000x128xf32>
    %get3A_2 = arith.constant 0 : index
    %get3A_3 = arith.constant 0 : index
    %get3A_4 = vector.load %arg1[%get3A_2, %get3A_3] : memref<128x32xf32, #tpu.memory_space<vmem>>, vector<128x32xf32>
    %dot_general3A = arith.constant dense<0.000000e+00> : vector<10000x32xf32>
    %dot_general3A_5 = tpu.matmul %get3A_1, %get3A_4, %dot_general3A {dimension_numbers = #tpu.dot_dimension_numbers<[1], [0], [0], [1], [0, 0, 1, 1], [], []>, transpose_lhs_hint = false} : vector<10000x128xf32>, vector<128x32xf32>, vector<10000x32xf32> -> vector<10000x32xf32>
    %swap3A = arith.constant 0 : index
    %swap3A_6 = arith.constant 0 : index
    %swap3A_7 = vector.load %arg2[%swap3A, %swap3A_6] : memref<10000x32xf32, #tpu.memory_space<vmem>>, vector<10000x32xf32>
    tpu.vector_store %arg2[%swap3A, %swap3A_6], %dot_general3A_5 {strides = array<i32>} : memref<10000x32xf32, #tpu.memory_space<vmem>>, vector<10000x32xf32>,
    return
  }
}

module attributes {stable_mosaic.version = 14 : i64} {
  func.func @_tc1_body(%arg0: memref<2x2x10240x8xf32, #tpu.memory_space<vmem>>, %arg1: memref<10000x32xf32, #tpu.memory_space<vmem>>, %arg2: memref<10000x32xf32, #tpu.memory_space<vmem>>, %arg3: memref<10240x1xf32, #tpu.memory_space<vmem>>, %arg4: memref<10240x1xf32, #tpu.memory_space<vmem>>) attributes {dimension_semantics = [], scalar_prefetch = 0 : i64, scratch_operands = 0 : i64, tpu.core_type = #tpu.core_type<tc>} {
    %get3A = arith.constant 0 : index
    %get3A_0 = arith.constant 0 : index
    %get3A_1 = arith.constant 0 : index
    %get3A_2 = arith.constant 0 : index
    %get3A_3 = vector.load %arg0[%get3A, %get3A_0, %get3A_1, %get3A_2] : memref<2x2x10240x8xf32, #tpu.memory_space<vmem>>, vector<2x2x10240x8xf32>
    %slice3A = vector.extract_strided_slice %get3A_3 {offsets = [0, 0, 0, 0], sizes = [1, 1, 10240, 8], strides = [1, 1, 1, 1]} : vector<2x2x10240x8xf32> to vector<1x1x10240x8xf32>
    %squeeze3A = vector.shape_cast %slice3A : vector<1x1x10240x8xf32> to vector<10240x8xf32>
    %slice3A_4 = vector.extract_strided_slice %get3A_3 {offsets = [1, 0, 0, 0], sizes = [1, 1, 10240, 8], strides = [1, 1, 1, 1]} : vector<2x2x10240x8xf32> to vector<1x1x10240x8xf32>
    %squeeze3A_5 = vector.shape_cast %slice3A_4 : vector<1x1x10240x8xf32> to vector<10240x8xf32>
    %add3A = arith.addf %squeeze3A, %squeeze3A_5 : vector<10240x8xf32>
    %slice3A_6 = vector.extract_strided_slice %add3A {offsets = [0, 0], sizes = [10240, 1], strides = [1, 1]} : vector<10240x8xf32> to vector<10240x1xf32>
    %max3A = arith.constant 1.000000e+00 : f32
    %max3A_7 = vector.broadcast %max3A : f32 to vector<10240x1xf32>
    %max3A_8 = arith.maximumf %slice3A_6, %max3A_7 : vector<10240x1xf32>
    %rsqrt3A = math.rsqrt %max3A_8 : vector<10240x1xf32>
    %slice3A_9 = vector.extract_strided_slice %get3A_3 {offsets = [0, 1, 0, 0], sizes = [1, 1, 10240, 8], strides = [1, 1, 1, 1]} : vector<2x2x10240x8xf32> to vector<1x1x10240x8xf32>
    %squeeze3A_10 = vector.shape_cast %slice3A_9 : vector<1x1x10240x8xf32> to vector<10240x8xf32>
    %slice3A_11 = vector.extract_strided_slice %get3A_3 {offsets = [1, 1, 0, 0], sizes = [1, 1, 10240, 8], strides = [1, 1, 1, 1]} : vector<2x2x10240x8xf32> to vector<1x1x10240x8xf32>
    %squeeze3A_12 = vector.shape_cast %slice3A_11 : vector<1x1x10240x8xf32> to vector<10240x8xf32>
    %add3A_13 = arith.addf %squeeze3A_10, %squeeze3A_12 : vector<10240x8xf32>
    %slice3A_14 = vector.extract_strided_slice %add3A_13 {offsets = [0, 0], sizes = [10240, 1], strides = [1, 1]} : vector<10240x8xf32> to vector<10240x1xf32>
    %max3A_15 = arith.constant 1.000000e+00 : f32
    %max3A_16 = vector.broadcast %max3A_15 : f32 to vector<10240x1xf32>
    %max3A_17 = arith.maximumf %slice3A_14, %max3A_16 : vector<10240x1xf32>
    %rsqrt3A_18 = math.rsqrt %max3A_17 : vector<10240x1xf32>
    %swap3A = arith.constant 0 : index
    %swap3A_19 = arith.constant 0 : index
    %swap3A_20 = vector.load %arg3[%swap3A, %swap3A_19] : memref<10240x1xf32, #tpu.memory_space<vmem>>, vector<10240x1xf32>
    tpu.vector_store %arg3[%swap3A, %swap3A_19], %rsqrt3A {strides = array<i32>} : memref<10240x1xf32, #tpu.memory_space<vmem>>, vector<10240x1xf32>,
    %swap3A_21 = arith.constant 0 : index
    %swap3A_22 = arith.constant 0 : index
    %swap3A_23 = vector.load %arg4[%swap3A_21, %swap3A_22] : memref<10240x1xf32, #tpu.memory_space<vmem>>, vector<10240x1xf32>
    tpu.vector_store %arg4[%swap3A_21, %swap3A_22], %rsqrt3A_18 {strides = array<i32>} : memref<10240x1xf32, #tpu.memory_space<vmem>>, vector<10240x1xf32>,
    %get3A_24 = arith.constant 0 : index
    %get3A_25 = arith.constant 0 : index
    %get3A_26 = vector.load %arg1[%get3A_24, %get3A_25] : memref<10000x32xf32, #tpu.memory_space<vmem>>, vector<10000x32xf32>
    %slice3A_27 = vector.extract_strided_slice %rsqrt3A {offsets = [0, 0], sizes = [10000, 1], strides = [1, 1]} : vector<10240x1xf32> to vector<10000x1xf32>
    %mul3A = vector.broadcast %slice3A_27 : vector<10000x1xf32> to vector<10000x32xf32>
    %mul3A_28 = arith.mulf %get3A_26, %mul3A : vector<10000x32xf32>
    %swap3A_29 = arith.constant 0 : index
    %swap3A_30 = arith.constant 0 : index
    %swap3A_31 = vector.load %arg2[%swap3A_29, %swap3A_30] : memref<10000x32xf32, #tpu.memory_space<vmem>>, vector<10000x32xf32>
    tpu.vector_store %arg2[%swap3A_29, %swap3A_30], %mul3A_28 {strides = array<i32>} : memref<10000x32xf32, #tpu.memory_space<vmem>>, vector<10000x32xf32>,
    return
  }
}

module attributes {stable_mosaic.version = 14 : i64} {
  func.func @_tc2_body(%arg0: memref<2x10000x32xf32, #tpu.memory_space<vmem>>, %arg1: memref<10240x1xf32, #tpu.memory_space<vmem>>, %arg2: memref<10240x1xf32, #tpu.memory_space<vmem>>, %arg3: memref<1x32xf32, #tpu.memory_space<vmem>>, %arg4: memref<32x16xf32, #tpu.memory_space<vmem>>, %arg5: memref<10000x16xf32, #tpu.memory_space<vmem>>) attributes {dimension_semantics = [], scalar_prefetch = 0 : i64, scratch_operands = 0 : i64, tpu.core_type = #tpu.core_type<tc>} {
    %get3A = arith.constant 0 : index
    %get3A_0 = arith.constant 0 : index
    %get3A_1 = arith.constant 0 : index
    %get3A_2 = vector.load %arg0[%get3A, %get3A_0, %get3A_1] : memref<2x10000x32xf32, #tpu.memory_space<vmem>>, vector<1x10000x32xf32>
    %get3A_3 = vector.shape_cast %get3A_2 : vector<1x10000x32xf32> to vector<10000x32xf32>
    %get3A_4 = arith.constant 1 : index
    %get3A_5 = arith.constant 0 : index
    %get3A_6 = arith.constant 0 : index
    %get3A_7 = vector.load %arg0[%get3A_4, %get3A_5, %get3A_6] : memref<2x10000x32xf32, #tpu.memory_space<vmem>>, vector<1x10000x32xf32>
    %get3A_8 = vector.shape_cast %get3A_7 : vector<1x10000x32xf32> to vector<10000x32xf32>
    %add3A = arith.addf %get3A_3, %get3A_8 : vector<10000x32xf32>
    %get3A_9 = arith.constant 0 : index
    %get3A_10 = arith.constant 0 : index
    %get3A_11 = vector.load %arg1[%get3A_9, %get3A_10] : memref<10240x1xf32, #tpu.memory_space<vmem>>, vector<10000x1xf32>
    %mul3A = vector.broadcast %get3A_11 : vector<10000x1xf32> to vector<10000x32xf32>
    %mul3A_12 = arith.mulf %add3A, %mul3A : vector<10000x32xf32>
    %get3A_13 = arith.constant 0 : index
    %get3A_14 = arith.constant 0 : index
    %get3A_15 = vector.load %arg3[%get3A_13, %get3A_14] : memref<1x32xf32, #tpu.memory_space<vmem>>, vector<1x32xf32>
    %add3A_16 = vector.broadcast %get3A_15 : vector<1x32xf32> to vector<10000x32xf32>
    %add3A_17 = arith.addf %mul3A_12, %add3A_16 : vector<10000x32xf32>
    %max3A = arith.constant 0.000000e+00 : f32
    %max3A_18 = vector.broadcast %max3A : f32 to vector<10000x32xf32>
    %max3A_19 = arith.maximumf %add3A_17, %max3A_18 : vector<10000x32xf32>
    %get3A_20 = arith.constant 0 : index
    %get3A_21 = arith.constant 0 : index
    %get3A_22 = vector.load %arg2[%get3A_20, %get3A_21] : memref<10240x1xf32, #tpu.memory_space<vmem>>, vector<10000x1xf32>
    %mul3A_23 = vector.broadcast %get3A_22 : vector<10000x1xf32> to vector<10000x32xf32>
    %mul3A_24 = arith.mulf %max3A_19, %mul3A_23 : vector<10000x32xf32>
    %get3A_25 = arith.constant 0 : index
    %get3A_26 = arith.constant 0 : index
    %get3A_27 = vector.load %arg4[%get3A_25, %get3A_26] : memref<32x16xf32, #tpu.memory_space<vmem>>, vector<32x16xf32>
    %dot_general3A = arith.constant dense<0.000000e+00> : vector<10000x16xf32>
    %dot_general3A_28 = tpu.matmul %mul3A_24, %get3A_27, %dot_general3A {dimension_numbers = #tpu.dot_dimension_numbers<[1], [0], [0], [1], [0, 0, 1, 1], [], []>, transpose_lhs_hint = false} : vector<10000x32xf32>, vector<32x16xf32>, vector<10000x16xf32> -> vector<10000x16xf32>
    %swap3A = arith.constant 0 : index
    %swap3A_29 = arith.constant 0 : index
    %swap3A_30 = vector.load %arg5[%swap3A, %swap3A_29] : memref<10000x16xf32, #tpu.memory_space<vmem>>, vector<10000x16xf32>
    tpu.vector_store %arg5[%swap3A, %swap3A_29], %dot_general3A_28 {strides = array<i32>} : memref<10000x16xf32, #tpu.memory_space<vmem>>, vector<10000x16xf32>,
    return
  }
}

module attributes {stable_mosaic.version = 14 : i64} {
  func.func @_tc4_body(%arg0: i32, %arg1: memref<2x2000x16xf32, #tpu.memory_space<vmem>>, %arg2: memref<2000x1xf32, #tpu.memory_space<vmem>>, %arg3: memref<1x128xf32, #tpu.memory_space<vmem>>, %arg4: memref<16x128xf32, #tpu.memory_space<vmem>>, %arg5: memref<1024x128xf32, #tpu.memory_space<vmem>>, %arg6: memref<2000x1024xf32, #tpu.memory_space<vmem>>) attributes {dimension_semantics = [#tpu.dimension_semantics<arbitrary>], iteration_bounds = array<i64: 5>, scalar_prefetch = 0 : i64, scratch_operands = 0 : i64, tpu.core_type = #tpu.core_type<tc>, window_params = [{transform_indices = @transform_0, window_bounds = array<i64: 2, 2000, 16>}, {transform_indices = @transform_1, window_bounds = array<i64: 2000, 1>}, {pipeline_mode = #tpu.pipeline_mode<synchronous>, transform_indices = @transform_2, window_bounds = array<i64: 1, 128>}, {pipeline_mode = #tpu.pipeline_mode<synchronous>, transform_indices = @transform_3, window_bounds = array<i64: 16, 128>}, {pipeline_mode = #tpu.pipeline_mode<synchronous>, transform_indices = @transform_4, window_bounds = array<i64: 1024, 128>}, {transform_indices = @transform_5, window_bounds = array<i64: 2000, 1024>}]} {
    %get3A = arith.constant 0 : index
    %get3A_0 = arith.constant 0 : index
    %get3A_1 = arith.constant 0 : index
    %get3A_2 = vector.load %arg1[%get3A, %get3A_0, %get3A_1] : memref<2x2000x16xf32, #tpu.memory_space<vmem>>, vector<1x2000x16xf32>
    %get3A_3 = vector.shape_cast %get3A_2 : vector<1x2000x16xf32> to vector<2000x16xf32>
    %get3A_4 = arith.constant 1 : index
    %get3A_5 = arith.constant 0 : index
    %get3A_6 = arith.constant 0 : index
    %get3A_7 = vector.load %arg1[%get3A_4, %get3A_5, %get3A_6] : memref<2x2000x16xf32, #tpu.memory_space<vmem>>, vector<1x2000x16xf32>
    %get3A_8 = vector.shape_cast %get3A_7 : vector<1x2000x16xf32> to vector<2000x16xf32>
    %add3A = arith.addf %get3A_3, %get3A_8 : vector<2000x16xf32>
    %get3A_9 = arith.constant 0 : index
    %get3A_10 = arith.constant 0 : index
    %get3A_11 = vector.load %arg2[%get3A_9, %get3A_10] : memref<2000x1xf32, #tpu.memory_space<vmem>>, vector<2000x1xf32>
    %mul3A = vector.broadcast %get3A_11 : vector<2000x1xf32> to vector<2000x16xf32>
    %mul3A_12 = arith.mulf %add3A, %mul3A : vector<2000x16xf32>
    %get3A_13 = arith.constant 0 : index
    %get3A_14 = arith.constant 0 : index
    %get3A_15 = vector.load %arg4[%get3A_13, %get3A_14] : memref<16x128xf32, #tpu.memory_space<vmem>>, vector<16x128xf32>
    %dot_general3A = arith.constant dense<0.000000e+00> : vector<2000x128xf32>
    %dot_general3A_16 = tpu.matmul %mul3A_12, %get3A_15, %dot_general3A {dimension_numbers = #tpu.dot_dimension_numbers<[1], [0], [0], [1], [0, 0, 1, 1], [], []>, transpose_lhs_hint = false} : vector<2000x16xf32>, vector<16x128xf32>, vector<2000x128xf32> -> vector<2000x128xf32>
    %get3A_17 = arith.constant 0 : index
    %get3A_18 = arith.constant 0 : index
    %get3A_19 = vector.load %arg3[%get3A_17, %get3A_18] : memref<1x128xf32, #tpu.memory_space<vmem>>, vector<1x128xf32>
    %add3A_20 = vector.broadcast %get3A_19 : vector<1x128xf32> to vector<2000x128xf32>
    %add3A_21 = arith.addf %dot_general3A_16, %add3A_20 : vector<2000x128xf32>
    %max3A = arith.constant 0.000000e+00 : f32
    %max3A_22 = vector.broadcast %max3A : f32 to vector<2000x128xf32>
    %max3A_23 = arith.maximumf %add3A_21, %max3A_22 : vector<2000x128xf32>
    %get3A_24 = arith.constant 0 : index
    %get3A_25 = arith.constant 0 : index
    %get3A_26 = vector.load %arg5[%get3A_24, %get3A_25] : memref<1024x128xf32, #tpu.memory_space<vmem>>, vector<1024x128xf32>
    %dot_general3A_27 = arith.constant dense<0.000000e+00> : vector<2000x1024xf32>
    %dot_general3A_28 = tpu.matmul %max3A_23, %get3A_26, %dot_general3A_27 {dimension_numbers = #tpu.dot_dimension_numbers<[1], [1], [0], [0], [0, 0, 1, 0], [], []>, transpose_lhs_hint = false} : vector<2000x128xf32>, vector<1024x128xf32>, vector<2000x1024xf32> -> vector<2000x1024xf32>
    %logistic3A = arith.negf %dot_general3A_28 : vector<2000x1024xf32>
    %logistic3A_29 = math.exp %logistic3A : vector<2000x1024xf32>
    %logistic3A_30 = arith.constant 1.000000e+00 : f32
    %logistic3A_31 = vector.broadcast %logistic3A_30 : f32 to vector<2000x1024xf32>
    %logistic3A_32 = arith.addf %logistic3A_31, %logistic3A_29 : vector<2000x1024xf32>
    %logistic3A_33 = arith.divf %logistic3A_31, %logistic3A_32 : vector<2000x1024xf32>
    %swap3A = arith.constant 0 : index
    %swap3A_34 = arith.constant 0 : index
    %swap3A_35 = vector.load %arg6[%swap3A, %swap3A_34] : memref<2000x1024xf32, #tpu.memory_space<vmem>>, vector<2000x1024xf32>
    tpu.vector_store %arg6[%swap3A, %swap3A_34], %logistic3A_33 {strides = array<i32>} : memref<2000x1024xf32, #tpu.memory_space<vmem>>, vector<2000x1024xf32>,
    return
  }
  func.func @transform_0(%arg0: i32) -> (i32, i32, i32) {
    %c0_i32 = arith.constant 0 : i32
    %c0_i32_0 = arith.constant 0 : i32
    %c0_i32_1 = arith.constant 0 : i32
    return %c0_i32, %arg0, %c0_i32_0 : i32, i32, i32
  }
  func.func @transform_1(%arg0: i32) -> (i32, i32) {
    %c0_i32 = arith.constant 0 : i32
    %c0_i32_0 = arith.constant 0 : i32
    return %arg0, %c0_i32 : i32, i32
  }
  func.func @transform_2(%arg0: i32) -> (i32, i32) {
    %c0_i32 = arith.constant 0 : i32
    %c0_i32_0 = arith.constant 0 : i32
    %c0_i32_1 = arith.constant 0 : i32
    return %c0_i32, %c0_i32_0 : i32, i32
  }
  func.func @transform_3(%arg0: i32) -> (i32, i32) {
    %c0_i32 = arith.constant 0 : i32
    %c0_i32_0 = arith.constant 0 : i32
    %c0_i32_1 = arith.constant 0 : i32
    return %c0_i32, %c0_i32_0 : i32, i32
  }
  func.func @transform_4(%arg0: i32) -> (i32, i32) {
    %c0_i32 = arith.constant 0 : i32
    %c0_i32_0 = arith.constant 0 : i32
    %c0_i32_1 = arith.constant 0 : i32
    return %c0_i32, %c0_i32_0 : i32, i32
  }
  func.func @transform_5(%arg0: i32) -> (i32, i32) {
    %c0_i32 = arith.constant 0 : i32
    %c0_i32_0 = arith.constant 0 : i32
    return %arg0, %c0_i32 : i32, i32
  }
}

</mosaic_0001>

<sc_bundles>
// kernel: kernel.10.cloned.1.call-start
scs
__scs_entry_jumppad:
0x0: {  	(pc) =	sbr.rel $0x88, $3  }
0x1: {  	(tag) =	ssettag $0x0;
	lr =	simm.s32 $0x1  }
0x2: {  	[smem:$0x3F98] =	sst lr;
	_ =	strace $0xD0000000  }
0x3: {  	_ = 	snop  }
0x4: {  	_ = 	snop  }
0x5: {  	_ = 	snop  }
0x6: {  	_ = 	snop  }
0x7: {  	_ = 	snop  }
__scs_overlays_trampoline_lowered:
0x8: {  	[smem:$0x3FA7] =	sst s0  }
0x9: {  	[smem:$0x3FA8] =	sst s1  }
0xa: {  	[smem:$0x3FA9] =	sst s2  }
0xb: {  	[smem:$0x3FAA] =	sst s3  }
0xc: {  	[smem:$0x3FAB] =	sst s4  }
0xd: {  	[smem:$0x3FAC] =	sst s5  }
0xe: {  	[smem:$0x3FAD] =	sst s6  }
0xf: {  	[smem:$0x3FAE] =	sst s7  }
0x10: {  	[smem:$0x3FAF] =	sst s8  }
0x11: {  	[smem:$0x3FB0] =	sst s9;
	s0 =	simm.s32 @!p0 $0x0  }
0x12: {  	s1 =	sld [smem:$0x3F96];
	s0 =	simm.s32 @p0 $0x1  }
0x13: {  	[smem:$0x3FB1] =	sst s0;
	s0 =	simm.s32 @!p1 $0x0  }
0x14: {  	s2 =	sld [smem:$0x3F95];
	s0 =	simm.s32 @p1 $0x1  }
0x15: {  	[smem:$0x3FB2] =	sst s0;
	s0 =	simm.s32 @!p2 $0x0  }
0x16: {  	s3 =	sld [smem:$0x3FDB];
	s0 =	simm.s32 @p2 $0x1  }
0x17: {  	s4 =	simm.s32 $0x1BF5;
	[smem:$0x3FB4] =	sst s0  }
0x18: {  	s0 =	sld [smem:$0x3F97];
	_ =	swait.ge [sflag:s4], $0x0  }
0x19: {  	s7 =	sld [smem:$0x3F98]  }
0x1a: {  	s8 =	sadd.s32 $0xFFFFE003, lr  }
0x1b: {  	s9 =	sadd.s32 $0xFFFFFEF7, lr;
	s5 =	simm.s32 $0xFFFFFFFF;
	p2 =	slt.u32 s8, $0xFFFFF086  }
0x1c: {  	p1 =	slt.u32 s9, $0xF7A;
	s5 =	simm.s32 @!p2 $0x0  }
0x1d: {  	s5 =	simm.s32 @p1 $0x1;
	p0 =	seq.s32 s7, s2  }
0x1e: {  	s7 =	smul.u32 @!p0 $0xF7A, s2;
	p2 =	seq.s32 @!p0 s5, $0x0  }
0x1f: {  	s9 =	smul.u32 $0xF7A, s1;
	s8 =	simm.s32 @!p0 $0x1BF5;
	p2 =	por !p2, p0  }
0x20: {  	[sflag:s8] =	ssyncset.s32 @!p0 $0xFFFFF086;
	s6 =	sadd.s32 @!p0 s3, s7;
	s7 =	simm.s32 @!p0 $0x108  }
0x21: {  	s3 =	sadd.s32 s3, s9;
	s6 =	sadd.s32 @!p0 $0x88, s6;
	s7 =	simm.s32 @p2 $0x1082  }
0x22: {  	[simem:s7], [sflag:s8] =	dma.local @!p0 [hbm:s6], $0xF7A  }
0x23: {  	s9 =	sor.u32 $0xD0000000, s2;
	s6 =	simm.s32 $0x108;
	_ =	swait.ge @!p0 [sflag:s8], $0x0  }
0x24: {  	s3 =	sadd.s32 $0x88, s3;
	s6 =	simm.s32 @!p1 $0x1082;
	[sflag:s4] =	ssyncset.s32 $0xFFFFF086  }
0x25: {  	[simem:s6], [sflag:s4] =	dma.local [hbm:s3], $0xF7A  }
0x26: {  	[smem:$0x3F98] =	sst s1;
	(tag) =	ssettag s2;
	_ =	strace s9  }
0x27: {  	s1 =	sld [smem:$0x3FA8]  }
0x28: {  	s2 =	sld [smem:$0x3FA9]  }
0x29: {  	s4 =	sld [smem:$0x3FAB]  }
0x2a: {  	p0 =	seq.s32 s5, $0x0;
	s5 =	sld [smem:$0x3FAC]  }
0x2b: {  	s6 =	sld [smem:$0x3FAD]  }
0x2c: {  	s7 =	sld [smem:$0x3FAE]  }
0x2d: {  	s3 =	simm.s32 $0x108;
	s8 =	sld [smem:$0x3FAF]  }
0x2e: {  	s3 =	simm.s32 @!p0 $0x1082;
	s9 =	sld [smem:$0x3FB0]  }
0x2f: {  	lr =	sadd.s32 s0, s3;
	s0 =	sld [smem:$0x3FA7]  }
0x30: {  	s3 =	sld [smem:$0x3FAA]  }
0x31: {  	[smem:$0x3FB3] =	sst s10  }
0x32: {  	s10 =	sld [smem:$0x3FB1];
	_ =	sdelay $0x3  }
0x33: {  	p0 =	seq.s32 s10, $0x1;
	s10 =	sld [smem:$0x3FB3];
	_ =	sdelay $0x3  }
0x34: {  	[smem:$0x3FB3] =	sst s10  }
0x35: {  	s10 =	sld [smem:$0x3FB2];
	_ =	sdelay $0x3  }
0x36: {  	p1 =	seq.s32 s10, $0x1;
	s10 =	sld [smem:$0x3FB3];
	_ =	sdelay $0x3  }
0x37: {  	[smem:$0x3FB3] =	sst s10  }
0x38: {  	s10 =	sld [smem:$0x3FB4]  }
0x39: {  	_ = 	snop;
	(pc) =	sbr.ind lr, $3  }
0x3a: {  	_ = 	snop  }
0x3b: {  	_ = 	snop  }
0x3c: {  	p2 =	seq.s32 s10, $0x1;
	s10 =	sld [smem:$0x3FB3]  }
0x3d: {  	_ =	shalt  }
0x3e: {  	_ =	shalt  }
0x3f: {  	_ =	shalt  }
0x40: {  	_ =	shalt  }
0x41: {  	_ =	shalt  }
0x42: {  	_ =	shalt  }
0x43: {  	_ =	shalt  }
0x44: {  	_ =	shalt  }
0x45: {  	_ =	shalt  }
0x46: {  	_ =	shalt  }
0x47: {  	_ =	shalt  }
0x48: {  	_ =	shalt  }
0x49: {  	_ =	shalt  }
0x4a: {  	_ =	shalt  }
0x4b: {  	_ =	shalt  }
0x4c: {  	_ =	shalt  }
0x4d: {  	_ =	shalt  }
0x4e: {  	_ =	shalt  }
0x4f: {  	_ =	shalt  }
0x50: {  	_ =	shalt  }
0x51: {  	_ =	shalt  }
0x52: {  	_ =	shalt  }
0x53: {  	_ =	shalt  }
0x54: {  	_ =	shalt  }
0x55: {  	_ =	shalt  }
0x56: {  	_ =	shalt  }
0x57: {  	_ =	shalt  }
0x58: {  	_ =	shalt  }
0x59: {  	_ =	shalt  }
0x5a: {  	_ =	shalt  }
0x5b: {  	_ =	shalt  }
0x5c: {  	_ =	shalt  }
0x5d: {  	_ =	shalt  }
0x5e: {  	_ =	shalt  }
0x5f: {  	_ =	shalt  }
0x60: {  	_ =	shalt  }
0x61: {  	_ =	shalt  }
0x62: {  	_ =	shalt  }
0x63: {  	_ =	shalt  }
0x64: {  	_ =	shalt  }
0x65: {  	_ =	shalt  }
0x66: {  	_ =	shalt  }
0x67: {  	_ =	shalt  }
0x68: {  	_ =	shalt  }
0x69: {  	_ =	shalt  }
0x6a: {  	_ =	shalt  }
0x6b: {  	_ =	shalt  }
0x6c: {  	_ =	shalt  }
0x6d: {  	_ =	shalt  }
0x6e: {  	_ =	shalt  }
0x6f: {  	_ =	shalt  }
0x70: {  	_ =	shalt  }
0x71: {  	_ =	shalt  }
0x72: {  	_ =	shalt  }
0x73: {  	_ =	shalt  }
0x74: {  	_ =	shalt  }
0x75: {  	_ =	shalt  }
0x76: {  	_ =	shalt  }
0x77: {  	_ =	shalt  }
0x78: {  	_ =	shalt  }
0x79: {  	_ =	shalt  }
0x7a: {  	_ =	shalt  }
0x7b: {  	_ =	shalt  }
0x7c: {  	_ =	shalt  }
0x7d: {  	_ =	shalt  }
0x7e: {  	_ =	shalt  }
0x7f: {  	_ =	shalt  }
0x80: {  	_ =	shalt  }
0x81: {  	_ =	shalt  }
0x82: {  	_ =	shalt  }
0x83: {  	_ =	shalt  }
0x84: {  	_ =	shalt  }
0x85: {  	_ =	shalt  }
0x86: {  	_ =	shalt  }
0x87: {  	_ =	shalt  }
.Lfunc_end0:
.L_simem_size_0:
called_computation_lowered:
.L_overlay_start_0:
0x88: {  	s2 =	sld [smem:$0x3FD9]  }
0x89: {  	s3 =	sld [smem:$0x3FFE];
	_ =	sdelay $0x1  }
0x8a: {  	s1 =	srdreg.scid  }
0x8b: {  	s0 =	sand.u32 $0x1, s1  }
0x8c: {  	s17 =	sshll.u32 s0, $0xA;
	s2 =	sadd.s32 s3, s2  }
0x8d: {  	s2 =	sadd.s32 s2, s17  }
0x8e: {  	[smem:$0x3FBF] =	sst s2  }
0x8f: {  	_ = 	snop  }
0x90: {  	s2 =	sld [smem:$0x3FD0];
	(tm) =	ssettm $0x1  }
0x91: {  	s18 =	sld [smem:$0x3FFB];
	_ =	sdelay $0x3  }
0x92: {  	_ =	strace s18  }
0x93: {  	s3 =	sld [smem:$0x3FFC];
	_ =	sdelay $0x3  }
0x94: {  	_ =	strace s3  }
0x95: {  	s3 =	sld [smem:$0x3FFD];
	_ =	sdelay $0x3  }
0x96: {  	_ =	strace s3  }
0x97: {  	_ =	strace $0x8FFFFFFF  }
0x98: {  	s19 =	sld [smem:$0x3FDB];
	_ =	sdelay $0x1  }
0x99: {  	s4 =	simm.s32 $_scs_section_size  }
0x9a: {  	s5 =	simm.s32 $_size__tile_overlayer_lowered;
	s6 =	simm.s32 $_tile_overlayer_lowered  }
0x9b: {  	s22 =	simm.s32 $0x1BFF;
	s21 =	sshll.u32 s6, $0x1;
	s3 =	sadd.s32 s4, s19  }
0x9c: {  	s7 =	simm.s32 $0x0;
	s20 =	sshll.u32 s5, $0x1;
	s5 =	sadd.s32 s21, s3  }
0x9d: {  	[timem:s7], [sflag:s22] =	dma.local [hbm:s5], s20  }
0x9e: {  	_ =	swait.ge [sflag:s22], s20  }
0x9f: {  	s4 =	ssub.s32 $0x0, s20;
	[sflag:s22] =	ssyncset.done $0x0  }
0xa0: {  	[sflag:s22] =	ssyncadd.s32 s4;
	_ =	sdelay $0x1  }
0xa1: {  	s23 =	simm.s32 $0x1B8B  }
0xa2: {  	_ =	swait.ge [sflag:s23], $0x1  }
0xa3: {  	[sflag:s23] =	ssyncset.done $0x0  }
0xa4: {  	s25 =	simm.s32 $0x1B8E;
	s24 =	sld [smem:$0x3FFE];
	[sflag:s23] =	ssyncadd.s32 $0xFFFFFFFF  }
0xa5: {  	s26 =	simm.s32 $execute0_lowered;
	[smem:$0x3FD2] =	sst s25  }
0xa6: {  	s5 =	sshll.u32 s26, $0x1;
	_ =	strace $0x80000046;
	[dreg:$0x1] =	wrdreg $0xFFFFFFFF  }
0xa7: {  	s28 =	simm.s32 $_size_execute0_lowered;
	s3 =	sadd.s32 s3, s5;
	[dreg:$0x0] =	wrdreg $0x0  }
0xa8: {  	s5 =	sshll.u32 s28, $0x1;
	[dreg:$0x2] =	wrdreg s3  }
0xa9: {  	[dreg:$0x3] =	wrdreg s5  }
0xaa: {  	[dreg:$0x4] =	wrdreg $0xC0  }
0xab: {  	_ =	task [dreg:s7], $0x5FFFF  }
0xac: {  	[dreg:$0x1] =	wrdreg $0xFFFFFFFF  }
0xad: {  	[dreg:$0x0] =	wrdreg $0x60  }
0xae: {  	[dreg:$0x2] =	wrdreg s24  }
0xaf: {  	[dreg:$0x3] =	wrdreg s2  }
0xb0: {  	[dreg:$0x4] =	wrdreg $0x50A00  }
0xb1: {  	[dreg:$0x5] =	wrdreg $0x64A00  }
0xb2: {  	[dreg:$0x6] =	wrdreg $0x9  }
0xb3: {  	_ =	task.clear_ibuf [dreg:s7], $0x7FFFF;
	_ =	strace $0x90000046  }
0xb4: {  	s29 =	simm.s32 $0x9;
	_ =	strace $0x80000048  }
0xb5: {  	_ =	swait.ge [sflag:s29], $0x1  }
0xb6: {  	[sflag:s29] =	ssyncadd.s32 $0xFFFFFFFF  }
0xb7: {  	_ =	strace $0x90000048  }
0xb8: {  	_ =	sfence  }
0xb9: {  	s30 =	sld [smem:$0x0];
	_ =	sdelay $0x2  }
0xba: {  	s31 =	sshll.u32 s1, $0xD;
	s1 =	sshrl.u32 s1, $0x2  }
0xbb: {  	s3 =	sand.u32 $0x4000, s31;
	s1 =	sadd.s32 s1, s30  }
0xbc: {  	s0 =	sor.u32 s3, s0;
	s1 =	sshll.u32 s1, $0x11  }
0xbd: {  	s0 =	sor.u32 s1, s0  }
0xbe: {  	s0 =	sadd.s32 $0x8F2B, s0  }
0xbf: {  	[sflag:s0] =	ssyncadd.remote.s32 $0x1  }
0xc0: {  	_ =	sfence.sel $0xFFFF  }
0xc1: {  	[dreg:$0x0] =	wrdreg $0xFFFFFFFF;
	(pc) =	sbr.abs _section_cstart, $3  }
0xc2: {  	[dreg:$0x1] =	wrdreg $0xFFFFFFFF  }
0xc3: {  	_ =	task.clear_ibuf [dreg:s7], $0x2FFFF;
	_ =	strace $0x9FFFFFFF  }
0xc4: {  	(tm) =	ssettm $0x7FFFFFFF  }
0xc5: {  	_ =	shalt  }
tec
execute0_lowered:
.L_overlay_start_1:
0x0: {  	(tag) =	ssettag $0x1  }
0x1: {  	s6 =	rddreg [dreg:$0x0]  }
0x2: {  	s0 =	rddreg [dreg:$0x1]  }
0x3: {  	s2 =	rddreg [dreg:$0x2];
	s1 =	srdreg.scid  }
0x4: {  	s3 =	rddreg [dreg:$0x3];
	s20 =	stileid.u32  }
0x5: {  	s4 =	simm.s32 $0x0;
	s13 =	simm.s32 $0x1;
	s14 =	simm.s32 $0x4E20  }
0x6: {  	s15 =	simm.s32 $0x2710;
	s16 =	simm.s32 $0x50;
	s21 =	simm.s32 $0x1C01  }
0x7: {  	s5 =	sand.u32 $0x1, s1;
	s1 =	rddreg [dreg:$0x4];
	s10 =	smul.u32 $0x1400, s20  }
0x8: {  	[smem:$0x7FF] =	sst s4;
	p0 =	seq.s32 s20, $0x1;
	s17 =	sshll.u32 s20, $0x6  }
0x9: {  	p1 =	sne.s32 s20, $0x0;
	s7 =	sshll.u32 s5, $0x4;
	s8 =	smul.u32 $0x28000, s5  }
0xa: {  	_ =	strace $0x80000047;
	s9 =	ssub.s32 $0x2, s5;
	s5 =	sadd.s32 $0x14E00, s6  }
0xb: {  	s17 =	sor.u32 $0x1C01, s17;
	s7 =	sor.u32 s20, s7;
	s11 =	sshrl.u32 s9, $0x1  }
0xc: {  	s18 =	sadd.s32 s10, s2;
	s19 =	sadd.s32 s10, s3;
	s20 =	sshrl.u32 s2, $0x3  }
0xd: {  	s7 =	smul.u32 $0x4E2, s7;
	s8 =	sadd.s32 s10, s8;
	s11 =	ssub.s32 s9, s11  }
0xe: {  	s18 =	sshrl.u32 s18, $0x3;
	s19 =	sshrl.u32 s19, $0x3;
	s8 =	sshrl.u32 s8, $0x3  }
0xf: {  	s10 =	smax.u32 s11, $0x1;
	s11 =	sshrl.u32 s3, $0x3;
	s7 =	sadd.s32 s7, s6  }
0x10: {  	s12 =	sadd.s32 s8, s6;
	s6 =	sadd.s32 $0xB000, s7;
	s7 =	sadd.s32 $0x1200, s7  }
0x11: {  	s8 =	sadd.s32 $0x15000, s12;
	s9 =	sadd.s32 $0x17800, s12;
	s12 =	simm.s32 $0x1C41  }
.LBB2_1:
.Ltmp0:
0x12: {  	(pc) =	sbr.rel @p0 .LBB2_4-.Ltmp0, $1  }
0x13: {  	_ =	sdelay $0x3  }
.Ltmp1:
0x14: {  	(pc) =	sbr.rel @p1 .LBB2_6-.Ltmp1, $1  }
0x15: {  	_ =	sdelay $0x3  }
.Ltmp2:
0x16: {  	(pc) =	sbr.rel .LBB2_5-.Ltmp2, $2  }
0x17: {  	_ =	sdelay $0x2  }
0x18: {  	[spmem:s20], [sflag:s21] =	dma.local [hbm:s0], $0x2800  }
.LBB2_4:
0x19: {  	[spmem:s11], [sflag:s12] =	dma.local [hbm:s0], $0x2800  }
.LBB2_5:
0x1a: {  	_ =	swait.ge [sflag:s13], $0x2800  }
0x1b: {  	[sflag:s13] =	ssyncset.done $0x0  }
0x1c: {  	[sflag:s13] =	ssyncadd.s32 $0xFFFFD800  }
.LBB2_6:
0x1d: {  	s22 =	simm.s32 $0x0  }
0x1e: {  	[tilespmem:s14], [sflag:$0x1] =	stream.linear.gather [hbm4b:s5+s22], $0x280, $0x38;
	[tilespmem:$0x78A0] =	vst v63  }
0x1f: {  	_ =	swait.ge [sflag:s13], $0x280  }
0x20: {  	[sflag:s13] =	ssyncset.done $0x0  }
0x21: {  	[sflag:s13] =	ssyncadd.s32 $0xFFFFFD80  }
0x22: {  	[tilespmem:s22], [sflag:$0x1] =	stream.linear.gather [hbm4b:s6+s22], $0x2710, $0x38;
	[tilespmem:$0x78A0] =	vst v63  }
0x23: {  	_ =	swait.ge [sflag:s13], $0x2710  }
0x24: {  	[sflag:s13] =	ssyncset.done $0x0  }
0x25: {  	[sflag:s13] =	ssyncadd.s32 $0xFFFFD8F0  }
0x26: {  	[tilespmem:s15], [sflag:$0x1] =	stream.linear.gather [hbm4b:s7+s22], $0x2710, $0x38;
	[tilespmem:$0x78A0] =	vst v63  }
0x27: {  	_ =	swait.ge [sflag:s13], $0x2710  }
0x28: {  	[sflag:s13] =	ssyncset.done $0x0  }
0x29: {  	[sflag:s13] =	ssyncadd.s32 $0xFFFFD8F0  }
0x2a: {  	s31 =	simm.s32 $0x0;
	[bflag:$0x0] =	sbarrier.arrive $0xFFFF  }
0x2b: {  	[spmem:s2] =	stream.indirect.scatter.add.f32 [tilespmem:s14], [sflag:$0x1], $0x8, s31, s16, $0xb8;
	[tilespmem:$0x78A0] =	vst v63  }
0x2c: {  	_ =	swait.ge [sflag:s13], $0x280  }
0x2d: {  	s22 =	simm.s32 $0x140;
	[sflag:s13] =	ssyncset.done $0x0  }
.LBB2_7:
0x2e: {  	s23 =	sshra.s32 s22, $0x2;
	[sflag:s13] =	ssyncadd.s32 $0xFFFFFD80;
	p2 =	sne.s32 s22, $0x9B00  }
0x2f: {  	[spmem:s2] =	stream.indirect.scatter.add.f32 [tilespmem:s14], [sflag:$0x1], $0x8, s23, s16, $0xb8;
	[tilespmem:$0x78A0] =	vst v63  }
.Ltmp3:
0x30: {  	_ = 	snop;
	(pc) =	sbr.rel @p2 .LBB2_7-.Ltmp3, $4  }
0x31: {  	_ = 	snop  }
0x32: {  	s22 =	sadd.s32 $0x140, s22  }
0x33: {  	_ =	swait.ge [sflag:s13], $0x280  }
0x34: {  	[sflag:s13] =	ssyncset.done $0x0  }
0x35: {  	[sflag:s13] =	ssyncadd.s32 $0xFFFFFD80;
	s22 =	simm.s32 $0x2710  }
0x36: {  	[spmem:s3] =	stream.indirect.scatter.add.f32 [tilespmem:s14], [sflag:$0x1], $0x8, s22, s16, $0xb8;
	[tilespmem:$0x78A0] =	vst v63  }
0x37: {  	s22 =	simm.s32 $0x140;
	_ =	swait.ge [sflag:s13], $0x280  }
.LBB2_9:
0x38: {  	s23 =	sshra.s32 s22, $0x2;
	[sflag:s13] =	ssyncset.done $0x0;
	p2 =	sne.s32 s22, $0x9B00  }
.Ltmp4:
0x39: {  	s23 =	sadd.s32 $0x2710, s23;
	[sflag:s13] =	ssyncadd.s32 $0xFFFFFD80;
	(pc) =	sbr.rel @p2 .LBB2_9-.Ltmp4, $3  }
0x3a: {  	[spmem:s3] =	stream.indirect.scatter.add.f32 [tilespmem:s14], [sflag:$0x1], $0x8, s23, s16, $0xb8;
	[tilespmem:$0x78A0] =	vst v63  }
0x3b: {  	s22 =	sadd.s32 $0x140, s22;
	_ =	sdelay $0x1  }
0x3c: {  	_ =	swait.ge [sflag:s13], $0x280  }
0x3d: {  	[sflag:s13] =	ssyncset.done $0x0  }
0x3e: {  	[sflag:s13] =	ssyncadd.s32 $0xFFFFFD80  }
0x3f: {  	[bflag:$0x0] =	sbarrier.arrive $0xFFFF  }
0x40: {  	[hbm:s8], [sflag:s17] =	dma.local [spmem:s18], $0x280  }
0x41: {  	s4 =	sadd.s32 $0x1, s4;
	_ =	swait.ge [sflag:s13], $0x280  }
0x42: {  	p2 =	sne.s32 s4, s10;
	[sflag:s13] =	ssyncset.done $0x0  }
.Ltmp5:
0x43: {  	[sflag:s13] =	ssyncadd.s32 $0xFFFFFD80;
	(pc) =	sbr.rel @p2 .LBB2_1-.Ltmp5, $4  }
0x44: {  	[hbm:s9], [sflag:s17] =	dma.local [spmem:s19], $0x280  }
0x45: {  	_ =	swait.ge [sflag:s13], $0x280  }
0x46: {  	[sflag:s13] =	ssyncset.done $0x0  }
0x47: {  	[sflag:s13] =	ssyncadd.s32 $0xFFFFFD80  }
0x48: {  	_ =	sfence.sel $0x180000  }
0x49: {  	[bflag:$0x0] =	sbarrier.arrive $0xFFFF  }
0x4a: {  	_ =	strace $0x90000047  }
0x4b: {  	s0 =	sadd.s32 @!p1 $0x100000, s1;
	[bflag:$0x2] =	sbarrier.arrive $0xFFFF  }
0x4c: {  	[sflag:s0] =	ssyncadd.tile.s32 @!p1 $0x1;
	_ =	shalt  }
.Lfunc_end2:
_tile_overlayer_lowered:
.L_overlay_start_2:
0x4d: {  	(tag) =	ssettag $0x2  }
0x4e: {  	s0 =	rddreg [dreg:$0x0];
	s2 =	stileid.u32  }
0x4f: {  	s1 =	rddreg [dreg:$0x1];
	p0 =	sne.s32 s2, $0x0  }
0x50: {  	s3 =	rddreg [dreg:$0x2];
	[bflag:$0x3] =	sbarrier.arrive $0xFFFF;
	s2 =	simm.s32 @!p0 $0x1C01  }
0x51: {  	[timem:s3], [sflag:s2] =	dma.local @!p0 [hbm:s0], s1  }
0x52: {  	s0 =	simm.s32 @!p0 $0x1  }
0x53: {  	_ =	swait.ge @!p0 [sflag:s0], s1  }
0x54: {  	s1 =	ssub.s32 @!p0 $0x0, s1;
	[sflag:s0] =	ssyncset.done @!p0 $0x0  }
0x55: {  	[sflag:s0] =	ssyncadd.s32 @!p0 s1  }
0x56: {  	[bflag:$0x3] =	sbarrier.arrive $0xFFFF  }
0x57: {  	_ =	shalt  }

// kernel: kernel.13.cloned.1.call-start
scs
__scs_entry_jumppad:
0x0: {  	(pc) =	sbr.rel $0x88, $3  }
0x1: {  	(tag) =	ssettag $0x0;
	lr =	simm.s32 $0x1  }
0x2: {  	[smem:$0x3F98] =	sst lr;
	_ =	strace $0xD0000000  }
0x3: {  	_ = 	snop  }
0x4: {  	_ = 	snop  }
0x5: {  	_ = 	snop  }
0x6: {  	_ = 	snop  }
0x7: {  	_ = 	snop  }
__scs_overlays_trampoline_lowered:
0x8: {  	[smem:$0x3FA7] =	sst s0  }
0x9: {  	[smem:$0x3FA8] =	sst s1  }
0xa: {  	[smem:$0x3FA9] =	sst s2  }
0xb: {  	[smem:$0x3FAA] =	sst s3  }
0xc: {  	[smem:$0x3FAB] =	sst s4  }
0xd: {  	[smem:$0x3FAC] =	sst s5  }
0xe: {  	[smem:$0x3FAD] =	sst s6  }
0xf: {  	[smem:$0x3FAE] =	sst s7  }
0x10: {  	[smem:$0x3FAF] =	sst s8  }
0x11: {  	[smem:$0x3FB0] =	sst s9;
	s0 =	simm.s32 @!p0 $0x0  }
0x12: {  	s1 =	sld [smem:$0x3F96];
	s0 =	simm.s32 @p0 $0x1  }
0x13: {  	[smem:$0x3FB1] =	sst s0;
	s0 =	simm.s32 @!p1 $0x0  }
0x14: {  	s2 =	sld [smem:$0x3F95];
	s0 =	simm.s32 @p1 $0x1  }
0x15: {  	[smem:$0x3FB2] =	sst s0;
	s0 =	simm.s32 @!p2 $0x0  }
0x16: {  	s3 =	sld [smem:$0x3FDB];
	s0 =	simm.s32 @p2 $0x1  }
0x17: {  	s4 =	simm.s32 $0x1BF5;
	[smem:$0x3FB4] =	sst s0  }
0x18: {  	s0 =	sld [smem:$0x3F97];
	_ =	swait.ge [sflag:s4], $0x0  }
0x19: {  	s7 =	sld [smem:$0x3F98]  }
0x1a: {  	s8 =	sadd.s32 $0xFFFFE003, lr  }
0x1b: {  	s9 =	sadd.s32 $0xFFFFFEF7, lr;
	s5 =	simm.s32 $0xFFFFFFFF;
	p2 =	slt.u32 s8, $0xFFFFF086  }
0x1c: {  	p1 =	slt.u32 s9, $0xF7A;
	s5 =	simm.s32 @!p2 $0x0  }
0x1d: {  	s5 =	simm.s32 @p1 $0x1;
	p0 =	seq.s32 s7, s2  }
0x1e: {  	s7 =	smul.u32 @!p0 $0xF7A, s2;
	p2 =	seq.s32 @!p0 s5, $0x0  }
0x1f: {  	s9 =	smul.u32 $0xF7A, s1;
	s8 =	simm.s32 @!p0 $0x1BF5;
	p2 =	por !p2, p0  }
0x20: {  	[sflag:s8] =	ssyncset.s32 @!p0 $0xFFFFF086;
	s6 =	sadd.s32 @!p0 s3, s7;
	s7 =	simm.s32 @!p0 $0x108  }
0x21: {  	s3 =	sadd.s32 s3, s9;
	s6 =	sadd.s32 @!p0 $0x88, s6;
	s7 =	simm.s32 @p2 $0x1082  }
0x22: {  	[simem:s7], [sflag:s8] =	dma.local @!p0 [hbm:s6], $0xF7A  }
0x23: {  	s9 =	sor.u32 $0xD0000000, s2;
	s6 =	simm.s32 $0x108;
	_ =	swait.ge @!p0 [sflag:s8], $0x0  }
0x24: {  	s3 =	sadd.s32 $0x88, s3;
	s6 =	simm.s32 @!p1 $0x1082;
	[sflag:s4] =	ssyncset.s32 $0xFFFFF086  }
0x25: {  	[simem:s6], [sflag:s4] =	dma.local [hbm:s3], $0xF7A  }
0x26: {  	[smem:$0x3F98] =	sst s1;
	(tag) =	ssettag s2;
	_ =	strace s9  }
0x27: {  	s1 =	sld [smem:$0x3FA8]  }
0x28: {  	s2 =	sld [smem:$0x3FA9]  }
0x29: {  	s4 =	sld [smem:$0x3FAB]  }
0x2a: {  	p0 =	seq.s32 s5, $0x0;
	s5 =	sld [smem:$0x3FAC]  }
0x2b: {  	s6 =	sld [smem:$0x3FAD]  }
0x2c: {  	s7 =	sld [smem:$0x3FAE]  }
0x2d: {  	s3 =	simm.s32 $0x108;
	s8 =	sld [smem:$0x3FAF]  }
0x2e: {  	s3 =	simm.s32 @!p0 $0x1082;
	s9 =	sld [smem:$0x3FB0]  }
0x2f: {  	lr =	sadd.s32 s0, s3;
	s0 =	sld [smem:$0x3FA7]  }
0x30: {  	s3 =	sld [smem:$0x3FAA]  }
0x31: {  	[smem:$0x3FB3] =	sst s10  }
0x32: {  	s10 =	sld [smem:$0x3FB1];
	_ =	sdelay $0x3  }
0x33: {  	p0 =	seq.s32 s10, $0x1;
	s10 =	sld [smem:$0x3FB3];
	_ =	sdelay $0x3  }
0x34: {  	[smem:$0x3FB3] =	sst s10  }
0x35: {  	s10 =	sld [smem:$0x3FB2];
	_ =	sdelay $0x3  }
0x36: {  	p1 =	seq.s32 s10, $0x1;
	s10 =	sld [smem:$0x3FB3];
	_ =	sdelay $0x3  }
0x37: {  	[smem:$0x3FB3] =	sst s10  }
0x38: {  	s10 =	sld [smem:$0x3FB4]  }
0x39: {  	_ = 	snop;
	(pc) =	sbr.ind lr, $3  }
0x3a: {  	_ = 	snop  }
0x3b: {  	_ = 	snop  }
0x3c: {  	p2 =	seq.s32 s10, $0x1;
	s10 =	sld [smem:$0x3FB3]  }
0x3d: {  	_ =	shalt  }
0x3e: {  	_ =	shalt  }
0x3f: {  	_ =	shalt  }
0x40: {  	_ =	shalt  }
0x41: {  	_ =	shalt  }
0x42: {  	_ =	shalt  }
0x43: {  	_ =	shalt  }
0x44: {  	_ =	shalt  }
0x45: {  	_ =	shalt  }
0x46: {  	_ =	shalt  }
0x47: {  	_ =	shalt  }
0x48: {  	_ =	shalt  }
0x49: {  	_ =	shalt  }
0x4a: {  	_ =	shalt  }
0x4b: {  	_ =	shalt  }
0x4c: {  	_ =	shalt  }
0x4d: {  	_ =	shalt  }
0x4e: {  	_ =	shalt  }
0x4f: {  	_ =	shalt  }
0x50: {  	_ =	shalt  }
0x51: {  	_ =	shalt  }
0x52: {  	_ =	shalt  }
0x53: {  	_ =	shalt  }
0x54: {  	_ =	shalt  }
0x55: {  	_ =	shalt  }
0x56: {  	_ =	shalt  }
0x57: {  	_ =	shalt  }
0x58: {  	_ =	shalt  }
0x59: {  	_ =	shalt  }
0x5a: {  	_ =	shalt  }
0x5b: {  	_ =	shalt  }
0x5c: {  	_ =	shalt  }
0x5d: {  	_ =	shalt  }
0x5e: {  	_ =	shalt  }
0x5f: {  	_ =	shalt  }
0x60: {  	_ =	shalt  }
0x61: {  	_ =	shalt  }
0x62: {  	_ =	shalt  }
0x63: {  	_ =	shalt  }
0x64: {  	_ =	shalt  }
0x65: {  	_ =	shalt  }
0x66: {  	_ =	shalt  }
0x67: {  	_ =	shalt  }
0x68: {  	_ =	shalt  }
0x69: {  	_ =	shalt  }
0x6a: {  	_ =	shalt  }
0x6b: {  	_ =	shalt  }
0x6c: {  	_ =	shalt  }
0x6d: {  	_ =	shalt  }
0x6e: {  	_ =	shalt  }
0x6f: {  	_ =	shalt  }
0x70: {  	_ =	shalt  }
0x71: {  	_ =	shalt  }
0x72: {  	_ =	shalt  }
0x73: {  	_ =	shalt  }
0x74: {  	_ =	shalt  }
0x75: {  	_ =	shalt  }
0x76: {  	_ =	shalt  }
0x77: {  	_ =	shalt  }
0x78: {  	_ =	shalt  }
0x79: {  	_ =	shalt  }
0x7a: {  	_ =	shalt  }
0x7b: {  	_ =	shalt  }
0x7c: {  	_ =	shalt  }
0x7d: {  	_ =	shalt  }
0x7e: {  	_ =	shalt  }
0x7f: {  	_ =	shalt  }
0x80: {  	_ =	shalt  }
0x81: {  	_ =	shalt  }
0x82: {  	_ =	shalt  }
0x83: {  	_ =	shalt  }
0x84: {  	_ =	shalt  }
0x85: {  	_ =	shalt  }
0x86: {  	_ =	shalt  }
0x87: {  	_ =	shalt  }
.Lfunc_end0:
.L_simem_size_0:
called_computation.1_lowered:
.L_overlay_start_0:
0x88: {  	s2 =	sld [smem:$0x3FD9]  }
0x89: {  	s3 =	sld [smem:$0x3FFE];
	_ =	sdelay $0x1  }
0x8a: {  	s1 =	srdreg.scid  }
0x8b: {  	s0 =	sand.u32 $0x1, s1  }
0x8c: {  	s17 =	sshll.u32 s0, $0xA;
	s2 =	sadd.s32 s3, s2  }
0x8d: {  	s2 =	sadd.s32 s2, s17  }
0x8e: {  	[smem:$0x3FBF] =	sst s2  }
0x8f: {  	_ = 	snop  }
0x90: {  	s2 =	sld [smem:$0x3FD0];
	(tm) =	ssettm $0x1  }
0x91: {  	s18 =	sld [smem:$0x3FFB];
	_ =	sdelay $0x3  }
0x92: {  	_ =	strace s18  }
0x93: {  	s3 =	sld [smem:$0x3FFC];
	_ =	sdelay $0x3  }
0x94: {  	_ =	strace s3  }
0x95: {  	s3 =	sld [smem:$0x3FFD];
	_ =	sdelay $0x3  }
0x96: {  	_ =	strace s3  }
0x97: {  	_ =	strace $0x8FFFFFFF  }
0x98: {  	s19 =	sld [smem:$0x3FDB];
	_ =	sdelay $0x1  }
0x99: {  	s4 =	simm.s32 $_scs_section_size  }
0x9a: {  	s5 =	simm.s32 $_size__tile_overlayer_lowered;
	s6 =	simm.s32 $_tile_overlayer_lowered  }
0x9b: {  	s22 =	simm.s32 $0x1BFF;
	s21 =	sshll.u32 s6, $0x1;
	s3 =	sadd.s32 s4, s19  }
0x9c: {  	s7 =	simm.s32 $0x0;
	s20 =	sshll.u32 s5, $0x1;
	s5 =	sadd.s32 s21, s3  }
0x9d: {  	[timem:s7], [sflag:s22] =	dma.local [hbm:s5], s20  }
0x9e: {  	_ =	swait.ge [sflag:s22], s20  }
0x9f: {  	s4 =	ssub.s32 $0x0, s20;
	[sflag:s22] =	ssyncset.done $0x0  }
0xa0: {  	[sflag:s22] =	ssyncadd.s32 s4;
	_ =	sdelay $0x1  }
0xa1: {  	s23 =	simm.s32 $0x1B8B  }
0xa2: {  	_ =	swait.ge [sflag:s23], $0x1  }
0xa3: {  	[sflag:s23] =	ssyncset.done $0x0  }
0xa4: {  	s25 =	simm.s32 $0x1B8E;
	s24 =	sld [smem:$0x3FFE];
	[sflag:s23] =	ssyncadd.s32 $0xFFFFFFFF  }
0xa5: {  	s26 =	simm.s32 $execute0_lowered;
	[smem:$0x3FD2] =	sst s25  }
0xa6: {  	s5 =	sshll.u32 s26, $0x1;
	_ =	strace $0x80000049;
	[dreg:$0x1] =	wrdreg $0xFFFFFFFF  }
0xa7: {  	s28 =	simm.s32 $_size_execute0_lowered;
	s3 =	sadd.s32 s3, s5;
	[dreg:$0x0] =	wrdreg $0x0  }
0xa8: {  	s5 =	sshll.u32 s28, $0x1;
	[dreg:$0x2] =	wrdreg s3  }
0xa9: {  	[dreg:$0x3] =	wrdreg s5  }
0xaa: {  	[dreg:$0x4] =	wrdreg $0xC0  }
0xab: {  	_ =	task [dreg:s7], $0x5FFFF  }
0xac: {  	[dreg:$0x1] =	wrdreg $0xFFFFFFFF  }
0xad: {  	[dreg:$0x0] =	wrdreg $0x60  }
0xae: {  	[dreg:$0x2] =	wrdreg s2  }
0xaf: {  	[dreg:$0x3] =	wrdreg s24  }
0xb0: {  	[dreg:$0x4] =	wrdreg $0xCE400  }
0xb1: {  	[dreg:$0x5] =	wrdreg $0x80200  }
0xb2: {  	[dreg:$0x6] =	wrdreg $0x9  }
0xb3: {  	_ =	task.clear_ibuf [dreg:s7], $0x7FFFF;
	_ =	strace $0x90000049  }
0xb4: {  	s29 =	simm.s32 $0x9;
	_ =	strace $0x8000004B  }
0xb5: {  	_ =	swait.ge [sflag:s29], $0x1  }
0xb6: {  	[sflag:s29] =	ssyncadd.s32 $0xFFFFFFFF  }
0xb7: {  	_ =	strace $0x9000004B  }
0xb8: {  	_ =	sfence  }
0xb9: {  	s30 =	sld [smem:$0x0];
	_ =	sdelay $0x2  }
0xba: {  	s31 =	sshll.u32 s1, $0xD;
	s1 =	sshrl.u32 s1, $0x2  }
0xbb: {  	s3 =	sand.u32 $0x4000, s31;
	s1 =	sadd.s32 s1, s30  }
0xbc: {  	s0 =	sor.u32 s3, s0;
	s1 =	sshll.u32 s1, $0x11  }
0xbd: {  	s0 =	sor.u32 s1, s0  }
0xbe: {  	s0 =	sadd.s32 $0x8F2B, s0  }
0xbf: {  	[sflag:s0] =	ssyncadd.remote.s32 $0x1  }
0xc0: {  	_ =	sfence.sel $0xFFFF  }
0xc1: {  	[dreg:$0x0] =	wrdreg $0xFFFFFFFF;
	(pc) =	sbr.abs _section_cstart, $3  }
0xc2: {  	[dreg:$0x1] =	wrdreg $0xFFFFFFFF  }
0xc3: {  	_ =	task.clear_ibuf [dreg:s7], $0x2FFFF;
	_ =	strace $0x9FFFFFFF  }
0xc4: {  	(tm) =	ssettm $0x7FFFFFFF  }
0xc5: {  	_ =	shalt  }
tec
execute0_lowered:
.L_overlay_start_1:
0x0: {  	(tag) =	ssettag $0x1  }
0x1: {  	s0 =	rddreg [dreg:$0x0]  }
0x2: {  	s4 =	rddreg [dreg:$0x1];
	s2 =	srdreg.scid  }
0x3: {  	s1 =	rddreg [dreg:$0x2];
	s6 =	stileid.u32;
	s3 =	simm.s32 $0x0  }
0x4: {  	s14 =	simm.s32 $0xB;
	s15 =	simm.s32 $0x2710;
	s16 =	simm.s32 $0x50  }
0x5: {  	s17 =	simm.s32 $0x4E20;
	s18 =	simm.s32 $0x5820;
	s20 =	simm.s32 $0x6220  }
0x6: {  	s28 =	simm.s32 $0x1;
	s29 =	simm.s32 $0x6;
	s31 =	simm.s32 $0x2  }
0x7: {  	s19 =	simm.s32 $0x7;
	s5 =	sand.u32 $0x1, s2;
	s2 =	rddreg [dreg:$0x3]  }
0x8: {  	s30 =	simm.s32 $0x4;
	[smem:$0x7FF] =	sst s3;
	s8 =	smul.u32 $0x4E20, s6  }
0x9: {  	s10 =	sadd.s32 $0x14E00, s4;
	s11 =	smul.u32 $0x4E00, s6;
	p0 =	sne.s32 s6, $0x0  }
0xa: {  	s26 =	sshll.u32 s6, $0x6;
	p1 =	seq.s32 s6, $0xF;
	s7 =	sshll.u32 s5, $0x4  }
0xb: {  	_ =	strace $0x8000004A;
	s9 =	ssub.s32 $0x2, s5;
	s5 =	smul.u32 $0x4E200, s5  }
0xc: {  	[dreg:$0x5] =	wrdreg s10;
	s12 =	sor.u32 $0x1C0B, s26;
	s26 =	simm.s32 $0x7620  }
0xd: {  	s7 =	sor.u32 s6, s7;
	s21 =	sshrl.u32 s9, $0x1;
	s22 =	sshrl.u32 s8, $0x3  }
0xe: {  	s8 =	sadd.s32 s8, s2;
	s6 =	simm.s32 $0x0;
	s7 =	smul.u32 $0x4E2, s7  }
0xf: {  	s10 =	ssub.s32 s9, s21;
	s0 =	sadd.s32 s0, s22;
	s23 =	sadd.s32 s11, s5  }
0x10: {  	s5 =	sshrl.u32 s5, $0x3;
	s13 =	sshrl.u32 s8, $0x3;
	s22 =	simm.s32 $0x6C20  }
0x11: {  	s21 =	simm.s32 $0x9;
	[dreg:$0x6] =	wrdreg s0;
	s0 =	sshrl.u32 s23, $0x3  }
0x12: {  	s10 =	smax.u32 s10, $0x1;
	s23 =	simm.s32 $0x3;
	s7 =	sadd.s32 s7, s4  }
0x13: {  	s4 =	sadd.s32 $0x1EC00, s4;
	s24 =	sadd.s32 $0xB000, s7;
	s7 =	sadd.s32 $0x1200, s7  }
0x14: {  	s0 =	sadd.s32 s4, s0;
	s25 =	sadd.s32 s4, s5;
	[dreg:$0x7] =	wrdreg s24  }
0x15: {  	s4 =	sadd.s32 s11, s1;
	s11 =	sshrl.u32 @!p0 s1, $0x3;
	[dreg:$0x8] =	wrdreg s7  }
0x16: {  	s5 =	simm.s32 $0xA;
	[dreg:$0x9] =	wrdreg s0;
	s0 =	sadd.s32 $0x9240, s25  }
0x17: {  	s25 =	sshrl.u32 @!p1 s4, $0x3;
	[dreg:$0xa] =	wrdreg s0;
	s0 =	sadd.s32 $0x49200, s1  }
0x18: {  	s4 =	simm.s32 $0x5;
	s24 =	sshrl.u32 @p1 s0, $0x3;
	s0 =	simm.s32 $0x8  }
.LBB2_1:
0x19: {  	s7 =	simm.s32 @!p0 $0x1C0B;
	s8 =	rddreg [dreg:$0x5]  }
0x1a: {  	[spmem:s11], [sflag:s7] =	dma.local @!p0 [hbm:s8], $0x9C40  }
0x1b: {  	s7 =	simm.s32 @!p0 $0xB  }
0x1c: {  	_ =	swait.ge @!p0 [sflag:s7], $0x9C40  }
0x1d: {  	[sflag:s7] =	ssyncset.done @!p0 $0x0  }
0x1e: {  	s9 =	rddreg [dreg:$0x6];
	[sflag:s7] =	ssyncadd.s32 @!p0 $0xFFFF63C0  }
0x1f: {  	[spmem:s13], [sflag:s12] =	dma.local [hbm:s9], $0x9C4  }
0x20: {  	_ =	swait.ge [sflag:s14], $0x9C4  }
0x21: {  	[sflag:s14] =	ssyncset.done $0x0  }
0x22: {  	s8 =	rddreg [dreg:$0x7];
	[sflag:s14] =	ssyncadd.s32 $0xFFFFF63C  }
0x23: {  	[tilespmem:s3], [sflag:$0xB] =	stream.linear.gather [hbm4b:s8+s3], $0x2710, $0x38;
	[tilespmem:$0x11C60] =	vst v63  }
0x24: {  	_ =	swait.ge [sflag:s14], $0x2710  }
0x25: {  	[sflag:s14] =	ssyncset.done $0x0  }
0x26: {  	s9 =	rddreg [dreg:$0x8];
	[sflag:s14] =	ssyncadd.s32 $0xFFFFD8F0  }
0x27: {  	[tilespmem:s15], [sflag:$0xB] =	stream.linear.gather [hbm4b:s9+s3], $0x2710, $0x38;
	[tilespmem:$0x11C60] =	vst v63  }
0x28: {  	_ =	swait.ge [sflag:s14], $0x2710  }
0x29: {  	[sflag:s14] =	ssyncset.done $0x0  }
0x2a: {  	[sflag:s14] =	ssyncadd.s32 $0xFFFFD8F0  }
0x2b: {  	[bflag:$0x0] =	sbarrier.arrive $0xFFFF  }
0x2c: {  	[tilespmem:s17], [sflag:$0x1] =	stream.indirect.gather [spmem:s2], $0x20, s3, s16, $0xb8;
	[tilespmem:$0x11C60] =	vst v63  }
0x2d: {  	_ = 	snop  }
0x2e: {  	[tilespmem:s18], [sflag:$0x2] =	stream.indirect.gather [spmem:s2], $0x20, s16, s16, $0xb8;
	[tilespmem:$0x11C60] =	vst v63  }
0x2f: {  	s8 =	simm.s32 $0xA0  }
0x30: {  	[tilespmem:s20], [sflag:$0x3] =	stream.indirect.gather [spmem:s2], $0x20, s8, s16, $0xb8;
	[tilespmem:$0x11C60] =	vst v63  }
0x31: {  	s9 =	simm.s32 $0xF0  }
0x32: {  	[tilespmem:s22], [sflag:$0x4] =	stream.indirect.gather [spmem:s2], $0x20, s9, s16, $0xb8;
	[tilespmem:$0x11C60] =	vst v63  }
0x33: {  	s8 =	simm.s32 $0x140  }
0x34: {  	[tilespmem:s26], [sflag:$0x5] =	stream.indirect.gather [spmem:s2], $0x20, s8, s16, $0xb8;
	[tilespmem:$0x11C60] =	vst v63  }
0x35: {  	_ =	swait.ge [sflag:s28], $0xA00  }
0x36: {  	[sflag:s28] =	ssyncset.done $0x0  }
0x37: {  	[sflag:s28] =	ssyncadd.s32 $0xFFFFF600  }
0x38: {  	[spmem:s1] =	stream.indirect.scatter.add.f32 [tilespmem:s17], [sflag:$0x6], $0x20, s15, s16, $0xb8;
	[tilespmem:$0x11C60] =	vst v63  }
0x39: {  	_ =	swait.ge [sflag:s29], $0xA00  }
0x3a: {  	[sflag:s29] =	ssyncset.done $0x0  }
0x3b: {  	s9 =	simm.s32 $0x190;
	[sflag:s29] =	ssyncadd.s32 $0xFFFFF600  }
0x3c: {  	[tilespmem:s17], [sflag:$0x1] =	stream.indirect.gather [spmem:s2], $0x20, s9, s16, $0xb8;
	[tilespmem:$0x11C60] =	vst v63  }
0x3d: {  	_ =	swait.ge [sflag:s31], $0xA00  }
0x3e: {  	[sflag:s31] =	ssyncset.done $0x0  }
0x3f: {  	s8 =	simm.s32 $0x2760;
	[sflag:s31] =	ssyncadd.s32 $0xFFFFF600  }
0x40: {  	[spmem:s1] =	stream.indirect.scatter.add.f32 [tilespmem:s18], [sflag:$0x7], $0x20, s8, s16, $0xb8;
	[tilespmem:$0x11C60] =	vst v63  }
0x41: {  	_ =	swait.ge [sflag:s19], $0xA00  }
0x42: {  	[sflag:s19] =	ssyncset.done $0x0  }
0x43: {  	s9 =	simm.s32 $0x1E0;
	[sflag:s19] =	ssyncadd.s32 $0xFFFFF600  }
0x44: {  	[tilespmem:s18], [sflag:$0x2] =	stream.indirect.gather [spmem:s2], $0x20, s9, s16, $0xb8;
	[tilespmem:$0x11C60] =	vst v63  }
0x45: {  	_ =	swait.ge [sflag:s23], $0xA00  }
0x46: {  	[sflag:s23] =	ssyncset.done $0x0  }
0x47: {  	s8 =	simm.s32 $0x27B0;
	[sflag:s23] =	ssyncadd.s32 $0xFFFFF600  }
0x48: {  	[spmem:s1] =	stream.indirect.scatter.add.f32 [tilespmem:s20], [sflag:$0x8], $0x20, s8, s16, $0xb8;
	[tilespmem:$0x11C60] =	vst v63  }
0x49: {  	_ =	swait.ge [sflag:s0], $0xA00  }
0x4a: {  	[sflag:s0] =	ssyncset.done $0x0  }
0x4b: {  	s9 =	simm.s32 $0x230;
	[sflag:s0] =	ssyncadd.s32 $0xFFFFF600  }
0x4c: {  	[tilespmem:s20], [sflag:$0x3] =	stream.indirect.gather [spmem:s2], $0x20, s9, s16, $0xb8;
	[tilespmem:$0x11C60] =	vst v63  }
0x4d: {  	_ =	swait.ge [sflag:s30], $0xA00  }
0x4e: {  	[sflag:s30] =	ssyncset.done $0x0  }
0x4f: {  	s8 =	simm.s32 $0x2800;
	[sflag:s30] =	ssyncadd.s32 $0xFFFFF600  }
0x50: {  	[spmem:s1] =	stream.indirect.scatter.add.f32 [tilespmem:s22], [sflag:$0x9], $0x20, s8, s16, $0xb8;
	[tilespmem:$0x11C60] =	vst v63  }
0x51: {  	_ =	swait.ge [sflag:s21], $0xA00  }
0x52: {  	[sflag:s21] =	ssyncset.done $0x0  }
0x53: {  	s9 =	simm.s32 $0x280;
	[sflag:s21] =	ssyncadd.s32 $0xFFFFF600  }
0x54: {  	[tilespmem:s22], [sflag:$0x4] =	stream.indirect.gather [spmem:s2], $0x20, s9, s16, $0xb8;
	[tilespmem:$0x11C60] =	vst v63  }
0x55: {  	_ =	swait.ge [sflag:s4], $0xA00  }
0x56: {  	[sflag:s4] =	ssyncset.done $0x0  }
0x57: {  	s8 =	simm.s32 $0x2850;
	[sflag:s4] =	ssyncadd.s32 $0xFFFFF600  }
0x58: {  	[spmem:s1] =	stream.indirect.scatter.add.f32 [tilespmem:s26], [sflag:$0xA], $0x20, s8, s16, $0xb8;
	[tilespmem:$0x11C60] =	vst v63  }
0x59: {  	_ =	swait.ge [sflag:s5], $0xA00  }
0x5a: {  	[sflag:s5] =	ssyncset.done $0x0  }
0x5b: {  	s9 =	simm.s32 $0x2D0;
	[sflag:s5] =	ssyncadd.s32 $0xFFFFF600  }
0x5c: {  	[tilespmem:s26], [sflag:$0x5] =	stream.indirect.gather [spmem:s2], $0x20, s9, s16, $0xb8;
	[tilespmem:$0x11C60] =	vst v63  }
0x5d: {  	_ =	swait.ge [sflag:s28], $0xA00  }
0x5e: {  	[sflag:s28] =	ssyncset.done $0x0  }
0x5f: {  	s8 =	simm.s32 $0x28A0;
	[sflag:s28] =	ssyncadd.s32 $0xFFFFF600  }
0x60: {  	[spmem:s1] =	stream.indirect.scatter.add.f32 [tilespmem:s17], [sflag:$0x6], $0x20, s8, s16, $0xb8;
	[tilespmem:$0x11C60] =	vst v63  }
0x61: {  	_ =	swait.ge [sflag:s29], $0xA00  }
0x62: {  	[sflag:s29] =	ssyncset.done $0x0  }
0x63: {  	s9 =	simm.s32 $0x320;
	[sflag:s29] =	ssyncadd.s32 $0xFFFFF600  }
0x64: {  	[tilespmem:s17], [sflag:$0x1] =	stream.indirect.gather [spmem:s2], $0x20, s9, s16, $0xb8;
	[tilespmem:$0x11C60] =	vst v63  }
0x65: {  	_ =	swait.ge [sflag:s31], $0xA00  }
0x66: {  	[sflag:s31] =	ssyncset.done $0x0  }
0x67: {  	s8 =	simm.s32 $0x28F0;
	[sflag:s31] =	ssyncadd.s32 $0xFFFFF600  }
0x68: {  	[spmem:s1] =	stream.indirect.scatter.add.f32 [tilespmem:s18], [sflag:$0x7], $0x20, s8, s16, $0xb8;
	[tilespmem:$0x11C60] =	vst v63  }
0x69: {  	_ =	swait.ge [sflag:s19], $0xA00  }
0x6a: {  	[sflag:s19] =	ssyncset.done $0x0  }
0x6b: {  	s9 =	simm.s32 $0x370;
	[sflag:s19] =	ssyncadd.s32 $0xFFFFF600  }
0x6c: {  	[tilespmem:s18], [sflag:$0x2] =	stream.indirect.gather [spmem:s2], $0x20, s9, s16, $0xb8;
	[tilespmem:$0x11C60] =	vst v63  }
0x6d: {  	_ =	swait.ge [sflag:s23], $0xA00  }
0x6e: {  	[sflag:s23] =	ssyncset.done $0x0  }
0x6f: {  	s8 =	simm.s32 $0x2940;
	[sflag:s23] =	ssyncadd.s32 $0xFFFFF600  }
0x70: {  	[spmem:s1] =	stream.indirect.scatter.add.f32 [tilespmem:s20], [sflag:$0x8], $0x20, s8, s16, $0xb8;
	[tilespmem:$0x11C60] =	vst v63  }
0x71: {  	_ =	swait.ge [sflag:s0], $0xA00  }
0x72: {  	[sflag:s0] =	ssyncset.done $0x0  }
0x73: {  	s9 =	simm.s32 $0x3C0;
	[sflag:s0] =	ssyncadd.s32 $0xFFFFF600  }
0x74: {  	[tilespmem:s20], [sflag:$0x3] =	stream.indirect.gather [spmem:s2], $0x20, s9, s16, $0xb8;
	[tilespmem:$0x11C60] =	vst v63  }
0x75: {  	_ =	swait.ge [sflag:s30], $0xA00  }
0x76: {  	[sflag:s30] =	ssyncset.done $0x0  }
0x77: {  	s8 =	simm.s32 $0x2990;
	[sflag:s30] =	ssyncadd.s32 $0xFFFFF600  }
0x78: {  	[spmem:s1] =	stream.indirect.scatter.add.f32 [tilespmem:s22], [sflag:$0x9], $0x20, s8, s16, $0xb8;
	[tilespmem:$0x11C60] =	vst v63  }
0x79: {  	_ =	swait.ge [sflag:s21], $0xA00  }
0x7a: {  	[sflag:s21] =	ssyncset.done $0x0  }
0x7b: {  	s9 =	simm.s32 $0x410;
	[sflag:s21] =	ssyncadd.s32 $0xFFFFF600  }
0x7c: {  	[tilespmem:s22], [sflag:$0x4] =	stream.indirect.gather [spmem:s2], $0x20, s9, s16, $0xb8;
	[tilespmem:$0x11C60] =	vst v63  }
0x7d: {  	_ =	swait.ge [sflag:s4], $0xA00  }
0x7e: {  	[sflag:s4] =	ssyncset.done $0x0  }
0x7f: {  	s7 =	simm.s32 $0x640;
	s8 =	simm.s32 $0x29E0;
	[sflag:s4] =	ssyncadd.s32 $0xFFFFF600  }
.LBB2_2:
0x80: {  	[spmem:s1] =	stream.indirect.scatter.add.f32 [tilespmem:s26], [sflag:$0xA], $0x20, s8, s16, $0xb8;
	[tilespmem:$0x11C60] =	vst v63  }
0x81: {  	s8 =	smov.u32 s7;
	s7 =	sadd.s32 $0x640, s7;
	_ =	swait.ge [sflag:s5], $0xA00  }
0x82: {  	s8 =	sshra.s32 s8, $0x2;
	p2 =	sne.s32 s7, $0x8FC0;
	[sflag:s5] =	ssyncset.done $0x0  }
0x83: {  	s9 =	sadd.s32 $0x2D0, s8;
	[sflag:s5] =	ssyncadd.s32 $0xFFFFF600  }
0x84: {  	[tilespmem:s26], [sflag:$0x5] =	stream.indirect.gather [spmem:s2], $0x20, s9, s16, $0xb8;
	[tilespmem:$0x11C60] =	vst v63  }
0x85: {  	_ =	swait.ge [sflag:s28], $0xA00  }
0x86: {  	[sflag:s28] =	ssyncset.done $0x0  }
0x87: {  	s9 =	sadd.s32 $0x28A0, s8;
	[sflag:s28] =	ssyncadd.s32 $0xFFFFF600  }
0x88: {  	[spmem:s1] =	stream.indirect.scatter.add.f32 [tilespmem:s17], [sflag:$0x6], $0x20, s9, s16, $0xb8;
	[tilespmem:$0x11C60] =	vst v63  }
0x89: {  	_ =	swait.ge [sflag:s29], $0xA00  }
0x8a: {  	[sflag:s29] =	ssyncset.done $0x0  }
0x8b: {  	s9 =	sadd.s32 $0x320, s8;
	[sflag:s29] =	ssyncadd.s32 $0xFFFFF600  }
0x8c: {  	[tilespmem:s17], [sflag:$0x1] =	stream.indirect.gather [spmem:s2], $0x20, s9, s16, $0xb8;
	[tilespmem:$0x11C60] =	vst v63  }
0x8d: {  	_ =	swait.ge [sflag:s31], $0xA00  }
0x8e: {  	[sflag:s31] =	ssyncset.done $0x0  }
0x8f: {  	s9 =	sadd.s32 $0x28F0, s8;
	[sflag:s31] =	ssyncadd.s32 $0xFFFFF600  }
0x90: {  	[spmem:s1] =	stream.indirect.scatter.add.f32 [tilespmem:s18], [sflag:$0x7], $0x20, s9, s16, $0xb8;
	[tilespmem:$0x11C60] =	vst v63  }
0x91: {  	_ =	swait.ge [sflag:s19], $0xA00  }
0x92: {  	[sflag:s19] =	ssyncset.done $0x0  }
0x93: {  	s9 =	sadd.s32 $0x370, s8;
	[sflag:s19] =	ssyncadd.s32 $0xFFFFF600  }
0x94: {  	[tilespmem:s18], [sflag:$0x2] =	stream.indirect.gather [spmem:s2], $0x20, s9, s16, $0xb8;
	[tilespmem:$0x11C60] =	vst v63  }
0x95: {  	_ =	swait.ge [sflag:s23], $0xA00  }
0x96: {  	[sflag:s23] =	ssyncset.done $0x0  }
0x97: {  	s9 =	sadd.s32 $0x2940, s8;
	[sflag:s23] =	ssyncadd.s32 $0xFFFFF600  }
0x98: {  	[spmem:s1] =	stream.indirect.scatter.add.f32 [tilespmem:s20], [sflag:$0x8], $0x20, s9, s16, $0xb8;
	[tilespmem:$0x11C60] =	vst v63  }
0x99: {  	_ =	swait.ge [sflag:s0], $0xA00  }
0x9a: {  	[sflag:s0] =	ssyncset.done $0x0  }
0x9b: {  	s9 =	sadd.s32 $0x3C0, s8;
	[sflag:s0] =	ssyncadd.s32 $0xFFFFF600  }
0x9c: {  	[tilespmem:s20], [sflag:$0x3] =	stream.indirect.gather [spmem:s2], $0x20, s9, s16, $0xb8;
	[tilespmem:$0x11C60] =	vst v63  }
0x9d: {  	_ =	swait.ge [sflag:s30], $0xA00  }
0x9e: {  	[sflag:s30] =	ssyncset.done $0x0  }
0x9f: {  	s9 =	sadd.s32 $0x2990, s8;
	[sflag:s30] =	ssyncadd.s32 $0xFFFFF600  }
0xa0: {  	[spmem:s1] =	stream.indirect.scatter.add.f32 [tilespmem:s22], [sflag:$0x9], $0x20, s9, s16, $0xb8;
	[tilespmem:$0x11C60] =	vst v63  }
0xa1: {  	_ =	swait.ge [sflag:s21], $0xA00  }
0xa2: {  	[sflag:s21] =	ssyncset.done $0x0  }
.Ltmp0:
0xa3: {  	s9 =	sadd.s32 $0x410, s8;
	[sflag:s21] =	ssyncadd.s32 $0xFFFFF600;
	(pc) =	sbr.rel @p2 .LBB2_2-.Ltmp0, $4  }
0xa4: {  	[tilespmem:s22], [sflag:$0x4] =	stream.indirect.gather [spmem:s2], $0x20, s9, s16, $0xb8;
	[tilespmem:$0x11C60] =	vst v63  }
0xa5: {  	_ =	swait.ge [sflag:s4], $0xA00  }
0xa6: {  	[sflag:s4] =	ssyncset.done $0x0  }
0xa7: {  	s8 =	sadd.s32 $0x29E0, s8;
	[sflag:s4] =	ssyncadd.s32 $0xFFFFF600  }
0xa8: {  	[spmem:s1] =	stream.indirect.scatter.add.f32 [tilespmem:s26], [sflag:$0xA], $0x20, s8, s16, $0xb8;
	[tilespmem:$0x11C60] =	vst v63  }
0xa9: {  	_ =	swait.ge [sflag:s5], $0xA00  }
0xaa: {  	s7 =	sshra.s32 s7, $0x2;
	[sflag:s5] =	ssyncset.done $0x0  }
0xab: {  	s9 =	sadd.s32 $0x2D0, s7;
	[sflag:s5] =	ssyncadd.s32 $0xFFFFF600  }
0xac: {  	[tilespmem:s26], [sflag:$0x5] =	stream.indirect.gather [spmem:s2], $0x20, s9, s16, $0xb8;
	[tilespmem:$0x11C60] =	vst v63  }
0xad: {  	_ =	swait.ge [sflag:s28], $0xA00  }
0xae: {  	[sflag:s28] =	ssyncset.done $0x0  }
0xaf: {  	s9 =	sadd.s32 $0x28A0, s7;
	[sflag:s28] =	ssyncadd.s32 $0xFFFFF600  }
0xb0: {  	[spmem:s1] =	stream.indirect.scatter.add.f32 [tilespmem:s17], [sflag:$0x6], $0x20, s9, s16, $0xb8;
	[tilespmem:$0x11C60] =	vst v63  }
0xb1: {  	_ =	swait.ge [sflag:s29], $0xA00  }
0xb2: {  	[sflag:s29] =	ssyncset.done $0x0  }
0xb3: {  	[sflag:s29] =	ssyncadd.s32 $0xFFFFF600  }
0xb4: {  	_ =	swait.ge [sflag:s31], $0xA00  }
0xb5: {  	[sflag:s31] =	ssyncset.done $0x0  }
0xb6: {  	s9 =	sadd.s32 $0x28F0, s7;
	[sflag:s31] =	ssyncadd.s32 $0xFFFFF600  }
0xb7: {  	[spmem:s1] =	stream.indirect.scatter.add.f32 [tilespmem:s18], [sflag:$0x7], $0x20, s9, s16, $0xb8;
	[tilespmem:$0x11C60] =	vst v63  }
0xb8: {  	_ =	swait.ge [sflag:s19], $0xA00  }
0xb9: {  	[sflag:s19] =	ssyncset.done $0x0  }
0xba: {  	[sflag:s19] =	ssyncadd.s32 $0xFFFFF600  }
0xbb: {  	_ =	swait.ge [sflag:s23], $0xA00  }
0xbc: {  	[sflag:s23] =	ssyncset.done $0x0  }
0xbd: {  	s9 =	sadd.s32 $0x2940, s7;
	[sflag:s23] =	ssyncadd.s32 $0xFFFFF600  }
0xbe: {  	[spmem:s1] =	stream.indirect.scatter.add.f32 [tilespmem:s20], [sflag:$0x8], $0x20, s9, s16, $0xb8;
	[tilespmem:$0x11C60] =	vst v63  }
0xbf: {  	_ =	swait.ge [sflag:s0], $0xA00  }
0xc0: {  	[sflag:s0] =	ssyncset.done $0x0  }
0xc1: {  	[sflag:s0] =	ssyncadd.s32 $0xFFFFF600  }
0xc2: {  	_ =	swait.ge [sflag:s30], $0xA00  }
0xc3: {  	[sflag:s30] =	ssyncset.done $0x0  }
0xc4: {  	s9 =	sadd.s32 $0x2990, s7;
	[sflag:s30] =	ssyncadd.s32 $0xFFFFF600  }
0xc5: {  	[spmem:s1] =	stream.indirect.scatter.add.f32 [tilespmem:s22], [sflag:$0x9], $0x20, s9, s16, $0xb8;
	[tilespmem:$0x11C60] =	vst v63  }
0xc6: {  	_ =	swait.ge [sflag:s21], $0xA00  }
0xc7: {  	[sflag:s21] =	ssyncset.done $0x0  }
0xc8: {  	[sflag:s21] =	ssyncadd.s32 $0xFFFFF600  }
0xc9: {  	_ =	swait.ge [sflag:s4], $0xA00  }
0xca: {  	[sflag:s4] =	ssyncset.done $0x0  }
0xcb: {  	s7 =	sadd.s32 $0x29E0, s7;
	[sflag:s4] =	ssyncadd.s32 $0xFFFFF600  }
0xcc: {  	[spmem:s1] =	stream.indirect.scatter.add.f32 [tilespmem:s26], [sflag:$0xA], $0x20, s7, s16, $0xb8;
	[tilespmem:$0x11C60] =	vst v63  }
0xcd: {  	_ =	swait.ge [sflag:s5], $0xA00  }
0xce: {  	[sflag:s5] =	ssyncset.done $0x0  }
0xcf: {  	[sflag:s5] =	ssyncadd.s32 $0xFFFFF600  }
0xd0: {  	[bflag:$0x0] =	sbarrier.arrive $0xFFFF  }
0xd1: {  	s7 =	rddreg [dreg:$0xa]  }
0xd2: {  	[hbm:s7], [sflag:s12] =	dma.local @p1 [spmem:s24], $0xA00  }
0xd3: {  	s7 =	simm.s32 @p1 $0xB  }
0xd4: {  	_ =	swait.ge @p1 [sflag:s7], $0xA00  }
0xd5: {  	s6 =	sadd.s32 $0x1, s6;
	[sflag:s7] =	ssyncset.done @p1 $0x0  }
0xd6: {  	p2 =	sne.s32 s6, s10;
	[sflag:s7] =	ssyncadd.s32 @p1 $0xFFFFF600;
	s7 =	rddreg [dreg:$0x9]  }
0xd7: {  	[hbm:s7], [sflag:s12] =	dma.local @!p1 [spmem:s25], $0x9C0  }
.Ltmp1:
0xd8: {  	_ = 	snop;
	(pc) =	sbr.rel @p2 .LBB2_1-.Ltmp1, $4  }
0xd9: {  	s7 =	simm.s32 @!p1 $0xB  }
0xda: {  	_ =	swait.ge @!p1 [sflag:s7], $0x9C0  }
0xdb: {  	[sflag:s7] =	ssyncset.done @!p1 $0x0  }
0xdc: {  	[sflag:s7] =	ssyncadd.s32 @!p1 $0xFFFFF640  }
0xdd: {  	_ =	sfence.sel $0x180000  }
0xde: {  	[bflag:$0x0] =	sbarrier.arrive $0xFFFF  }
0xdf: {  	_ =	strace $0x9000004A  }
0xe0: {  	[bflag:$0x2] =	sbarrier.arrive $0xFFFF  }
0xe1: {  	s0 =	rddreg [dreg:$0x4]  }
0xe2: {  	s0 =	sadd.s32 @!p0 $0x100000, s0  }
0xe3: {  	[sflag:s0] =	ssyncadd.tile.s32 @!p0 $0x1;
	_ =	shalt  }
.Lfunc_end2:
_tile_overlayer_lowered:
.L_overlay_start_2:
0xe4: {  	(tag) =	ssettag $0x2  }
0xe5: {  	s0 =	rddreg [dreg:$0x0];
	s2 =	stileid.u32  }
0xe6: {  	s1 =	rddreg [dreg:$0x1];
	p0 =	sne.s32 s2, $0x0  }
0xe7: {  	s3 =	rddreg [dreg:$0x2];
	[bflag:$0x3] =	sbarrier.arrive $0xFFFF;
	s2 =	simm.s32 @!p0 $0x1C0B  }
0xe8: {  	[timem:s3], [sflag:s2] =	dma.local @!p0 [hbm:s0], s1  }
0xe9: {  	s0 =	simm.s32 @!p0 $0xB  }
0xea: {  	_ =	swait.ge @!p0 [sflag:s0], s1  }
0xeb: {  	s1 =	ssub.s32 @!p0 $0x0, s1;
	[sflag:s0] =	ssyncset.done @!p0 $0x0  }
0xec: {  	[sflag:s0] =	ssyncadd.s32 @!p0 s1  }
0xed: {  	[bflag:$0x3] =	sbarrier.arrive $0xFFFF  }
0xee: {  	_ =	shalt  }

// kernel: kernel.16.cloned.1.call-start
scs
__scs_entry_jumppad:
0x0: {  	(pc) =	sbr.rel $0x88, $3  }
0x1: {  	(tag) =	ssettag $0x0;
	lr =	simm.s32 $0x1  }
0x2: {  	[smem:$0x3F98] =	sst lr;
	_ =	strace $0xD0000000  }
0x3: {  	_ = 	snop  }
0x4: {  	_ = 	snop  }
0x5: {  	_ = 	snop  }
0x6: {  	_ = 	snop  }
0x7: {  	_ = 	snop  }
__scs_overlays_trampoline_lowered:
0x8: {  	[smem:$0x3FA7] =	sst s0  }
0x9: {  	[smem:$0x3FA8] =	sst s1  }
0xa: {  	[smem:$0x3FA9] =	sst s2  }
0xb: {  	[smem:$0x3FAA] =	sst s3  }
0xc: {  	[smem:$0x3FAB] =	sst s4  }
0xd: {  	[smem:$0x3FAC] =	sst s5  }
0xe: {  	[smem:$0x3FAD] =	sst s6  }
0xf: {  	[smem:$0x3FAE] =	sst s7  }
0x10: {  	[smem:$0x3FAF] =	sst s8  }
0x11: {  	[smem:$0x3FB0] =	sst s9;
	s0 =	simm.s32 @!p0 $0x0  }
0x12: {  	s1 =	sld [smem:$0x3F96];
	s0 =	simm.s32 @p0 $0x1  }
0x13: {  	[smem:$0x3FB1] =	sst s0;
	s0 =	simm.s32 @!p1 $0x0  }
0x14: {  	s2 =	sld [smem:$0x3F95];
	s0 =	simm.s32 @p1 $0x1  }
0x15: {  	[smem:$0x3FB2] =	sst s0;
	s0 =	simm.s32 @!p2 $0x0  }
0x16: {  	s3 =	sld [smem:$0x3FDB];
	s0 =	simm.s32 @p2 $0x1  }
0x17: {  	s4 =	simm.s32 $0x1BF5;
	[smem:$0x3FB4] =	sst s0  }
0x18: {  	s0 =	sld [smem:$0x3F97];
	_ =	swait.ge [sflag:s4], $0x0  }
0x19: {  	s7 =	sld [smem:$0x3F98]  }
0x1a: {  	s8 =	sadd.s32 $0xFFFFE003, lr  }
0x1b: {  	s9 =	sadd.s32 $0xFFFFFEF7, lr;
	s5 =	simm.s32 $0xFFFFFFFF;
	p2 =	slt.u32 s8, $0xFFFFF086  }
0x1c: {  	p1 =	slt.u32 s9, $0xF7A;
	s5 =	simm.s32 @!p2 $0x0  }
0x1d: {  	s5 =	simm.s32 @p1 $0x1;
	p0 =	seq.s32 s7, s2  }
0x1e: {  	s7 =	smul.u32 @!p0 $0xF7A, s2;
	p2 =	seq.s32 @!p0 s5, $0x0  }
0x1f: {  	s9 =	smul.u32 $0xF7A, s1;
	s8 =	simm.s32 @!p0 $0x1BF5;
	p2 =	por !p2, p0  }
0x20: {  	[sflag:s8] =	ssyncset.s32 @!p0 $0xFFFFF086;
	s6 =	sadd.s32 @!p0 s3, s7;
	s7 =	simm.s32 @!p0 $0x108  }
0x21: {  	s3 =	sadd.s32 s3, s9;
	s6 =	sadd.s32 @!p0 $0x88, s6;
	s7 =	simm.s32 @p2 $0x1082  }
0x22: {  	[simem:s7], [sflag:s8] =	dma.local @!p0 [hbm:s6], $0xF7A  }
0x23: {  	s9 =	sor.u32 $0xD0000000, s2;
	s6 =	simm.s32 $0x108;
	_ =	swait.ge @!p0 [sflag:s8], $0x0  }
0x24: {  	s3 =	sadd.s32 $0x88, s3;
	s6 =	simm.s32 @!p1 $0x1082;
	[sflag:s4] =	ssyncset.s32 $0xFFFFF086  }
0x25: {  	[simem:s6], [sflag:s4] =	dma.local [hbm:s3], $0xF7A  }
0x26: {  	[smem:$0x3F98] =	sst s1;
	(tag) =	ssettag s2;
	_ =	strace s9  }
0x27: {  	s1 =	sld [smem:$0x3FA8]  }
0x28: {  	s2 =	sld [smem:$0x3FA9]  }
0x29: {  	s4 =	sld [smem:$0x3FAB]  }
0x2a: {  	p0 =	seq.s32 s5, $0x0;
	s5 =	sld [smem:$0x3FAC]  }
0x2b: {  	s6 =	sld [smem:$0x3FAD]  }
0x2c: {  	s7 =	sld [smem:$0x3FAE]  }
0x2d: {  	s3 =	simm.s32 $0x108;
	s8 =	sld [smem:$0x3FAF]  }
0x2e: {  	s3 =	simm.s32 @!p0 $0x1082;
	s9 =	sld [smem:$0x3FB0]  }
0x2f: {  	lr =	sadd.s32 s0, s3;
	s0 =	sld [smem:$0x3FA7]  }
0x30: {  	s3 =	sld [smem:$0x3FAA]  }
0x31: {  	[smem:$0x3FB3] =	sst s10  }
0x32: {  	s10 =	sld [smem:$0x3FB1];
	_ =	sdelay $0x3  }
0x33: {  	p0 =	seq.s32 s10, $0x1;
	s10 =	sld [smem:$0x3FB3];
	_ =	sdelay $0x3  }
0x34: {  	[smem:$0x3FB3] =	sst s10  }
0x35: {  	s10 =	sld [smem:$0x3FB2];
	_ =	sdelay $0x3  }
0x36: {  	p1 =	seq.s32 s10, $0x1;
	s10 =	sld [smem:$0x3FB3];
	_ =	sdelay $0x3  }
0x37: {  	[smem:$0x3FB3] =	sst s10  }
0x38: {  	s10 =	sld [smem:$0x3FB4]  }
0x39: {  	_ = 	snop;
	(pc) =	sbr.ind lr, $3  }
0x3a: {  	_ = 	snop  }
0x3b: {  	_ = 	snop  }
0x3c: {  	p2 =	seq.s32 s10, $0x1;
	s10 =	sld [smem:$0x3FB3]  }
0x3d: {  	_ =	shalt  }
0x3e: {  	_ =	shalt  }
0x3f: {  	_ =	shalt  }
0x40: {  	_ =	shalt  }
0x41: {  	_ =	shalt  }
0x42: {  	_ =	shalt  }
0x43: {  	_ =	shalt  }
0x44: {  	_ =	shalt  }
0x45: {  	_ =	shalt  }
0x46: {  	_ =	shalt  }
0x47: {  	_ =	shalt  }
0x48: {  	_ =	shalt  }
0x49: {  	_ =	shalt  }
0x4a: {  	_ =	shalt  }
0x4b: {  	_ =	shalt  }
0x4c: {  	_ =	shalt  }
0x4d: {  	_ =	shalt  }
0x4e: {  	_ =	shalt  }
0x4f: {  	_ =	shalt  }
0x50: {  	_ =	shalt  }
0x51: {  	_ =	shalt  }
0x52: {  	_ =	shalt  }
0x53: {  	_ =	shalt  }
0x54: {  	_ =	shalt  }
0x55: {  	_ =	shalt  }
0x56: {  	_ =	shalt  }
0x57: {  	_ =	shalt  }
0x58: {  	_ =	shalt  }
0x59: {  	_ =	shalt  }
0x5a: {  	_ =	shalt  }
0x5b: {  	_ =	shalt  }
0x5c: {  	_ =	shalt  }
0x5d: {  	_ =	shalt  }
0x5e: {  	_ =	shalt  }
0x5f: {  	_ =	shalt  }
0x60: {  	_ =	shalt  }
0x61: {  	_ =	shalt  }
0x62: {  	_ =	shalt  }
0x63: {  	_ =	shalt  }
0x64: {  	_ =	shalt  }
0x65: {  	_ =	shalt  }
0x66: {  	_ =	shalt  }
0x67: {  	_ =	shalt  }
0x68: {  	_ =	shalt  }
0x69: {  	_ =	shalt  }
0x6a: {  	_ =	shalt  }
0x6b: {  	_ =	shalt  }
0x6c: {  	_ =	shalt  }
0x6d: {  	_ =	shalt  }
0x6e: {  	_ =	shalt  }
0x6f: {  	_ =	shalt  }
0x70: {  	_ =	shalt  }
0x71: {  	_ =	shalt  }
0x72: {  	_ =	shalt  }
0x73: {  	_ =	shalt  }
0x74: {  	_ =	shalt  }
0x75: {  	_ =	shalt  }
0x76: {  	_ =	shalt  }
0x77: {  	_ =	shalt  }
0x78: {  	_ =	shalt  }
0x79: {  	_ =	shalt  }
0x7a: {  	_ =	shalt  }
0x7b: {  	_ =	shalt  }
0x7c: {  	_ =	shalt  }
0x7d: {  	_ =	shalt  }
0x7e: {  	_ =	shalt  }
0x7f: {  	_ =	shalt  }
0x80: {  	_ =	shalt  }
0x81: {  	_ =	shalt  }
0x82: {  	_ =	shalt  }
0x83: {  	_ =	shalt  }
0x84: {  	_ =	shalt  }
0x85: {  	_ =	shalt  }
0x86: {  	_ =	shalt  }
0x87: {  	_ =	shalt  }
.Lfunc_end0:
.L_simem_size_0:
called_computation.2_lowered:
.L_overlay_start_0:
0x88: {  	s2 =	sld [smem:$0x3FD9]  }
0x89: {  	s3 =	sld [smem:$0x3FFE];
	_ =	sdelay $0x1  }
0x8a: {  	s1 =	srdreg.scid  }
0x8b: {  	s0 =	sand.u32 $0x1, s1  }
0x8c: {  	s17 =	sshll.u32 s0, $0xA;
	s2 =	sadd.s32 s3, s2  }
0x8d: {  	s2 =	sadd.s32 s2, s17  }
0x8e: {  	[smem:$0x3FBF] =	sst s2  }
0x8f: {  	_ = 	snop  }
0x90: {  	s2 =	sld [smem:$0x3FD0];
	(tm) =	ssettm $0x1  }
0x91: {  	s18 =	sld [smem:$0x3FFB];
	_ =	sdelay $0x3  }
0x92: {  	_ =	strace s18  }
0x93: {  	s3 =	sld [smem:$0x3FFC];
	_ =	sdelay $0x3  }
0x94: {  	_ =	strace s3  }
0x95: {  	s3 =	sld [smem:$0x3FFD];
	_ =	sdelay $0x3  }
0x96: {  	_ =	strace s3  }
0x97: {  	_ =	strace $0x8FFFFFFF  }
0x98: {  	s19 =	sld [smem:$0x3FDB];
	_ =	sdelay $0x1  }
0x99: {  	s4 =	simm.s32 $_scs_section_size  }
0x9a: {  	s5 =	simm.s32 $_size__tile_overlayer_lowered;
	s6 =	simm.s32 $_tile_overlayer_lowered  }
0x9b: {  	s22 =	simm.s32 $0x1BFF;
	s21 =	sshll.u32 s6, $0x1;
	s3 =	sadd.s32 s4, s19  }
0x9c: {  	s7 =	simm.s32 $0x0;
	s20 =	sshll.u32 s5, $0x1;
	s5 =	sadd.s32 s21, s3  }
0x9d: {  	[timem:s7], [sflag:s22] =	dma.local [hbm:s5], s20  }
0x9e: {  	_ =	swait.ge [sflag:s22], s20  }
0x9f: {  	s4 =	ssub.s32 $0x0, s20;
	[sflag:s22] =	ssyncset.done $0x0  }
0xa0: {  	[sflag:s22] =	ssyncadd.s32 s4;
	_ =	sdelay $0x1  }
0xa1: {  	s23 =	simm.s32 $0x1B8B  }
0xa2: {  	_ =	swait.ge [sflag:s23], $0x1  }
0xa3: {  	[sflag:s23] =	ssyncset.done $0x0  }
0xa4: {  	s25 =	simm.s32 $0x1B8E;
	s24 =	sld [smem:$0x3FFE];
	[sflag:s23] =	ssyncadd.s32 $0xFFFFFFFF  }
0xa5: {  	s26 =	simm.s32 $execute0_lowered;
	[smem:$0x3FD2] =	sst s25  }
0xa6: {  	s5 =	sshll.u32 s26, $0x1;
	_ =	strace $0x8000004C;
	[dreg:$0x1] =	wrdreg $0xFFFFFFFF  }
0xa7: {  	s28 =	simm.s32 $_size_execute0_lowered;
	s3 =	sadd.s32 s3, s5;
	[dreg:$0x0] =	wrdreg $0x0  }
0xa8: {  	s5 =	sshll.u32 s28, $0x1;
	[dreg:$0x2] =	wrdreg s3  }
0xa9: {  	[dreg:$0x3] =	wrdreg s5  }
0xaa: {  	[dreg:$0x4] =	wrdreg $0xC0  }
0xab: {  	_ =	task [dreg:s7], $0x5FFFF  }
0xac: {  	[dreg:$0x1] =	wrdreg $0xFFFFFFFF  }
0xad: {  	[dreg:$0x0] =	wrdreg $0x60  }
0xae: {  	[dreg:$0x2] =	wrdreg s24  }
0xaf: {  	[dreg:$0x3] =	wrdreg s2  }
0xb0: {  	[dreg:$0x4] =	wrdreg $0x8E300  }
0xb1: {  	[dreg:$0x5] =	wrdreg $0x67200  }
0xb2: {  	[dreg:$0x6] =	wrdreg $0x9  }
0xb3: {  	_ =	task.clear_ibuf [dreg:s7], $0x7FFFF;
	_ =	strace $0x9000004C  }
0xb4: {  	s29 =	simm.s32 $0x9;
	_ =	strace $0x8000004E  }
0xb5: {  	_ =	swait.ge [sflag:s29], $0x1  }
0xb6: {  	[sflag:s29] =	ssyncadd.s32 $0xFFFFFFFF  }
0xb7: {  	_ =	strace $0x9000004E  }
0xb8: {  	_ =	sfence  }
0xb9: {  	s30 =	sld [smem:$0x0];
	_ =	sdelay $0x2  }
0xba: {  	s31 =	sshll.u32 s1, $0xD;
	s1 =	sshrl.u32 s1, $0x2  }
0xbb: {  	s3 =	sand.u32 $0x4000, s31;
	s1 =	sadd.s32 s1, s30  }
0xbc: {  	s0 =	sor.u32 s3, s0;
	s1 =	sshll.u32 s1, $0x11  }
0xbd: {  	s0 =	sor.u32 s1, s0  }
0xbe: {  	s0 =	sadd.s32 $0x8F2B, s0  }
0xbf: {  	[sflag:s0] =	ssyncadd.remote.s32 $0x1  }
0xc0: {  	_ =	sfence.sel $0xFFFF  }
0xc1: {  	[dreg:$0x0] =	wrdreg $0xFFFFFFFF;
	(pc) =	sbr.abs _section_cstart, $3  }
0xc2: {  	[dreg:$0x1] =	wrdreg $0xFFFFFFFF  }
0xc3: {  	_ =	task.clear_ibuf [dreg:s7], $0x2FFFF;
	_ =	strace $0x9FFFFFFF  }
0xc4: {  	(tm) =	ssettm $0x7FFFFFFF  }
0xc5: {  	_ =	shalt  }
tec
execute0_lowered:
.L_overlay_start_1:
0x0: {  	(tag) =	ssettag $0x1  }
0x1: {  	s0 =	rddreg [dreg:$0x0]  }
0x2: {  	s4 =	rddreg [dreg:$0x1]  }
0x3: {  	s1 =	rddreg [dreg:$0x2]  }
0x4: {  	s2 =	rddreg [dreg:$0x3]  }
0x5: {  	s3 =	srdreg.scid;
	s6 =	stileid.u32;
	s14 =	simm.s32 $0x2710  }
0x6: {  	s15 =	simm.s32 $0x50;
	s16 =	simm.s32 $0x4E20;
	s17 =	simm.s32 $0x5320  }
0x7: {  	s19 =	simm.s32 $0x5820;
	s21 =	simm.s32 $0x5D20;
	s29 =	simm.s32 $0x2  }
0x8: {  	s31 =	simm.s32 $0x7;
	s18 =	simm.s32 $0x3;
	s30 =	simm.s32 $0x4  }
0x9: {  	s20 =	simm.s32 $0x9;
	s28 =	simm.s32 $0xA;
	s8 =	smul.u32 $0x2710, s6  }
0xa: {  	s5 =	sand.u32 $0x1, s3;
	s3 =	simm.s32 $0x0;
	s12 =	smul.u32 $0x2800, s6  }
0xb: {  	p0 =	sne.s32 s6, $0x0;
	s26 =	sshll.u32 s6, $0x6;
	s7 =	sshll.u32 s5, $0x4  }
0xc: {  	[smem:$0x7FF] =	sst s3;
	s10 =	ssub.s32 $0x2, s5;
	s5 =	smul.u32 $0x28000, s5  }
0xd: {  	s7 =	sor.u32 s6, s7;
	_ =	strace $0x8000004D;
	s9 =	sshrl.u32 s8, $0x3  }
0xe: {  	s11 =	sshrl.u32 s10, $0x1;
	s13 =	sadd.s32 s8, s2;
	s25 =	sadd.s32 s12, s1  }
0xf: {  	s7 =	smul.u32 $0x4E2, s7;
	s9 =	sadd.s32 s9, s0;
	s22 =	ssub.s32 s10, s11  }
0x10: {  	s5 =	sadd.s32 s12, s5;
	s10 =	sshrl.u32 @!p0 s1, $0x3;
	s11 =	sor.u32 $0x1C0B, s26  }
0x11: {  	s12 =	sshrl.u32 s13, $0x3;
	s13 =	simm.s32 $0xB;
	s25 =	sshrl.u32 s25, $0x3  }
0x12: {  	s26 =	simm.s32 $0x6;
	s23 =	sadd.s32 $0x14E00, s9;
	s5 =	sshrl.u32 s5, $0x3  }
0x13: {  	s9 =	smax.u32 s22, $0x1;
	s22 =	simm.s32 $0x8;
	s7 =	sadd.s32 s7, s0  }
0x14: {  	s0 =	sadd.s32 $0x19E00, s0;
	[dreg:$0x6] =	wrdreg s23;
	s8 =	sadd.s32 s4, s5  }
0x15: {  	s23 =	simm.s32 $0x6220;
	[dreg:$0x5] =	wrdreg s0;
	s24 =	sadd.s32 $0xB000, s7  }
0x16: {  	s4 =	simm.s32 $0x0;
	s7 =	sadd.s32 $0x1200, s7;
	[dreg:$0x7] =	wrdreg s24  }
0x17: {  	s0 =	simm.s32 $0x5;
	[dreg:$0x8] =	wrdreg s7;
	s24 =	simm.s32 $0x1  }
.LBB2_1:
0x18: {  	s5 =	simm.s32 @!p0 $0x1C0B;
	s6 =	rddreg [dreg:$0x5]  }
0x19: {  	[spmem:s10], [sflag:s5] =	dma.local @!p0 [hbm:s6], $0x5000  }
0x1a: {  	s5 =	simm.s32 @!p0 $0xB  }
0x1b: {  	_ =	swait.ge @!p0 [sflag:s5], $0x5000  }
0x1c: {  	[sflag:s5] =	ssyncset.done @!p0 $0x0  }
0x1d: {  	s7 =	rddreg [dreg:$0x6];
	[sflag:s5] =	ssyncadd.s32 @!p0 $0xFFFFB000  }
0x1e: {  	[spmem:s12], [sflag:s11] =	dma.local [hbm:s7], $0x4E2  }
0x1f: {  	_ =	swait.ge [sflag:s13], $0x4E2  }
0x20: {  	[sflag:s13] =	ssyncset.done $0x0  }
0x21: {  	s6 =	rddreg [dreg:$0x7];
	[sflag:s13] =	ssyncadd.s32 $0xFFFFFB1E  }
0x22: {  	[tilespmem:s3], [sflag:$0xB] =	stream.linear.gather [hbm4b:s6+s3], $0x2710, $0x38;
	[tilespmem:$0xB630] =	vst v63  }
0x23: {  	_ =	swait.ge [sflag:s13], $0x2710  }
0x24: {  	[sflag:s13] =	ssyncset.done $0x0  }
0x25: {  	s7 =	rddreg [dreg:$0x8];
	[sflag:s13] =	ssyncadd.s32 $0xFFFFD8F0  }
0x26: {  	[tilespmem:s14], [sflag:$0xB] =	stream.linear.gather [hbm4b:s7+s3], $0x2710, $0x38;
	[tilespmem:$0xB630] =	vst v63  }
0x27: {  	_ =	swait.ge [sflag:s13], $0x2710  }
0x28: {  	[sflag:s13] =	ssyncset.done $0x0  }
0x29: {  	[sflag:s13] =	ssyncadd.s32 $0xFFFFD8F0  }
0x2a: {  	[bflag:$0x0] =	sbarrier.arrive $0xFFFF  }
0x2b: {  	[tilespmem:s16], [sflag:$0x1] =	stream.indirect.gather [spmem:s2], $0x10, s3, s15, $0xb8;
	[tilespmem:$0xB630] =	vst v63  }
0x2c: {  	_ = 	snop  }
0x2d: {  	[tilespmem:s17], [sflag:$0x2] =	stream.indirect.gather [spmem:s2], $0x10, s15, s15, $0xb8;
	[tilespmem:$0xB630] =	vst v63  }
0x2e: {  	s6 =	simm.s32 $0xA0  }
0x2f: {  	[tilespmem:s19], [sflag:$0x3] =	stream.indirect.gather [spmem:s2], $0x10, s6, s15, $0xb8;
	[tilespmem:$0xB630] =	vst v63  }
0x30: {  	s7 =	simm.s32 $0xF0  }
0x31: {  	[tilespmem:s21], [sflag:$0x4] =	stream.indirect.gather [spmem:s2], $0x10, s7, s15, $0xb8;
	[tilespmem:$0xB630] =	vst v63  }
0x32: {  	s6 =	simm.s32 $0x140  }
0x33: {  	[tilespmem:s23], [sflag:$0x5] =	stream.indirect.gather [spmem:s2], $0x10, s6, s15, $0xb8;
	[tilespmem:$0xB630] =	vst v63  }
0x34: {  	_ =	swait.ge [sflag:s24], $0x500  }
0x35: {  	[sflag:s24] =	ssyncset.done $0x0  }
0x36: {  	[sflag:s24] =	ssyncadd.s32 $0xFFFFFB00  }
0x37: {  	[spmem:s1] =	stream.indirect.scatter.add.f32 [tilespmem:s16], [sflag:$0x6], $0x10, s14, s15, $0xb8;
	[tilespmem:$0xB630] =	vst v63  }
0x38: {  	_ =	swait.ge [sflag:s26], $0x500  }
0x39: {  	[sflag:s26] =	ssyncset.done $0x0  }
0x3a: {  	s7 =	simm.s32 $0x190;
	[sflag:s26] =	ssyncadd.s32 $0xFFFFFB00  }
0x3b: {  	[tilespmem:s16], [sflag:$0x1] =	stream.indirect.gather [spmem:s2], $0x10, s7, s15, $0xb8;
	[tilespmem:$0xB630] =	vst v63  }
0x3c: {  	_ =	swait.ge [sflag:s29], $0x500  }
0x3d: {  	[sflag:s29] =	ssyncset.done $0x0  }
0x3e: {  	s6 =	simm.s32 $0x2760;
	[sflag:s29] =	ssyncadd.s32 $0xFFFFFB00  }
0x3f: {  	[spmem:s1] =	stream.indirect.scatter.add.f32 [tilespmem:s17], [sflag:$0x7], $0x10, s6, s15, $0xb8;
	[tilespmem:$0xB630] =	vst v63  }
0x40: {  	_ =	swait.ge [sflag:s31], $0x500  }
0x41: {  	[sflag:s31] =	ssyncset.done $0x0  }
0x42: {  	s7 =	simm.s32 $0x1E0;
	[sflag:s31] =	ssyncadd.s32 $0xFFFFFB00  }
0x43: {  	[tilespmem:s17], [sflag:$0x2] =	stream.indirect.gather [spmem:s2], $0x10, s7, s15, $0xb8;
	[tilespmem:$0xB630] =	vst v63  }
0x44: {  	_ =	swait.ge [sflag:s18], $0x500  }
0x45: {  	[sflag:s18] =	ssyncset.done $0x0  }
0x46: {  	s6 =	simm.s32 $0x27B0;
	[sflag:s18] =	ssyncadd.s32 $0xFFFFFB00  }
0x47: {  	[spmem:s1] =	stream.indirect.scatter.add.f32 [tilespmem:s19], [sflag:$0x8], $0x10, s6, s15, $0xb8;
	[tilespmem:$0xB630] =	vst v63  }
0x48: {  	_ =	swait.ge [sflag:s22], $0x500  }
0x49: {  	[sflag:s22] =	ssyncset.done $0x0  }
0x4a: {  	s7 =	simm.s32 $0x230;
	[sflag:s22] =	ssyncadd.s32 $0xFFFFFB00  }
0x4b: {  	[tilespmem:s19], [sflag:$0x3] =	stream.indirect.gather [spmem:s2], $0x10, s7, s15, $0xb8;
	[tilespmem:$0xB630] =	vst v63  }
0x4c: {  	_ =	swait.ge [sflag:s30], $0x500  }
0x4d: {  	[sflag:s30] =	ssyncset.done $0x0  }
0x4e: {  	s6 =	simm.s32 $0x2800;
	[sflag:s30] =	ssyncadd.s32 $0xFFFFFB00  }
0x4f: {  	[spmem:s1] =	stream.indirect.scatter.add.f32 [tilespmem:s21], [sflag:$0x9], $0x10, s6, s15, $0xb8;
	[tilespmem:$0xB630] =	vst v63  }
0x50: {  	_ =	swait.ge [sflag:s20], $0x500  }
0x51: {  	[sflag:s20] =	ssyncset.done $0x0  }
0x52: {  	s7 =	simm.s32 $0x280;
	[sflag:s20] =	ssyncadd.s32 $0xFFFFFB00  }
0x53: {  	[tilespmem:s21], [sflag:$0x4] =	stream.indirect.gather [spmem:s2], $0x10, s7, s15, $0xb8;
	[tilespmem:$0xB630] =	vst v63  }
0x54: {  	_ =	swait.ge [sflag:s0], $0x500  }
0x55: {  	[sflag:s0] =	ssyncset.done $0x0  }
0x56: {  	s6 =	simm.s32 $0x2850;
	[sflag:s0] =	ssyncadd.s32 $0xFFFFFB00  }
0x57: {  	[spmem:s1] =	stream.indirect.scatter.add.f32 [tilespmem:s23], [sflag:$0xA], $0x10, s6, s15, $0xb8;
	[tilespmem:$0xB630] =	vst v63  }
0x58: {  	_ =	swait.ge [sflag:s28], $0x500  }
0x59: {  	[sflag:s28] =	ssyncset.done $0x0  }
0x5a: {  	s7 =	simm.s32 $0x2D0;
	[sflag:s28] =	ssyncadd.s32 $0xFFFFFB00  }
0x5b: {  	[tilespmem:s23], [sflag:$0x5] =	stream.indirect.gather [spmem:s2], $0x10, s7, s15, $0xb8;
	[tilespmem:$0xB630] =	vst v63  }
0x5c: {  	_ =	swait.ge [sflag:s24], $0x500  }
0x5d: {  	[sflag:s24] =	ssyncset.done $0x0  }
0x5e: {  	s6 =	simm.s32 $0x28A0;
	[sflag:s24] =	ssyncadd.s32 $0xFFFFFB00  }
0x5f: {  	[spmem:s1] =	stream.indirect.scatter.add.f32 [tilespmem:s16], [sflag:$0x6], $0x10, s6, s15, $0xb8;
	[tilespmem:$0xB630] =	vst v63  }
0x60: {  	_ =	swait.ge [sflag:s26], $0x500  }
0x61: {  	[sflag:s26] =	ssyncset.done $0x0  }
0x62: {  	s7 =	simm.s32 $0x320;
	[sflag:s26] =	ssyncadd.s32 $0xFFFFFB00  }
0x63: {  	[tilespmem:s16], [sflag:$0x1] =	stream.indirect.gather [spmem:s2], $0x10, s7, s15, $0xb8;
	[tilespmem:$0xB630] =	vst v63  }
0x64: {  	_ =	swait.ge [sflag:s29], $0x500  }
0x65: {  	[sflag:s29] =	ssyncset.done $0x0  }
0x66: {  	s6 =	simm.s32 $0x28F0;
	[sflag:s29] =	ssyncadd.s32 $0xFFFFFB00  }
0x67: {  	[spmem:s1] =	stream.indirect.scatter.add.f32 [tilespmem:s17], [sflag:$0x7], $0x10, s6, s15, $0xb8;
	[tilespmem:$0xB630] =	vst v63  }
0x68: {  	_ =	swait.ge [sflag:s31], $0x500  }
0x69: {  	[sflag:s31] =	ssyncset.done $0x0  }
0x6a: {  	s7 =	simm.s32 $0x370;
	[sflag:s31] =	ssyncadd.s32 $0xFFFFFB00  }
0x6b: {  	[tilespmem:s17], [sflag:$0x2] =	stream.indirect.gather [spmem:s2], $0x10, s7, s15, $0xb8;
	[tilespmem:$0xB630] =	vst v63  }
0x6c: {  	_ =	swait.ge [sflag:s18], $0x500  }
0x6d: {  	[sflag:s18] =	ssyncset.done $0x0  }
0x6e: {  	s6 =	simm.s32 $0x2940;
	[sflag:s18] =	ssyncadd.s32 $0xFFFFFB00  }
0x6f: {  	[spmem:s1] =	stream.indirect.scatter.add.f32 [tilespmem:s19], [sflag:$0x8], $0x10, s6, s15, $0xb8;
	[tilespmem:$0xB630] =	vst v63  }
0x70: {  	_ =	swait.ge [sflag:s22], $0x500  }
0x71: {  	[sflag:s22] =	ssyncset.done $0x0  }
0x72: {  	s7 =	simm.s32 $0x3C0;
	[sflag:s22] =	ssyncadd.s32 $0xFFFFFB00  }
0x73: {  	[tilespmem:s19], [sflag:$0x3] =	stream.indirect.gather [spmem:s2], $0x10, s7, s15, $0xb8;
	[tilespmem:$0xB630] =	vst v63  }
0x74: {  	_ =	swait.ge [sflag:s30], $0x500  }
0x75: {  	[sflag:s30] =	ssyncset.done $0x0  }
0x76: {  	s6 =	simm.s32 $0x2990;
	[sflag:s30] =	ssyncadd.s32 $0xFFFFFB00  }
0x77: {  	[spmem:s1] =	stream.indirect.scatter.add.f32 [tilespmem:s21], [sflag:$0x9], $0x10, s6, s15, $0xb8;
	[tilespmem:$0xB630] =	vst v63  }
0x78: {  	_ =	swait.ge [sflag:s20], $0x500  }
0x79: {  	[sflag:s20] =	ssyncset.done $0x0  }
0x7a: {  	s7 =	simm.s32 $0x410;
	[sflag:s20] =	ssyncadd.s32 $0xFFFFFB00  }
0x7b: {  	[tilespmem:s21], [sflag:$0x4] =	stream.indirect.gather [spmem:s2], $0x10, s7, s15, $0xb8;
	[tilespmem:$0xB630] =	vst v63  }
0x7c: {  	_ =	swait.ge [sflag:s0], $0x500  }
0x7d: {  	[sflag:s0] =	ssyncset.done $0x0  }
0x7e: {  	s5 =	simm.s32 $0x640;
	s6 =	simm.s32 $0x29E0;
	[sflag:s0] =	ssyncadd.s32 $0xFFFFFB00  }
.LBB2_2:
0x7f: {  	[spmem:s1] =	stream.indirect.scatter.add.f32 [tilespmem:s23], [sflag:$0xA], $0x10, s6, s15, $0xb8;
	[tilespmem:$0xB630] =	vst v63  }
0x80: {  	s6 =	smov.u32 s5;
	s5 =	sadd.s32 $0x640, s5;
	_ =	swait.ge [sflag:s28], $0x500  }
0x81: {  	s6 =	sshra.s32 s6, $0x2;
	p1 =	sne.s32 s5, $0x8FC0;
	[sflag:s28] =	ssyncset.done $0x0  }
0x82: {  	s7 =	sadd.s32 $0x2D0, s6;
	[sflag:s28] =	ssyncadd.s32 $0xFFFFFB00  }
0x83: {  	[tilespmem:s23], [sflag:$0x5] =	stream.indirect.gather [spmem:s2], $0x10, s7, s15, $0xb8;
	[tilespmem:$0xB630] =	vst v63  }
0x84: {  	_ =	swait.ge [sflag:s24], $0x500  }
0x85: {  	[sflag:s24] =	ssyncset.done $0x0  }
0x86: {  	s7 =	sadd.s32 $0x28A0, s6;
	[sflag:s24] =	ssyncadd.s32 $0xFFFFFB00  }
0x87: {  	[spmem:s1] =	stream.indirect.scatter.add.f32 [tilespmem:s16], [sflag:$0x6], $0x10, s7, s15, $0xb8;
	[tilespmem:$0xB630] =	vst v63  }
0x88: {  	_ =	swait.ge [sflag:s26], $0x500  }
0x89: {  	[sflag:s26] =	ssyncset.done $0x0  }
0x8a: {  	s7 =	sadd.s32 $0x320, s6;
	[sflag:s26] =	ssyncadd.s32 $0xFFFFFB00  }
0x8b: {  	[tilespmem:s16], [sflag:$0x1] =	stream.indirect.gather [spmem:s2], $0x10, s7, s15, $0xb8;
	[tilespmem:$0xB630] =	vst v63  }
0x8c: {  	_ =	swait.ge [sflag:s29], $0x500  }
0x8d: {  	[sflag:s29] =	ssyncset.done $0x0  }
0x8e: {  	s7 =	sadd.s32 $0x28F0, s6;
	[sflag:s29] =	ssyncadd.s32 $0xFFFFFB00  }
0x8f: {  	[spmem:s1] =	stream.indirect.scatter.add.f32 [tilespmem:s17], [sflag:$0x7], $0x10, s7, s15, $0xb8;
	[tilespmem:$0xB630] =	vst v63  }
0x90: {  	_ =	swait.ge [sflag:s31], $0x500  }
0x91: {  	[sflag:s31] =	ssyncset.done $0x0  }
0x92: {  	s7 =	sadd.s32 $0x370, s6;
	[sflag:s31] =	ssyncadd.s32 $0xFFFFFB00  }
0x93: {  	[tilespmem:s17], [sflag:$0x2] =	stream.indirect.gather [spmem:s2], $0x10, s7, s15, $0xb8;
	[tilespmem:$0xB630] =	vst v63  }
0x94: {  	_ =	swait.ge [sflag:s18], $0x500  }
0x95: {  	[sflag:s18] =	ssyncset.done $0x0  }
0x96: {  	s7 =	sadd.s32 $0x2940, s6;
	[sflag:s18] =	ssyncadd.s32 $0xFFFFFB00  }
0x97: {  	[spmem:s1] =	stream.indirect.scatter.add.f32 [tilespmem:s19], [sflag:$0x8], $0x10, s7, s15, $0xb8;
	[tilespmem:$0xB630] =	vst v63  }
0x98: {  	_ =	swait.ge [sflag:s22], $0x500  }
0x99: {  	[sflag:s22] =	ssyncset.done $0x0  }
0x9a: {  	s7 =	sadd.s32 $0x3C0, s6;
	[sflag:s22] =	ssyncadd.s32 $0xFFFFFB00  }
0x9b: {  	[tilespmem:s19], [sflag:$0x3] =	stream.indirect.gather [spmem:s2], $0x10, s7, s15, $0xb8;
	[tilespmem:$0xB630] =	vst v63  }
0x9c: {  	_ =	swait.ge [sflag:s30], $0x500  }
0x9d: {  	[sflag:s30] =	ssyncset.done $0x0  }
0x9e: {  	s7 =	sadd.s32 $0x2990, s6;
	[sflag:s30] =	ssyncadd.s32 $0xFFFFFB00  }
0x9f: {  	[spmem:s1] =	stream.indirect.scatter.add.f32 [tilespmem:s21], [sflag:$0x9], $0x10, s7, s15, $0xb8;
	[tilespmem:$0xB630] =	vst v63  }
0xa0: {  	_ =	swait.ge [sflag:s20], $0x500  }
0xa1: {  	[sflag:s20] =	ssyncset.done $0x0  }
.Ltmp0:
0xa2: {  	s7 =	sadd.s32 $0x410, s6;
	[sflag:s20] =	ssyncadd.s32 $0xFFFFFB00;
	(pc) =	sbr.rel @p1 .LBB2_2-.Ltmp0, $4  }
0xa3: {  	[tilespmem:s21], [sflag:$0x4] =	stream.indirect.gather [spmem:s2], $0x10, s7, s15, $0xb8;
	[tilespmem:$0xB630] =	vst v63  }
0xa4: {  	_ =	swait.ge [sflag:s0], $0x500  }
0xa5: {  	[sflag:s0] =	ssyncset.done $0x0  }
0xa6: {  	s6 =	sadd.s32 $0x29E0, s6;
	[sflag:s0] =	ssyncadd.s32 $0xFFFFFB00  }
0xa7: {  	[spmem:s1] =	stream.indirect.scatter.add.f32 [tilespmem:s23], [sflag:$0xA], $0x10, s6, s15, $0xb8;
	[tilespmem:$0xB630] =	vst v63  }
0xa8: {  	_ =	swait.ge [sflag:s28], $0x500  }
0xa9: {  	s5 =	sshra.s32 s5, $0x2;
	[sflag:s28] =	ssyncset.done $0x0  }
0xaa: {  	s7 =	sadd.s32 $0x2D0, s5;
	[sflag:s28] =	ssyncadd.s32 $0xFFFFFB00  }
0xab: {  	[tilespmem:s23], [sflag:$0x5] =	stream.indirect.gather [spmem:s2], $0x10, s7, s15, $0xb8;
	[tilespmem:$0xB630] =	vst v63  }
0xac: {  	_ =	swait.ge [sflag:s24], $0x500  }
0xad: {  	[sflag:s24] =	ssyncset.done $0x0  }
0xae: {  	s7 =	sadd.s32 $0x28A0, s5;
	[sflag:s24] =	ssyncadd.s32 $0xFFFFFB00  }
0xaf: {  	[spmem:s1] =	stream.indirect.scatter.add.f32 [tilespmem:s16], [sflag:$0x6], $0x10, s7, s15, $0xb8;
	[tilespmem:$0xB630] =	vst v63  }
0xb0: {  	_ =	swait.ge [sflag:s26], $0x500  }
0xb1: {  	[sflag:s26] =	ssyncset.done $0x0  }
0xb2: {  	[sflag:s26] =	ssyncadd.s32 $0xFFFFFB00  }
0xb3: {  	_ =	swait.ge [sflag:s29], $0x500  }
0xb4: {  	[sflag:s29] =	ssyncset.done $0x0  }
0xb5: {  	s7 =	sadd.s32 $0x28F0, s5;
	[sflag:s29] =	ssyncadd.s32 $0xFFFFFB00  }
0xb6: {  	[spmem:s1] =	stream.indirect.scatter.add.f32 [tilespmem:s17], [sflag:$0x7], $0x10, s7, s15, $0xb8;
	[tilespmem:$0xB630] =	vst v63  }
0xb7: {  	_ =	swait.ge [sflag:s31], $0x500  }
0xb8: {  	[sflag:s31] =	ssyncset.done $0x0  }
0xb9: {  	[sflag:s31] =	ssyncadd.s32 $0xFFFFFB00  }
0xba: {  	_ =	swait.ge [sflag:s18], $0x500  }
0xbb: {  	[sflag:s18] =	ssyncset.done $0x0  }
0xbc: {  	s7 =	sadd.s32 $0x2940, s5;
	[sflag:s18] =	ssyncadd.s32 $0xFFFFFB00  }
0xbd: {  	[spmem:s1] =	stream.indirect.scatter.add.f32 [tilespmem:s19], [sflag:$0x8], $0x10, s7, s15, $0xb8;
	[tilespmem:$0xB630] =	vst v63  }
0xbe: {  	_ =	swait.ge [sflag:s22], $0x500  }
0xbf: {  	[sflag:s22] =	ssyncset.done $0x0  }
0xc0: {  	[sflag:s22] =	ssyncadd.s32 $0xFFFFFB00  }
0xc1: {  	_ =	swait.ge [sflag:s30], $0x500  }
0xc2: {  	[sflag:s30] =	ssyncset.done $0x0  }
0xc3: {  	s7 =	sadd.s32 $0x2990, s5;
	[sflag:s30] =	ssyncadd.s32 $0xFFFFFB00  }
0xc4: {  	[spmem:s1] =	stream.indirect.scatter.add.f32 [tilespmem:s21], [sflag:$0x9], $0x10, s7, s15, $0xb8;
	[tilespmem:$0xB630] =	vst v63  }
0xc5: {  	_ =	swait.ge [sflag:s20], $0x500  }
0xc6: {  	[sflag:s20] =	ssyncset.done $0x0  }
0xc7: {  	[sflag:s20] =	ssyncadd.s32 $0xFFFFFB00  }
0xc8: {  	_ =	swait.ge [sflag:s0], $0x500  }
0xc9: {  	[sflag:s0] =	ssyncset.done $0x0  }
0xca: {  	s5 =	sadd.s32 $0x29E0, s5;
	[sflag:s0] =	ssyncadd.s32 $0xFFFFFB00  }
0xcb: {  	[spmem:s1] =	stream.indirect.scatter.add.f32 [tilespmem:s23], [sflag:$0xA], $0x10, s5, s15, $0xb8;
	[tilespmem:$0xB630] =	vst v63  }
0xcc: {  	_ =	swait.ge [sflag:s28], $0x500  }
0xcd: {  	s4 =	sadd.s32 $0x1, s4;
	[sflag:s28] =	ssyncset.done $0x0  }
0xce: {  	p1 =	sne.s32 s4, s9;
	[sflag:s28] =	ssyncadd.s32 $0xFFFFFB00  }
.Ltmp1:
0xcf: {  	[bflag:$0x0] =	sbarrier.arrive $0xFFFF;
	(pc) =	sbr.rel @p1 .LBB2_1-.Ltmp1, $4  }
0xd0: {  	[hbm:s8], [sflag:s11] =	dma.local [spmem:s25], $0x500  }
0xd1: {  	_ =	swait.ge [sflag:s13], $0x500  }
0xd2: {  	[sflag:s13] =	ssyncset.done $0x0  }
0xd3: {  	[sflag:s13] =	ssyncadd.s32 $0xFFFFFB00  }
0xd4: {  	_ =	sfence.sel $0x180000  }
0xd5: {  	[bflag:$0x0] =	sbarrier.arrive $0xFFFF  }
0xd6: {  	_ =	strace $0x9000004D  }
0xd7: {  	[bflag:$0x2] =	sbarrier.arrive $0xFFFF  }
0xd8: {  	s0 =	rddreg [dreg:$0x4]  }
0xd9: {  	s0 =	sadd.s32 @!p0 $0x100000, s0  }
0xda: {  	[sflag:s0] =	ssyncadd.tile.s32 @!p0 $0x1;
	_ =	shalt  }
.Lfunc_end2:
_tile_overlayer_lowered:
.L_overlay_start_2:
0xdb: {  	(tag) =	ssettag $0x2  }
0xdc: {  	s0 =	rddreg [dreg:$0x0];
	s2 =	stileid.u32  }
0xdd: {  	s1 =	rddreg [dreg:$0x1];
	p0 =	sne.s32 s2, $0x0  }
0xde: {  	s3 =	rddreg [dreg:$0x2];
	[bflag:$0x3] =	sbarrier.arrive $0xFFFF;
	s2 =	simm.s32 @!p0 $0x1C0B  }
0xdf: {  	[timem:s3], [sflag:s2] =	dma.local @!p0 [hbm:s0], s1  }
0xe0: {  	s0 =	simm.s32 @!p0 $0xB  }
0xe1: {  	_ =	swait.ge @!p0 [sflag:s0], s1  }
0xe2: {  	s1 =	ssub.s32 @!p0 $0x0, s1;
	[sflag:s0] =	ssyncset.done @!p0 $0x0  }
0xe3: {  	[sflag:s0] =	ssyncadd.s32 @!p0 s1  }
0xe4: {  	[bflag:$0x3] =	sbarrier.arrive $0xFFFF  }
0xe5: {  	_ =	shalt  }

// kernel: kernel.19.cloned.1.call-start
scs
__scs_entry_jumppad:
0x0: {  	(pc) =	sbr.rel $0x88, $3  }
0x1: {  	(tag) =	ssettag $0x0;
	lr =	simm.s32 $0x1  }
0x2: {  	[smem:$0x3F98] =	sst lr;
	_ =	strace $0xD0000000  }
0x3: {  	_ = 	snop  }
0x4: {  	_ = 	snop  }
0x5: {  	_ = 	snop  }
0x6: {  	_ = 	snop  }
0x7: {  	_ = 	snop  }
__scs_overlays_trampoline_lowered:
0x8: {  	[smem:$0x3FA7] =	sst s0  }
0x9: {  	[smem:$0x3FA8] =	sst s1  }
0xa: {  	[smem:$0x3FA9] =	sst s2  }
0xb: {  	[smem:$0x3FAA] =	sst s3  }
0xc: {  	[smem:$0x3FAB] =	sst s4  }
0xd: {  	[smem:$0x3FAC] =	sst s5  }
0xe: {  	[smem:$0x3FAD] =	sst s6  }
0xf: {  	[smem:$0x3FAE] =	sst s7  }
0x10: {  	[smem:$0x3FAF] =	sst s8  }
0x11: {  	[smem:$0x3FB0] =	sst s9;
	s0 =	simm.s32 @!p0 $0x0  }
0x12: {  	s1 =	sld [smem:$0x3F96];
	s0 =	simm.s32 @p0 $0x1  }
0x13: {  	[smem:$0x3FB1] =	sst s0;
	s0 =	simm.s32 @!p1 $0x0  }
0x14: {  	s2 =	sld [smem:$0x3F95];
	s0 =	simm.s32 @p1 $0x1  }
0x15: {  	[smem:$0x3FB2] =	sst s0;
	s0 =	simm.s32 @!p2 $0x0  }
0x16: {  	s3 =	sld [smem:$0x3FDB];
	s0 =	simm.s32 @p2 $0x1  }
0x17: {  	s4 =	simm.s32 $0x1BF5;
	[smem:$0x3FB4] =	sst s0  }
0x18: {  	s0 =	sld [smem:$0x3F97];
	_ =	swait.ge [sflag:s4], $0x0  }
0x19: {  	s7 =	sld [smem:$0x3F98]  }
0x1a: {  	s8 =	sadd.s32 $0xFFFFE003, lr  }
0x1b: {  	s9 =	sadd.s32 $0xFFFFFEF7, lr;
	s5 =	simm.s32 $0xFFFFFFFF;
	p2 =	slt.u32 s8, $0xFFFFF086  }
0x1c: {  	p1 =	slt.u32 s9, $0xF7A;
	s5 =	simm.s32 @!p2 $0x0  }
0x1d: {  	s5 =	simm.s32 @p1 $0x1;
	p0 =	seq.s32 s7, s2  }
0x1e: {  	s7 =	smul.u32 @!p0 $0xF7A, s2;
	p2 =	seq.s32 @!p0 s5, $0x0  }
0x1f: {  	s9 =	smul.u32 $0xF7A, s1;
	s8 =	simm.s32 @!p0 $0x1BF5;
	p2 =	por !p2, p0  }
0x20: {  	[sflag:s8] =	ssyncset.s32 @!p0 $0xFFFFF086;
	s6 =	sadd.s32 @!p0 s3, s7;
	s7 =	simm.s32 @!p0 $0x108  }
0x21: {  	s3 =	sadd.s32 s3, s9;
	s6 =	sadd.s32 @!p0 $0x88, s6;
	s7 =	simm.s32 @p2 $0x1082  }
0x22: {  	[simem:s7], [sflag:s8] =	dma.local @!p0 [hbm:s6], $0xF7A  }
0x23: {  	s9 =	sor.u32 $0xD0000000, s2;
	s6 =	simm.s32 $0x108;
	_ =	swait.ge @!p0 [sflag:s8], $0x0  }
0x24: {  	s3 =	sadd.s32 $0x88, s3;
	s6 =	simm.s32 @!p1 $0x1082;
	[sflag:s4] =	ssyncset.s32 $0xFFFFF086  }
0x25: {  	[simem:s6], [sflag:s4] =	dma.local [hbm:s3], $0xF7A  }
0x26: {  	[smem:$0x3F98] =	sst s1;
	(tag) =	ssettag s2;
	_ =	strace s9  }
0x27: {  	s1 =	sld [smem:$0x3FA8]  }
0x28: {  	s2 =	sld [smem:$0x3FA9]  }
0x29: {  	s4 =	sld [smem:$0x3FAB]  }
0x2a: {  	p0 =	seq.s32 s5, $0x0;
	s5 =	sld [smem:$0x3FAC]  }
0x2b: {  	s6 =	sld [smem:$0x3FAD]  }
0x2c: {  	s7 =	sld [smem:$0x3FAE]  }
0x2d: {  	s3 =	simm.s32 $0x108;
	s8 =	sld [smem:$0x3FAF]  }
0x2e: {  	s3 =	simm.s32 @!p0 $0x1082;
	s9 =	sld [smem:$0x3FB0]  }
0x2f: {  	lr =	sadd.s32 s0, s3;
	s0 =	sld [smem:$0x3FA7]  }
0x30: {  	s3 =	sld [smem:$0x3FAA]  }
0x31: {  	[smem:$0x3FB3] =	sst s10  }
0x32: {  	s10 =	sld [smem:$0x3FB1];
	_ =	sdelay $0x3  }
0x33: {  	p0 =	seq.s32 s10, $0x1;
	s10 =	sld [smem:$0x3FB3];
	_ =	sdelay $0x3  }
0x34: {  	[smem:$0x3FB3] =	sst s10  }
0x35: {  	s10 =	sld [smem:$0x3FB2];
	_ =	sdelay $0x3  }
0x36: {  	p1 =	seq.s32 s10, $0x1;
	s10 =	sld [smem:$0x3FB3];
	_ =	sdelay $0x3  }
0x37: {  	[smem:$0x3FB3] =	sst s10  }
0x38: {  	s10 =	sld [smem:$0x3FB4]  }
0x39: {  	_ = 	snop;
	(pc) =	sbr.ind lr, $3  }
0x3a: {  	_ = 	snop  }
0x3b: {  	_ = 	snop  }
0x3c: {  	p2 =	seq.s32 s10, $0x1;
	s10 =	sld [smem:$0x3FB3]  }
0x3d: {  	_ =	shalt  }
0x3e: {  	_ =	shalt  }
0x3f: {  	_ =	shalt  }
0x40: {  	_ =	shalt  }
0x41: {  	_ =	shalt  }
0x42: {  	_ =	shalt  }
0x43: {  	_ =	shalt  }
0x44: {  	_ =	shalt  }
0x45: {  	_ =	shalt  }
0x46: {  	_ =	shalt  }
0x47: {  	_ =	shalt  }
0x48: {  	_ =	shalt  }
0x49: {  	_ =	shalt  }
0x4a: {  	_ =	shalt  }
0x4b: {  	_ =	shalt  }
0x4c: {  	_ =	shalt  }
0x4d: {  	_ =	shalt  }
0x4e: {  	_ =	shalt  }
0x4f: {  	_ =	shalt  }
0x50: {  	_ =	shalt  }
0x51: {  	_ =	shalt  }
0x52: {  	_ =	shalt  }
0x53: {  	_ =	shalt  }
0x54: {  	_ =	shalt  }
0x55: {  	_ =	shalt  }
0x56: {  	_ =	shalt  }
0x57: {  	_ =	shalt  }
0x58: {  	_ =	shalt  }
0x59: {  	_ =	shalt  }
0x5a: {  	_ =	shalt  }
0x5b: {  	_ =	shalt  }
0x5c: {  	_ =	shalt  }
0x5d: {  	_ =	shalt  }
0x5e: {  	_ =	shalt  }
0x5f: {  	_ =	shalt  }
0x60: {  	_ =	shalt  }
0x61: {  	_ =	shalt  }
0x62: {  	_ =	shalt  }
0x63: {  	_ =	shalt  }
0x64: {  	_ =	shalt  }
0x65: {  	_ =	shalt  }
0x66: {  	_ =	shalt  }
0x67: {  	_ =	shalt  }
0x68: {  	_ =	shalt  }
0x69: {  	_ =	shalt  }
0x6a: {  	_ =	shalt  }
0x6b: {  	_ =	shalt  }
0x6c: {  	_ =	shalt  }
0x6d: {  	_ =	shalt  }
0x6e: {  	_ =	shalt  }
0x6f: {  	_ =	shalt  }
0x70: {  	_ =	shalt  }
0x71: {  	_ =	shalt  }
0x72: {  	_ =	shalt  }
0x73: {  	_ =	shalt  }
0x74: {  	_ =	shalt  }
0x75: {  	_ =	shalt  }
0x76: {  	_ =	shalt  }
0x77: {  	_ =	shalt  }
0x78: {  	_ =	shalt  }
0x79: {  	_ =	shalt  }
0x7a: {  	_ =	shalt  }
0x7b: {  	_ =	shalt  }
0x7c: {  	_ =	shalt  }
0x7d: {  	_ =	shalt  }
0x7e: {  	_ =	shalt  }
0x7f: {  	_ =	shalt  }
0x80: {  	_ =	shalt  }
0x81: {  	_ =	shalt  }
0x82: {  	_ =	shalt  }
0x83: {  	_ =	shalt  }
0x84: {  	_ =	shalt  }
0x85: {  	_ =	shalt  }
0x86: {  	_ =	shalt  }
0x87: {  	_ =	shalt  }
.Lfunc_end0:
.L_simem_size_0:
called_computation.3_lowered:
.L_overlay_start_0:
0x88: {  	s2 =	sld [smem:$0x3FD9]  }
0x89: {  	s3 =	sld [smem:$0x3FFE];
	_ =	sdelay $0x1  }
0x8a: {  	s1 =	srdreg.scid  }
0x8b: {  	s0 =	sand.u32 $0x1, s1  }
0x8c: {  	s17 =	sshll.u32 s0, $0xA;
	s2 =	sadd.s32 s3, s2  }
0x8d: {  	s2 =	sadd.s32 s2, s17  }
0x8e: {  	[smem:$0x3FBF] =	sst s2  }
0x8f: {  	_ = 	snop  }
0x90: {  	s2 =	sld [smem:$0x3FC3]  }
0x91: {  	s18 =	sld [smem:$0x3FD0];
	(tm) =	ssettm $0x1  }
0x92: {  	s4 =	sld [smem:$0x3FFB];
	_ =	sdelay $0x3  }
0x93: {  	_ =	strace s4  }
0x94: {  	s4 =	sld [smem:$0x3FFC];
	_ =	sdelay $0x3  }
0x95: {  	_ =	strace s4  }
0x96: {  	s4 =	sld [smem:$0x3FFD];
	_ =	sdelay $0x3  }
0x97: {  	_ =	strace s4  }
0x98: {  	_ =	strace $0x8FFFFFFF  }
0x99: {  	s19 =	sld [smem:$0x3FDB];
	_ =	sdelay $0x1  }
0x9a: {  	s5 =	simm.s32 $_scs_section_size  }
0x9b: {  	s6 =	simm.s32 $_size__tile_overlayer_lowered;
	s7 =	simm.s32 $_tile_overlayer_lowered  }
0x9c: {  	s22 =	simm.s32 $0x1BFF;
	s21 =	sshll.u32 s7, $0x1;
	s4 =	sadd.s32 s5, s19  }
0x9d: {  	s8 =	simm.s32 $0x0;
	s20 =	sshll.u32 s6, $0x1;
	s6 =	sadd.s32 s21, s4  }
0x9e: {  	[timem:s8], [sflag:s22] =	dma.local [hbm:s6], s20  }
0x9f: {  	_ =	swait.ge [sflag:s22], s20  }
0xa0: {  	s5 =	ssub.s32 $0x0, s20;
	[sflag:s22] =	ssyncset.done $0x0  }
0xa1: {  	[sflag:s22] =	ssyncadd.s32 s5;
	_ =	sdelay $0x1  }
0xa2: {  	s23 =	simm.s32 $0x1B8B  }
0xa3: {  	_ =	swait.ge [sflag:s23], $0x1  }
0xa4: {  	[sflag:s23] =	ssyncset.done $0x0  }
0xa5: {  	s25 =	simm.s32 $0x1B8E;
	s24 =	sld [smem:$0x3FFE];
	[sflag:s23] =	ssyncadd.s32 $0xFFFFFFFF  }
0xa6: {  	s26 =	simm.s32 $execute0_lowered;
	[smem:$0x3FD2] =	sst s25  }
0xa7: {  	s6 =	sshll.u32 s26, $0x1;
	_ =	strace $0x8000004F;
	[dreg:$0x1] =	wrdreg $0xFFFFFFFF  }
0xa8: {  	s28 =	simm.s32 $_size_execute0_lowered;
	s4 =	sadd.s32 s4, s6;
	[dreg:$0x0] =	wrdreg $0x0  }
0xa9: {  	s6 =	sshll.u32 s28, $0x1;
	[dreg:$0x2] =	wrdreg s4  }
0xaa: {  	[dreg:$0x3] =	wrdreg s6  }
0xab: {  	[dreg:$0x4] =	wrdreg $0xC0  }
0xac: {  	_ =	task [dreg:s8], $0x5FFFF  }
0xad: {  	[dreg:$0x1] =	wrdreg $0xFFFFFFFF  }
0xae: {  	[dreg:$0x0] =	wrdreg $0x60  }
0xaf: {  	[dreg:$0x2] =	wrdreg s18  }
0xb0: {  	[dreg:$0x3] =	wrdreg s24  }
0xb1: {  	[dreg:$0x4] =	wrdreg s2  }
0xb2: {  	[dreg:$0x5] =	wrdreg $0x8F200  }
0xb3: {  	[dreg:$0x6] =	wrdreg $0x67200  }
0xb4: {  	[dreg:$0x7] =	wrdreg $0x9  }
0xb5: {  	_ =	task.clear_ibuf [dreg:s8], $0x8FFFF;
	_ =	strace $0x9000004F  }
0xb6: {  	s29 =	simm.s32 $0x9;
	_ =	strace $0x80000051  }
0xb7: {  	_ =	swait.ge [sflag:s29], $0x1  }
0xb8: {  	[sflag:s29] =	ssyncadd.s32 $0xFFFFFFFF  }
0xb9: {  	_ =	strace $0x90000051  }
0xba: {  	_ =	sfence  }
0xbb: {  	s30 =	sld [smem:$0x0];
	_ =	sdelay $0x2  }
0xbc: {  	s31 =	sshll.u32 s1, $0xD;
	s1 =	sshrl.u32 s1, $0x2  }
0xbd: {  	s3 =	sand.u32 $0x4000, s31;
	s1 =	sadd.s32 s1, s30  }
0xbe: {  	s0 =	sor.u32 s3, s0;
	s1 =	sshll.u32 s1, $0x11  }
0xbf: {  	s0 =	sor.u32 s1, s0  }
0xc0: {  	s0 =	sadd.s32 $0x8F2B, s0  }
0xc1: {  	[sflag:s0] =	ssyncadd.remote.s32 $0x1  }
0xc2: {  	_ =	sfence.sel $0xFFFF  }
0xc3: {  	[dreg:$0x0] =	wrdreg $0xFFFFFFFF;
	(pc) =	sbr.abs _section_cstart, $3  }
0xc4: {  	[dreg:$0x1] =	wrdreg $0xFFFFFFFF  }
0xc5: {  	_ =	task.clear_ibuf [dreg:s8], $0x2FFFF;
	_ =	strace $0x9FFFFFFF  }
0xc6: {  	(tm) =	ssettm $0x7FFFFFFF  }
0xc7: {  	_ =	shalt  }
tec
execute0_lowered:
.L_overlay_start_1:
0x0: {  	(tag) =	ssettag $0x1  }
0x1: {  	s0 =	rddreg [dreg:$0x0]  }
0x2: {  	s1 =	rddreg [dreg:$0x1]  }
0x3: {  	s2 =	rddreg [dreg:$0x3];
	s4 =	srdreg.scid  }
0x4: {  	s3 =	rddreg [dreg:$0x4];
	s12 =	stileid.u32;
	s5 =	simm.s32 $0x0  }
0x5: {  	s29 =	simm.s32 $0x50;
	s30 =	simm.s32 $0x4E20;
	s31 =	simm.s32 $0x5320  }
0x6: {  	s28 =	simm.s32 $0x6;
	s18 =	simm.s32 $0x2;
	s4 =	sand.u32 $0x1, s4  }
0x7: {  	s8 =	smul.u32 $0x2800, s12;
	[smem:$0x7FF] =	sst s5;
	s10 =	sadd.s32 $0x14E00, s1  }
0x8: {  	s20 =	smul.u32 $0x2700, s12;
	p0 =	sne.s32 s12, $0x0;
	p1 =	seq.s32 s12, $0xF  }
0x9: {  	s6 =	sshll.u32 s4, $0x4;
	_ =	strace $0x80000050;
	[dreg:$0x6] =	wrdreg s10  }
0xa: {  	s19 =	ssub.s32 $0x2, s4;
	s4 =	smul.u32 $0x27100, s4;
	s17 =	sshrl.u32 @!p0 s2, $0x3  }
0xb: {  	s6 =	sor.u32 s12, s6;
	s7 =	sshrl.u32 s8, $0x3;
	s11 =	sshrl.u32 s19, $0x1  }
0xc: {  	s26 =	sadd.s32 s8, s3;
	s8 =	simm.s32 $0x9;
	s6 =	smul.u32 $0x4E2, s6  }
0xd: {  	s9 =	sadd.s32 s7, s1;
	s7 =	sadd.s32 s0, s7;
	s10 =	ssub.s32 s19, s11  }
0xe: {  	s24 =	sadd.s32 s20, s4;
	s4 =	sshrl.u32 s4, $0x3;
	[dreg:$0xd] =	wrdreg s26  }
0xf: {  	s0 =	sadd.s32 s20, s2;
	s19 =	simm.s32 $0xB;
	s26 =	simm.s32 $0x2710  }
0x10: {  	s20 =	simm.s32 $0x5D20;
	s11 =	simm.s32 $0x0;
	[dreg:$0x7] =	wrdreg s7  }
0x11: {  	s7 =	sadd.s32 $0x5000, s7;
	s21 =	sadd.s32 $0x1EE00, s9;
	s22 =	sadd.s32 $0x23E00, s9  }
0x12: {  	s25 =	sshrl.u32 s24, $0x3;
	s16 =	smax.u32 s10, $0x1;
	[dreg:$0x8] =	wrdreg s7  }
0x13: {  	s9 =	simm.s32 $0x5;
	s6 =	sadd.s32 s6, s1;
	[dreg:$0x9] =	wrdreg s21  }
0x14: {  	s10 =	simm.s32 $0xA;
	[dreg:$0xa] =	wrdreg s22;
	s23 =	sadd.s32 $0xB000, s6  }
0x15: {  	s1 =	sadd.s32 $0x28E00, s1;
	s6 =	sadd.s32 $0x1200, s6;
	[dreg:$0xb] =	wrdreg s23  }
0x16: {  	s22 =	simm.s32 $0x6220;
	s21 =	simm.s32 $0x3;
	[dreg:$0xc] =	wrdreg s6  }
0x17: {  	s6 =	sadd.s32 s1, s25;
	s1 =	sadd.s32 s1, s4;
	s25 =	sshrl.u32 @!p1 s0, $0x3  }
0x18: {  	s23 =	simm.s32 $0x1;
	s0 =	simm.s32 $0x7;
	s4 =	simm.s32 $0x8  }
0x19: {  	[dreg:$0xe] =	wrdreg s6;
	s15 =	sadd.s32 $0x4920, s1;
	s1 =	sadd.s32 $0x24900, s2  }
0x1a: {  	s6 =	simm.s32 $0x4;
	s24 =	sshrl.u32 @p1 s1, $0x3;
	s1 =	simm.s32 $0x5820  }
.LBB2_1:
0x1b: {  	s12 =	simm.s32 @!p0 $0x1C0B;
	s7 =	rddreg [dreg:$0x6]  }
0x1c: {  	[spmem:s17], [sflag:s12] =	dma.local @!p0 [hbm:s7], $0x4E20  }
0x1d: {  	s12 =	simm.s32 @!p0 $0xB  }
0x1e: {  	_ =	swait.ge @!p0 [sflag:s12], $0x4E20  }
0x1f: {  	[sflag:s12] =	ssyncset.done @!p0 $0x0  }
0x20: {  	s14 =	simm.s32 $0xB630;
	s13 =	rddreg [dreg:$0x7];
	[sflag:s12] =	ssyncadd.s32 @!p0 $0xFFFFB1E0  }
0x21: {  	[tilespmem:s14], [sflag:$0xB] =	stream.linear.gather [hbm4b:s13+s5], $0x2800, $0x38;
	[tilespmem:$0x17E40] =	vst v63  }
0x22: {  	_ =	swait.ge [sflag:s19], $0x2800  }
0x23: {  	[sflag:s19] =	ssyncset.done $0x0  }
0x24: {  	s14 =	simm.s32 $0xDE30;
	s13 =	rddreg [dreg:$0x8];
	[sflag:s19] =	ssyncadd.s32 $0xFFFFD800  }
0x25: {  	[tilespmem:s14], [sflag:$0xB] =	stream.linear.gather [hbm4b:s13+s5], $0x2800, $0x38;
	[tilespmem:$0x17E40] =	vst v63  }
0x26: {  	_ =	swait.ge [sflag:s19], $0x2800  }
0x27: {  	[sflag:s19] =	ssyncset.done $0x0  }
0x28: {  	s14 =	simm.s32 $0x12E30;
	s13 =	rddreg [dreg:$0x9];
	[sflag:s19] =	ssyncadd.s32 $0xFFFFD800  }
0x29: {  	[tilespmem:s14], [sflag:$0xB] =	stream.linear.gather [hbm4b:s13+s5], $0x2800, $0x38;
	[tilespmem:$0x17E40] =	vst v63  }
0x2a: {  	_ =	swait.ge [sflag:s19], $0x2800  }
0x2b: {  	[sflag:s19] =	ssyncset.done $0x0  }
0x2c: {  	s14 =	simm.s32 $0x15630;
	s13 =	rddreg [dreg:$0xa];
	[sflag:s19] =	ssyncadd.s32 $0xFFFFD800  }
0x2d: {  	[tilespmem:s14], [sflag:$0xB] =	stream.linear.gather [hbm4b:s13+s5], $0x2800, $0x38;
	[tilespmem:$0x17E40] =	vst v63  }
0x2e: {  	_ =	swait.ge [sflag:s19], $0x2800  }
0x2f: {  	[sflag:s19] =	ssyncset.done $0x0  }
0x30: {  	[sflag:s19] =	ssyncadd.s32 $0xFFFFD800  }
0x31: {  	s14 =	simm.s32 $0x17E30;
	s13 =	rddreg [dreg:$0x2]  }
0x32: {  	[tilespmem:s14], [sflag:$0xB] =	stream.linear.gather [hbm4b:s13+s5], $0x10, $0x38;
	[tilespmem:$0x17E40] =	vst v63  }
0x33: {  	_ =	swait.ge [sflag:s19], $0x10  }
0x34: {  	[sflag:s19] =	ssyncset.done $0x0  }
0x35: {  	s13 =	rddreg [dreg:$0xb];
	[sflag:s19] =	ssyncadd.s32 $0xFFFFFFF0  }
0x36: {  	[tilespmem:s5], [sflag:$0xB] =	stream.linear.gather [hbm4b:s13+s5], $0x2710, $0x38;
	[tilespmem:$0x17E40] =	vst v63  }
0x37: {  	_ =	swait.ge [sflag:s19], $0x2710  }
0x38: {  	[sflag:s19] =	ssyncset.done $0x0  }
0x39: {  	s14 =	rddreg [dreg:$0xc];
	[sflag:s19] =	ssyncadd.s32 $0xFFFFD8F0  }
0x3a: {  	[tilespmem:s26], [sflag:$0xB] =	stream.linear.gather [hbm4b:s14+s5], $0x2710, $0x38;
	[tilespmem:$0x17E40] =	vst v63  }
0x3b: {  	_ =	swait.ge [sflag:s19], $0x2710  }
0x3c: {  	[sflag:s19] =	ssyncset.done $0x0  }
0x3d: {  	s12 =	simm.s32 $0x0;
	[sflag:s19] =	ssyncadd.s32 $0xFFFFD8F0  }
0x3e: {  	v1 =	vld [tilespmem:s12+$0xB630]  }
0x3f: {  	v2 =	vld [tilespmem:s12+$0xDE30];
	_ =	sdelay $0x1  }
0x40: {  	v4 =	vld [tilespmem:s12+$0x12E30];
	_ =	sdelay $0x1  }
0x41: {  	s13 =	simm.s32 $0x10;
	v0 =	vld [tilespmem:$0x17E30]  }
0x42: {  	v3 =	vld [tilespmem:s13+$0xDE30];
	v2 =	vadd.f32 v2, v1  }
0x43: {  	v1 =	vld [tilespmem:s13+$0xB630]  }
0x44: {  	v5 =	vmul.f32 v4, v2;
	v2 =	vld [tilespmem:s12+$0x15630]  }
0x45: {  	v4 =	vld [tilespmem:s13+$0x12E30]  }
0x46: {  	s14 =	simm.s32 $0x80;
	v5 =	vadd.f32 v5, v0  }
.LBB2_2:
0x47: {  	s7 =	sshra.s32 s14, $0x2;
	p2 =	sne.s32 s14, $0x9FC0  }
.Ltmp0:
0x48: {  	s14 =	sadd.s32 $0x40, s14;
	v6 =	vadd.f32 v3, v1;
	v1 =	vld [tilespmem:s7+$0xB630];
	v5 =	vmax.f32 v5, $0.0e+00;
	(pc) =	sbr.rel @p2 .LBB2_2-.Ltmp0, $4  }
0x49: {  	v3 =	vld [tilespmem:s7+$0xDE30];
	v5 =	vmul.f32 v5, v2  }
0x4a: {  	v6 =	vmul.f32 v4, v6;
	v2 =	vld [tilespmem:s13+$0x15630]  }
0x4b: {  	v4 =	vld [tilespmem:s7+$0x12E30];
	[tilespmem:s12+$0x10630] =	vst v5;
	s12 =	smov.u32 s13;
	s13 =	smov.u32 s7  }
0x4c: {  	v5 =	vadd.f32 v6, v0  }
0x4d: {  	_ = 	snop  }
0x4e: {  	v1 =	vadd.f32 v3, v1;
	_ =	sdelay $0x1  }
0x4f: {  	v62 =	vld [tilespmem:s13+$0x15630];
	v1 =	vmul.f32 v4, v1;
	_ =	sdelay $0x1  }
0x50: {  	v0 =	vadd.f32 v1, v0  }
0x51: {  	v63 =	vmax.f32 v5, $0.0e+00  }
0x52: {  	v1 =	vmul.f32 v63, v2;
	v0 =	vmax.f32 v0, $0.0e+00  }
0x53: {  	v0 =	vmul.f32 v0, v62  }
0x54: {  	[tilespmem:s12+$0x10630] =	vst v1  }
0x55: {  	s7 =	rddreg [dreg:$0xd];
	s14 =	simm.s32 $0x10630;
	[tilespmem:s13+$0x10630] =	vst v0  }
0x56: {  	[spmem:s7] =	stream.linear.scatter [tilespmem:s14], [sflag:$0xB], $0x2800, $0x38;
	[tilespmem:$0x17E40] =	vst v63  }
0x57: {  	_ =	swait.ge [sflag:s19], $0x2800  }
0x58: {  	[sflag:s19] =	ssyncset.done $0x0  }
0x59: {  	[sflag:s19] =	ssyncadd.s32 $0xFFFFD800  }
0x5a: {  	s12 =	simm.s32 $0x0;
	[bflag:$0x0] =	sbarrier.arrive $0xFFFF  }
0x5b: {  	[tilespmem:s30], [sflag:$0x1] =	stream.indirect.gather [spmem:s3], $0x10, s12, s29, $0xb8;
	[tilespmem:$0x17E40] =	vst v63  }
0x5c: {  	_ = 	snop  }
0x5d: {  	[tilespmem:s31], [sflag:$0x2] =	stream.indirect.gather [spmem:s3], $0x10, s29, s29, $0xb8;
	[tilespmem:$0x17E40] =	vst v63  }
0x5e: {  	s13 =	simm.s32 $0xA0  }
0x5f: {  	[tilespmem:s1], [sflag:$0x3] =	stream.indirect.gather [spmem:s3], $0x10, s13, s29, $0xb8;
	[tilespmem:$0x17E40] =	vst v63  }
0x60: {  	s14 =	simm.s32 $0xF0  }
0x61: {  	[tilespmem:s20], [sflag:$0x4] =	stream.indirect.gather [spmem:s3], $0x10, s14, s29, $0xb8;
	[tilespmem:$0x17E40] =	vst v63  }
0x62: {  	s12 =	simm.s32 $0x140  }
0x63: {  	[tilespmem:s22], [sflag:$0x5] =	stream.indirect.gather [spmem:s3], $0x10, s12, s29, $0xb8;
	[tilespmem:$0x17E40] =	vst v63  }
0x64: {  	_ =	swait.ge [sflag:s23], $0x500  }
0x65: {  	[sflag:s23] =	ssyncset.done $0x0  }
0x66: {  	[sflag:s23] =	ssyncadd.s32 $0xFFFFFB00  }
0x67: {  	[spmem:s2] =	stream.indirect.scatter.add.f32 [tilespmem:s30], [sflag:$0x6], $0x10, s26, s29, $0xb8;
	[tilespmem:$0x17E40] =	vst v63  }
0x68: {  	_ =	swait.ge [sflag:s28], $0x500  }
0x69: {  	[sflag:s28] =	ssyncset.done $0x0  }
0x6a: {  	s13 =	simm.s32 $0x190;
	[sflag:s28] =	ssyncadd.s32 $0xFFFFFB00  }
0x6b: {  	[tilespmem:s30], [sflag:$0x1] =	stream.indirect.gather [spmem:s3], $0x10, s13, s29, $0xb8;
	[tilespmem:$0x17E40] =	vst v63  }
0x6c: {  	_ =	swait.ge [sflag:s18], $0x500  }
0x6d: {  	[sflag:s18] =	ssyncset.done $0x0  }
0x6e: {  	s14 =	simm.s32 $0x2760;
	[sflag:s18] =	ssyncadd.s32 $0xFFFFFB00  }
0x6f: {  	[spmem:s2] =	stream.indirect.scatter.add.f32 [tilespmem:s31], [sflag:$0x7], $0x10, s14, s29, $0xb8;
	[tilespmem:$0x17E40] =	vst v63  }
0x70: {  	_ =	swait.ge [sflag:s0], $0x500  }
0x71: {  	[sflag:s0] =	ssyncset.done $0x0  }
0x72: {  	s12 =	simm.s32 $0x1E0;
	[sflag:s0] =	ssyncadd.s32 $0xFFFFFB00  }
0x73: {  	[tilespmem:s31], [sflag:$0x2] =	stream.indirect.gather [spmem:s3], $0x10, s12, s29, $0xb8;
	[tilespmem:$0x17E40] =	vst v63  }
0x74: {  	_ =	swait.ge [sflag:s21], $0x500  }
0x75: {  	[sflag:s21] =	ssyncset.done $0x0  }
0x76: {  	s13 =	simm.s32 $0x27B0;
	[sflag:s21] =	ssyncadd.s32 $0xFFFFFB00  }
0x77: {  	[spmem:s2] =	stream.indirect.scatter.add.f32 [tilespmem:s1], [sflag:$0x8], $0x10, s13, s29, $0xb8;
	[tilespmem:$0x17E40] =	vst v63  }
0x78: {  	_ =	swait.ge [sflag:s4], $0x500  }
0x79: {  	[sflag:s4] =	ssyncset.done $0x0  }
0x7a: {  	s14 =	simm.s32 $0x230;
	[sflag:s4] =	ssyncadd.s32 $0xFFFFFB00  }
0x7b: {  	[tilespmem:s1], [sflag:$0x3] =	stream.indirect.gather [spmem:s3], $0x10, s14, s29, $0xb8;
	[tilespmem:$0x17E40] =	vst v63  }
0x7c: {  	_ =	swait.ge [sflag:s6], $0x500  }
0x7d: {  	[sflag:s6] =	ssyncset.done $0x0  }
0x7e: {  	s12 =	simm.s32 $0x2800;
	[sflag:s6] =	ssyncadd.s32 $0xFFFFFB00  }
0x7f: {  	[spmem:s2] =	stream.indirect.scatter.add.f32 [tilespmem:s20], [sflag:$0x9], $0x10, s12, s29, $0xb8;
	[tilespmem:$0x17E40] =	vst v63  }
0x80: {  	_ =	swait.ge [sflag:s8], $0x500  }
0x81: {  	[sflag:s8] =	ssyncset.done $0x0  }
0x82: {  	s13 =	simm.s32 $0x280;
	[sflag:s8] =	ssyncadd.s32 $0xFFFFFB00  }
0x83: {  	[tilespmem:s20], [sflag:$0x4] =	stream.indirect.gather [spmem:s3], $0x10, s13, s29, $0xb8;
	[tilespmem:$0x17E40] =	vst v63  }
0x84: {  	_ =	swait.ge [sflag:s9], $0x500  }
0x85: {  	[sflag:s9] =	ssyncset.done $0x0  }
0x86: {  	s14 =	simm.s32 $0x2850;
	[sflag:s9] =	ssyncadd.s32 $0xFFFFFB00  }
0x87: {  	[spmem:s2] =	stream.indirect.scatter.add.f32 [tilespmem:s22], [sflag:$0xA], $0x10, s14, s29, $0xb8;
	[tilespmem:$0x17E40] =	vst v63  }
0x88: {  	_ =	swait.ge [sflag:s10], $0x500  }
0x89: {  	[sflag:s10] =	ssyncset.done $0x0  }
0x8a: {  	s12 =	simm.s32 $0x2D0;
	[sflag:s10] =	ssyncadd.s32 $0xFFFFFB00  }
0x8b: {  	[tilespmem:s22], [sflag:$0x5] =	stream.indirect.gather [spmem:s3], $0x10, s12, s29, $0xb8;
	[tilespmem:$0x17E40] =	vst v63  }
0x8c: {  	_ =	swait.ge [sflag:s23], $0x500  }
0x8d: {  	[sflag:s23] =	ssyncset.done $0x0  }
0x8e: {  	s13 =	simm.s32 $0x28A0;
	[sflag:s23] =	ssyncadd.s32 $0xFFFFFB00  }
0x8f: {  	[spmem:s2] =	stream.indirect.scatter.add.f32 [tilespmem:s30], [sflag:$0x6], $0x10, s13, s29, $0xb8;
	[tilespmem:$0x17E40] =	vst v63  }
0x90: {  	_ =	swait.ge [sflag:s28], $0x500  }
0x91: {  	[sflag:s28] =	ssyncset.done $0x0  }
0x92: {  	s14 =	simm.s32 $0x320;
	[sflag:s28] =	ssyncadd.s32 $0xFFFFFB00  }
0x93: {  	[tilespmem:s30], [sflag:$0x1] =	stream.indirect.gather [spmem:s3], $0x10, s14, s29, $0xb8;
	[tilespmem:$0x17E40] =	vst v63  }
0x94: {  	_ =	swait.ge [sflag:s18], $0x500  }
0x95: {  	[sflag:s18] =	ssyncset.done $0x0  }
0x96: {  	s12 =	simm.s32 $0x28F0;
	[sflag:s18] =	ssyncadd.s32 $0xFFFFFB00  }
0x97: {  	[spmem:s2] =	stream.indirect.scatter.add.f32 [tilespmem:s31], [sflag:$0x7], $0x10, s12, s29, $0xb8;
	[tilespmem:$0x17E40] =	vst v63  }
0x98: {  	_ =	swait.ge [sflag:s0], $0x500  }
0x99: {  	[sflag:s0] =	ssyncset.done $0x0  }
0x9a: {  	s13 =	simm.s32 $0x370;
	[sflag:s0] =	ssyncadd.s32 $0xFFFFFB00  }
0x9b: {  	[tilespmem:s31], [sflag:$0x2] =	stream.indirect.gather [spmem:s3], $0x10, s13, s29, $0xb8;
	[tilespmem:$0x17E40] =	vst v63  }
0x9c: {  	_ =	swait.ge [sflag:s21], $0x500  }
0x9d: {  	[sflag:s21] =	ssyncset.done $0x0  }
0x9e: {  	s14 =	simm.s32 $0x2940;
	[sflag:s21] =	ssyncadd.s32 $0xFFFFFB00  }
0x9f: {  	[spmem:s2] =	stream.indirect.scatter.add.f32 [tilespmem:s1], [sflag:$0x8], $0x10, s14, s29, $0xb8;
	[tilespmem:$0x17E40] =	vst v63  }
0xa0: {  	_ =	swait.ge [sflag:s4], $0x500  }
0xa1: {  	[sflag:s4] =	ssyncset.done $0x0  }
0xa2: {  	s12 =	simm.s32 $0x3C0;
	[sflag:s4] =	ssyncadd.s32 $0xFFFFFB00  }
0xa3: {  	[tilespmem:s1], [sflag:$0x3] =	stream.indirect.gather [spmem:s3], $0x10, s12, s29, $0xb8;
	[tilespmem:$0x17E40] =	vst v63  }
0xa4: {  	_ =	swait.ge [sflag:s6], $0x500  }
0xa5: {  	[sflag:s6] =	ssyncset.done $0x0  }
0xa6: {  	s13 =	simm.s32 $0x2990;
	[sflag:s6] =	ssyncadd.s32 $0xFFFFFB00  }
0xa7: {  	[spmem:s2] =	stream.indirect.scatter.add.f32 [tilespmem:s20], [sflag:$0x9], $0x10, s13, s29, $0xb8;
	[tilespmem:$0x17E40] =	vst v63  }
0xa8: {  	_ =	swait.ge [sflag:s8], $0x500  }
0xa9: {  	[sflag:s8] =	ssyncset.done $0x0  }
0xaa: {  	s14 =	simm.s32 $0x410;
	[sflag:s8] =	ssyncadd.s32 $0xFFFFFB00  }
0xab: {  	[tilespmem:s20], [sflag:$0x4] =	stream.indirect.gather [spmem:s3], $0x10, s14, s29, $0xb8;
	[tilespmem:$0x17E40] =	vst v63  }
0xac: {  	_ =	swait.ge [sflag:s9], $0x500  }
0xad: {  	[sflag:s9] =	ssyncset.done $0x0  }
0xae: {  	s12 =	simm.s32 $0x640;
	s13 =	simm.s32 $0x29E0;
	[sflag:s9] =	ssyncadd.s32 $0xFFFFFB00  }
.LBB2_4:
0xaf: {  	[spmem:s2] =	stream.indirect.scatter.add.f32 [tilespmem:s22], [sflag:$0xA], $0x10, s13, s29, $0xb8;
	[tilespmem:$0x17E40] =	vst v63  }
0xb0: {  	s7 =	smov.u32 s12;
	s12 =	sadd.s32 $0x640, s12;
	_ =	swait.ge [sflag:s10], $0x500  }
0xb1: {  	s13 =	sshra.s32 s7, $0x2;
	p2 =	sne.s32 s12, $0x8FC0;
	[sflag:s10] =	ssyncset.done $0x0  }
0xb2: {  	s7 =	sadd.s32 $0x2D0, s13;
	[sflag:s10] =	ssyncadd.s32 $0xFFFFFB00  }
0xb3: {  	[tilespmem:s22], [sflag:$0x5] =	stream.indirect.gather [spmem:s3], $0x10, s7, s29, $0xb8;
	[tilespmem:$0x17E40] =	vst v63  }
0xb4: {  	_ =	swait.ge [sflag:s23], $0x500  }
0xb5: {  	[sflag:s23] =	ssyncset.done $0x0  }
0xb6: {  	s7 =	sadd.s32 $0x28A0, s13;
	[sflag:s23] =	ssyncadd.s32 $0xFFFFFB00  }
0xb7: {  	[spmem:s2] =	stream.indirect.scatter.add.f32 [tilespmem:s30], [sflag:$0x6], $0x10, s7, s29, $0xb8;
	[tilespmem:$0x17E40] =	vst v63  }
0xb8: {  	_ =	swait.ge [sflag:s28], $0x500  }
0xb9: {  	[sflag:s28] =	ssyncset.done $0x0  }
0xba: {  	s7 =	sadd.s32 $0x320, s13;
	[sflag:s28] =	ssyncadd.s32 $0xFFFFFB00  }
0xbb: {  	[tilespmem:s30], [sflag:$0x1] =	stream.indirect.gather [spmem:s3], $0x10, s7, s29, $0xb8;
	[tilespmem:$0x17E40] =	vst v63  }
0xbc: {  	_ =	swait.ge [sflag:s18], $0x500  }
0xbd: {  	[sflag:s18] =	ssyncset.done $0x0  }
0xbe: {  	s7 =	sadd.s32 $0x28F0, s13;
	[sflag:s18] =	ssyncadd.s32 $0xFFFFFB00  }
0xbf: {  	[spmem:s2] =	stream.indirect.scatter.add.f32 [tilespmem:s31], [sflag:$0x7], $0x10, s7, s29, $0xb8;
	[tilespmem:$0x17E40] =	vst v63  }
0xc0: {  	_ =	swait.ge [sflag:s0], $0x500  }
0xc1: {  	[sflag:s0] =	ssyncset.done $0x0  }
0xc2: {  	s7 =	sadd.s32 $0x370, s13;
	[sflag:s0] =	ssyncadd.s32 $0xFFFFFB00  }
0xc3: {  	[tilespmem:s31], [sflag:$0x2] =	stream.indirect.gather [spmem:s3], $0x10, s7, s29, $0xb8;
	[tilespmem:$0x17E40] =	vst v63  }
0xc4: {  	_ =	swait.ge [sflag:s21], $0x500  }
0xc5: {  	[sflag:s21] =	ssyncset.done $0x0  }
0xc6: {  	s7 =	sadd.s32 $0x2940, s13;
	[sflag:s21] =	ssyncadd.s32 $0xFFFFFB00  }
0xc7: {  	[spmem:s2] =	stream.indirect.scatter.add.f32 [tilespmem:s1], [sflag:$0x8], $0x10, s7, s29, $0xb8;
	[tilespmem:$0x17E40] =	vst v63  }
0xc8: {  	_ =	swait.ge [sflag:s4], $0x500  }
0xc9: {  	[sflag:s4] =	ssyncset.done $0x0  }
0xca: {  	s7 =	sadd.s32 $0x3C0, s13;
	[sflag:s4] =	ssyncadd.s32 $0xFFFFFB00  }
0xcb: {  	[tilespmem:s1], [sflag:$0x3] =	stream.indirect.gather [spmem:s3], $0x10, s7, s29, $0xb8;
	[tilespmem:$0x17E40] =	vst v63  }
0xcc: {  	_ =	swait.ge [sflag:s6], $0x500  }
0xcd: {  	[sflag:s6] =	ssyncset.done $0x0  }
0xce: {  	s7 =	sadd.s32 $0x2990, s13;
	[sflag:s6] =	ssyncadd.s32 $0xFFFFFB00  }
0xcf: {  	[spmem:s2] =	stream.indirect.scatter.add.f32 [tilespmem:s20], [sflag:$0x9], $0x10, s7, s29, $0xb8;
	[tilespmem:$0x17E40] =	vst v63  }
0xd0: {  	_ =	swait.ge [sflag:s8], $0x500  }
0xd1: {  	[sflag:s8] =	ssyncset.done $0x0  }
.Ltmp1:
0xd2: {  	s7 =	sadd.s32 $0x410, s13;
	[sflag:s8] =	ssyncadd.s32 $0xFFFFFB00;
	(pc) =	sbr.rel @p2 .LBB2_4-.Ltmp1, $4  }
0xd3: {  	[tilespmem:s20], [sflag:$0x4] =	stream.indirect.gather [spmem:s3], $0x10, s7, s29, $0xb8;
	[tilespmem:$0x17E40] =	vst v63  }
0xd4: {  	_ =	swait.ge [sflag:s9], $0x500  }
0xd5: {  	[sflag:s9] =	ssyncset.done $0x0  }
0xd6: {  	s13 =	sadd.s32 $0x29E0, s13;
	[sflag:s9] =	ssyncadd.s32 $0xFFFFFB00  }
0xd7: {  	[spmem:s2] =	stream.indirect.scatter.add.f32 [tilespmem:s22], [sflag:$0xA], $0x10, s13, s29, $0xb8;
	[tilespmem:$0x17E40] =	vst v63  }
0xd8: {  	_ =	swait.ge [sflag:s10], $0x500  }
0xd9: {  	s7 =	sshra.s32 s12, $0x2;
	[sflag:s10] =	ssyncset.done $0x0  }
0xda: {  	s12 =	sadd.s32 $0x2D0, s7;
	[sflag:s10] =	ssyncadd.s32 $0xFFFFFB00  }
0xdb: {  	[tilespmem:s22], [sflag:$0x5] =	stream.indirect.gather [spmem:s3], $0x10, s12, s29, $0xb8;
	[tilespmem:$0x17E40] =	vst v63  }
0xdc: {  	_ =	swait.ge [sflag:s23], $0x500  }
0xdd: {  	[sflag:s23] =	ssyncset.done $0x0  }
0xde: {  	s13 =	sadd.s32 $0x28A0, s7;
	[sflag:s23] =	ssyncadd.s32 $0xFFFFFB00  }
0xdf: {  	[spmem:s2] =	stream.indirect.scatter.add.f32 [tilespmem:s30], [sflag:$0x6], $0x10, s13, s29, $0xb8;
	[tilespmem:$0x17E40] =	vst v63  }
0xe0: {  	_ =	swait.ge [sflag:s28], $0x500  }
0xe1: {  	[sflag:s28] =	ssyncset.done $0x0  }
0xe2: {  	[sflag:s28] =	ssyncadd.s32 $0xFFFFFB00  }
0xe3: {  	_ =	swait.ge [sflag:s18], $0x500  }
0xe4: {  	[sflag:s18] =	ssyncset.done $0x0  }
0xe5: {  	s14 =	sadd.s32 $0x28F0, s7;
	[sflag:s18] =	ssyncadd.s32 $0xFFFFFB00  }
0xe6: {  	[spmem:s2] =	stream.indirect.scatter.add.f32 [tilespmem:s31], [sflag:$0x7], $0x10, s14, s29, $0xb8;
	[tilespmem:$0x17E40] =	vst v63  }
0xe7: {  	_ =	swait.ge [sflag:s0], $0x500  }
0xe8: {  	[sflag:s0] =	ssyncset.done $0x0  }
0xe9: {  	[sflag:s0] =	ssyncadd.s32 $0xFFFFFB00  }
0xea: {  	_ =	swait.ge [sflag:s21], $0x500  }
0xeb: {  	[sflag:s21] =	ssyncset.done $0x0  }
0xec: {  	s13 =	sadd.s32 $0x2940, s7;
	[sflag:s21] =	ssyncadd.s32 $0xFFFFFB00  }
0xed: {  	[spmem:s2] =	stream.indirect.scatter.add.f32 [tilespmem:s1], [sflag:$0x8], $0x10, s13, s29, $0xb8;
	[tilespmem:$0x17E40] =	vst v63  }
0xee: {  	_ =	swait.ge [sflag:s4], $0x500  }
0xef: {  	[sflag:s4] =	ssyncset.done $0x0  }
0xf0: {  	[sflag:s4] =	ssyncadd.s32 $0xFFFFFB00  }
0xf1: {  	_ =	swait.ge [sflag:s6], $0x500  }
0xf2: {  	[sflag:s6] =	ssyncset.done $0x0  }
0xf3: {  	s14 =	sadd.s32 $0x2990, s7;
	[sflag:s6] =	ssyncadd.s32 $0xFFFFFB00  }
0xf4: {  	[spmem:s2] =	stream.indirect.scatter.add.f32 [tilespmem:s20], [sflag:$0x9], $0x10, s14, s29, $0xb8;
	[tilespmem:$0x17E40] =	vst v63  }
0xf5: {  	_ =	swait.ge [sflag:s8], $0x500  }
0xf6: {  	[sflag:s8] =	ssyncset.done $0x0  }
0xf7: {  	[sflag:s8] =	ssyncadd.s32 $0xFFFFFB00  }
0xf8: {  	_ =	swait.ge [sflag:s9], $0x500  }
0xf9: {  	[sflag:s9] =	ssyncset.done $0x0  }
0xfa: {  	s7 =	sadd.s32 $0x29E0, s7;
	[sflag:s9] =	ssyncadd.s32 $0xFFFFFB00  }
0xfb: {  	[spmem:s2] =	stream.indirect.scatter.add.f32 [tilespmem:s22], [sflag:$0xA], $0x10, s7, s29, $0xb8;
	[tilespmem:$0x17E40] =	vst v63  }
0xfc: {  	_ =	swait.ge [sflag:s10], $0x500  }
0xfd: {  	[sflag:s10] =	ssyncset.done $0x0  }
0xfe: {  	[sflag:s10] =	ssyncadd.s32 $0xFFFFFB00  }
0xff: {  	s7 =	simm.s32 @p1 $0x1FCB;
	[bflag:$0x0] =	sbarrier.arrive $0xFFFF  }
0x100: {  	[hbm:s15], [sflag:s7] =	dma.local @p1 [spmem:s24], $0x500  }
0x101: {  	s7 =	simm.s32 @p1 $0xB  }
0x102: {  	s11 =	sadd.s32 $0x1, s11;
	s12 =	stileid.u32;
	_ =	swait.ge @p1 [sflag:s7], $0x500  }
0x103: {  	p2 =	sne.s32 s11, s16;
	s12 =	sshll.u32 @!p1 s12, $0x6;
	[sflag:s7] =	ssyncset.done @p1 $0x0  }
0x104: {  	[sflag:s7] =	ssyncadd.s32 @p1 $0xFFFFFB00;
	s7 =	sor.u32 @!p1 $0x1C0B, s12;
	s12 =	rddreg [dreg:$0xe]  }
0x105: {  	[hbm:s12], [sflag:s7] =	dma.local @!p1 [spmem:s25], $0x4E0  }
.Ltmp2:
0x106: {  	_ = 	snop;
	(pc) =	sbr.rel @p2 .LBB2_1-.Ltmp2, $4  }
0x107: {  	s7 =	simm.s32 @!p1 $0xB  }
0x108: {  	_ =	swait.ge @!p1 [sflag:s7], $0x4E0  }
0x109: {  	[sflag:s7] =	ssyncset.done @!p1 $0x0  }
0x10a: {  	[sflag:s7] =	ssyncadd.s32 @!p1 $0xFFFFFB20  }
0x10b: {  	_ =	sfence.sel $0x180000  }
0x10c: {  	[bflag:$0x0] =	sbarrier.arrive $0xFFFF  }
0x10d: {  	_ =	strace $0x90000050  }
0x10e: {  	[bflag:$0x2] =	sbarrier.arrive $0xFFFF  }
0x10f: {  	s0 =	rddreg [dreg:$0x5]  }
0x110: {  	s0 =	sadd.s32 @!p0 $0x100000, s0  }
0x111: {  	[sflag:s0] =	ssyncadd.tile.s32 @!p0 $0x1;
	_ =	shalt  }
.Lfunc_end2:
_tile_overlayer_lowered:
.L_overlay_start_2:
0x112: {  	(tag) =	ssettag $0x2  }
0x113: {  	s0 =	rddreg [dreg:$0x0];
	s2 =	stileid.u32  }
0x114: {  	s1 =	rddreg [dreg:$0x1];
	p0 =	sne.s32 s2, $0x0  }
0x115: {  	s3 =	rddreg [dreg:$0x2];
	[bflag:$0x3] =	sbarrier.arrive $0xFFFF;
	s2 =	simm.s32 @!p0 $0x1C0B  }
0x116: {  	[timem:s3], [sflag:s2] =	dma.local @!p0 [hbm:s0], s1  }
0x117: {  	s0 =	simm.s32 @!p0 $0xB  }
0x118: {  	_ =	swait.ge @!p0 [sflag:s0], s1  }
0x119: {  	s1 =	ssub.s32 @!p0 $0x0, s1;
	[sflag:s0] =	ssyncset.done @!p0 $0x0  }
0x11a: {  	[sflag:s0] =	ssyncadd.s32 @!p0 s1  }
0x11b: {  	[bflag:$0x3] =	sbarrier.arrive $0xFFFF  }
0x11c: {  	_ =	shalt  }

</sc_bundles>
